<compile_context>
chip_gen: v7x
topology: tpu7x:2x2x1
jax: 0.10.2.dev20260603
libtpu: 0.0.44.dev20260713+nightly
codegen_flags: <defaults>
</compile_context>

<pallas_src>
import jax
import jax.numpy as jnp
from jax import lax
from jax.experimental import pallas as pl
from jax.experimental.pallas import tpu as pltpu
from jax.experimental.pallas import tpu_sc as plsc

_NUM_HEADS = 16
_NUM_BUCKETS = 32
_MAX_DISTANCE = 50000
_S = 2048
_NC = 2
_NS = 16
_NW = _NC * _NS
_ROWS_PER_W = _S // _NW
_LANES = 16
_VECS_PER_ROW = _S // _LANES
_NCELLS = 128
_CELL_BIAS = 1016


def _bucket_jnp(d):
    f = d.astype(jnp.float32)
    nz = f >= 1.0
    safe = jnp.where(nz, f, jnp.float32(1.0))
    lr = jnp.log(safe) / jnp.log(jnp.float32(_MAX_DISTANCE))
    lb = (lr * (_NUM_BUCKETS - 2)).astype(jnp.int32) + 1
    lb = jnp.clip(lb, 1, _NUM_BUCKETS - 1)
    return jnp.where(nz, lb, 0)


def _build_lut():
    cells = jnp.arange(_NCELLS, dtype=jnp.int32)
    dstart = jnp.ceil(
        lax.bitcast_convert_type((cells + _CELL_BIAS) << 20, jnp.float32)
    ).astype(jnp.int32)
    dend = jnp.concatenate([dstart[1:], jnp.array([65536], dtype=jnp.int32)])
    b0 = _bucket_jnp(dstart)
    delta = _bucket_jnp(dend - 1) - b0
    lo, hi = dstart, dend
    for _ in range(13):
        cont = lo < hi
        mid = (lo + hi) >> 1
        pred = _bucket_jnp(mid) > b0
        hi = jnp.where(cont & pred, mid, hi)
        lo = jnp.where(cont & jnp.logical_not(pred), mid + 1, lo)
    entry = lo | (b0 << 17) | (delta << 22)
    return jnp.where(cells == 0, 1 | (1 << 22), entry)


def _sc_body(dist_hbm, lut_hbm, tbl_hbm, out_hbm, lut_v, tbl_v, din_v, dout_v,
             sem_in0, sem_in1, sem_out0, sem_out1):
    wid = lax.axis_index("s") * _NC + lax.axis_index("c")
    row0 = wid * _ROWS_PER_W
    sem_in = (sem_in0, sem_in1)
    sem_out = (sem_out0, sem_out1)
    pltpu.sync_copy(lut_hbm, lut_v)
    pltpu.sync_copy(tbl_hbm, tbl_v)

    def compute_row(slot):
        @plsc.parallel_loop(0, _VECS_PER_ROW, 1, unroll=8)
        def vec_body(j):
            off = j * _LANES
            d = din_v[slot, pl.ds(off, _LANES)]
            bits = lax.bitcast_convert_type(d.astype(jnp.float32), jnp.int32)
            cell = jnp.clip((bits >> 20) - _CELL_BIAS, 0, _NCELLS - 1)
            e = plsc.load_gather(lut_v, [cell])
            thr = e & 0x1FFFF
            base = (e >> 17) & 31
            delta = e >> 22
            b = base + jnp.where(d >= thr, delta, jnp.zeros_like(delta))
            for h in range(_NUM_HEADS):
                v = plsc.load_gather(tbl_v.at[h], [b])
                dout_v[slot, h, pl.ds(off, _LANES)] = v

    for b in range(2):
        pltpu.async_copy(dist_hbm.at[row0 + b], din_v.at[b], sem_in[b])

    def pair_body(p, carry):
        for b in range(2):
            row = row0 + p * 2 + b
            pltpu.make_async_copy(dist_hbm.at[row], din_v.at[b],
                                  sem_in[b]).wait()

            @pl.when(p > 0)
            def _drain():
                pltpu.make_async_copy(dout_v.at[b], out_hbm.at[:, row - 2],
                                      sem_out[b]).wait()

            compute_row(b)
            pltpu.async_copy(dout_v.at[b], out_hbm.at[:, row], sem_out[b])

            @pl.when(p * 2 + b + 2 < _ROWS_PER_W)
            def _next_in():
                pltpu.async_copy(dist_hbm.at[row + 2], din_v.at[b], sem_in[b])

        return carry

    lax.fori_loop(0, _ROWS_PER_W // 2, pair_body, 0)

    for b in range(2):
        row = row0 + _ROWS_PER_W - 2 + b
        pltpu.make_async_copy(dout_v.at[b], out_hbm.at[:, row],
                              sem_out[b]).wait()


@jax.jit
def _sc_call(dist, lut, tbl_t):
    fn = pl.kernel(
        _sc_body,
        out_type=jax.ShapeDtypeStruct((_NUM_HEADS, _S, _S), jnp.float32),
        mesh=plsc.VectorSubcoreMesh(
            core_axis_name="c", subcore_axis_name="s",
            num_cores=_NC, num_subcores=_NS,
        ),
        scratch_types=[
            pltpu.VMEM((_NCELLS,), jnp.int32),
            pltpu.VMEM((_NUM_HEADS, _NUM_BUCKETS), jnp.float32),
            pltpu.VMEM((2, _S), jnp.int32),
            pltpu.VMEM((2, _NUM_HEADS, _S), jnp.float32),
            pltpu.SemaphoreType.DMA,
            pltpu.SemaphoreType.DMA,
            pltpu.SemaphoreType.DMA,
            pltpu.SemaphoreType.DMA,
        ],
        compiler_params=pltpu.CompilerParams(needs_layout_passes=False),
    )
    return fn(dist, lut, tbl_t)


def kernel(distances, table):
    dist = distances.reshape(_S, _S)
    out = _sc_call(dist, _build_lut(), table.T)
    return out[None]

# --- scband reference (transcript-rebuilt; emitter-appended) ---
"""Pipeline reference for scband-relative-pos-attn-bias-2903397892821 (READ-ONLY COPY).

The authoritative reference and input builder live on the scoring server;
editing this copy changes nothing except your own understanding.
"""

import jax, jax.numpy as jnp
import numpy as np

NUM_HEADS = 16
NUM_BUCKETS = 32
MAX_DISTANCE = 50000


def setup_inputs(seed: int = 0) -> dict:
    key = jax.random.key(seed)
    k1, k2 = jax.random.split(key)
    distances = jax.random.randint(k1, (1, 2048, 2048), 0, MAX_DISTANCE, dtype=jnp.int32)
    table = jax.random.normal(k2, (NUM_BUCKETS, NUM_HEADS), dtype=jnp.float32) * 0.02
    return {"distances": distances, "table": table}


def _relative_position_bucket(distances):
    abs_dist = jnp.abs(distances).astype(jnp.float32)
    nonzero = abs_dist >= 1.0
    safe = jnp.where(nonzero, abs_dist, 1.0)
    log_ratio = jnp.log(safe) / jnp.log(jnp.float32(MAX_DISTANCE))
    # torch .long() truncates toward zero; log_ratio >= 0 here so int cast matches
    log_buckets = (log_ratio * (NUM_BUCKETS - 2)).astype(jnp.int32) + 1
    log_buckets = jnp.clip(log_buckets, 1, NUM_BUCKETS - 1)
    return jnp.where(nonzero, log_buckets, 0)


def reference(distances, table):
    # distances: (B, S, S) int; table: (num_buckets, num_heads)
    buckets = _relative_position_bucket(distances)          # (B, S, S) int32
    bias = jnp.take(table, buckets, axis=0)                  # (B, S, S, H) gather
    return jnp.transpose(bias, (0, 3, 1, 2))                 # (B, H, S, S)

if __name__ == "__main__":
    import jax
    _d = setup_inputs()
    print(jax.jit(kernel)(*tuple(_d.values())))

</pallas_src>

<mosaic_0001>
#map = affine_map<(d0, d1) -> (0, 0)>
#map1 = affine_map<(d0, d1) -> (0)>
#map2 = affine_map<(d0, d1) -> (0, 0, 0)>
module attributes {stable_mosaic.version = 14 : i64} {
  func.func @_sc_body(%arg0: i32, %arg1: i32, %arg2: memref<2048x2048xi32, #tpu.memory_space<hbm>>, %arg3: memref<128xi32, #tpu.memory_space<hbm>>, %arg4: memref<16x32xf32, #tpu.memory_space<hbm>>, %arg5: memref<16x2048x2048xf32, #tpu.memory_space<hbm>>, %arg6: memref<128xi32, #tpu.memory_space<vmem>>, %arg7: memref<16x32xf32, #tpu.memory_space<vmem>>, %arg8: memref<2x2048xi32, #tpu.memory_space<vmem>>, %arg9: memref<2x16x2048xf32, #tpu.memory_space<vmem>>, %arg10: memref<!tpu.dma_semaphore, #tpu.memory_space<semaphore_mem>>, %arg11: memref<!tpu.dma_semaphore, #tpu.memory_space<semaphore_mem>>, %arg12: memref<!tpu.dma_semaphore, #tpu.memory_space<semaphore_mem>>, %arg13: memref<!tpu.dma_semaphore, #tpu.memory_space<semaphore_mem>>) attributes {dimension_semantics = [#tpu.dimension_semantics<core_parallel>, #tpu.dimension_semantics<subcore_parallel>], iteration_bounds = array<i64: 2, 16>, scalar_prefetch = 0 : i64, scratch_operands = 8 : i64, tpu.core_type = #tpu.core_type<sc_vector_subcore>, window_params = [{transform_indices = #map}, {transform_indices = #map1}, {transform_indices = #map}, {transform_indices = #map2}]} {
    %mul3A = arith.constant 2 : i32
    %mul3A_0 = arith.muli %arg1, %mul3A : i32
    %add3A = arith.addi %mul3A_0, %arg0 : i32
    %mul3A_1 = arith.constant 64 : i32
    %mul3A_2 = arith.muli %add3A, %mul3A_1 : i32
    "tpu.region"() ({
      %run_scoped3A = tpu.sem_alloc : memref<!tpu.dma_semaphore, #tpu.memory_space<semaphore_mem>>
      tpu.enqueue_dma source(%arg3 : memref<128xi32, #tpu.memory_space<hbm>>) target(%arg6 : memref<128xi32, #tpu.memory_space<vmem>>) target_semaphore(%run_scoped3A : memref<!tpu.dma_semaphore, #tpu.memory_space<semaphore_mem>>)
      tpu.wait_dma2 semaphore(%run_scoped3A : memref<!tpu.dma_semaphore, #tpu.memory_space<semaphore_mem>>) src(%arg3 : memref<128xi32, #tpu.memory_space<hbm>>) dst(%arg6 : memref<128xi32, #tpu.memory_space<vmem>>)
      tpu.yield
    }) : () -> ()
    "tpu.region"() ({
      %run_scoped3A = tpu.sem_alloc : memref<!tpu.dma_semaphore, #tpu.memory_space<semaphore_mem>>
      tpu.enqueue_dma source(%arg4 : memref<16x32xf32, #tpu.memory_space<hbm>>) target(%arg7 : memref<16x32xf32, #tpu.memory_space<vmem>>) target_semaphore(%run_scoped3A : memref<!tpu.dma_semaphore, #tpu.memory_space<semaphore_mem>>)
      tpu.wait_dma2 semaphore(%run_scoped3A : memref<!tpu.dma_semaphore, #tpu.memory_space<semaphore_mem>>) src(%arg4 : memref<16x32xf32, #tpu.memory_space<hbm>>) dst(%arg7 : memref<16x32xf32, #tpu.memory_space<vmem>>)
      tpu.yield
    }) : () -> ()
    %add3A_3 = arith.constant 0 : i32
    %add3A_4 = arith.addi %mul3A_2, %add3A_3 : i32
    %dma_start3A = arith.constant 0 : i32
    %dma_start3A_5 = arith.constant 0 : i32
    %dma_start3A_6 = tpu.memref_slice %arg8[%dma_start3A, %dma_start3A_5] : memref<2x2048xi32, #tpu.memory_space<vmem>> -> memref<1x2048xi32, #tpu.memory_space<vmem>>
    %dma_start3A_7 = tpu.memref_squeeze %dma_start3A_6 : memref<1x2048xi32, #tpu.memory_space<vmem>> -> memref<2048xi32, #tpu.memory_space<vmem>>
    %dma_start3A_8 = arith.constant 0 : i32
    %dma_start3A_9 = tpu.memref_slice %arg2[%add3A_4, %dma_start3A_8] : memref<2048x2048xi32, #tpu.memory_space<hbm>> -> memref<1x2048xi32, #tpu.memory_space<hbm>>
    %dma_start3A_10 = tpu.memref_squeeze %dma_start3A_9 : memref<1x2048xi32, #tpu.memory_space<hbm>> -> memref<2048xi32, #tpu.memory_space<hbm>>
    %dma_start3A_11 = arith.constant 0 : i32
    %dma_start3A_12 = tpu.memref_slice %arg8[%dma_start3A, %dma_start3A_11] : memref<2x2048xi32, #tpu.memory_space<vmem>> -> memref<1x2048xi32, #tpu.memory_space<vmem>>
    %dma_start3A_13 = tpu.memref_squeeze %dma_start3A_12 : memref<1x2048xi32, #tpu.memory_space<vmem>> -> memref<2048xi32, #tpu.memory_space<vmem>>
    %dma_start3A_14 = arith.constant 0 : i32
    %dma_start3A_15 = tpu.memref_slice %arg2[%add3A_4, %dma_start3A_14] : memref<2048x2048xi32, #tpu.memory_space<hbm>> -> memref<1x2048xi32, #tpu.memory_space<hbm>>
    %dma_start3A_16 = tpu.memref_squeeze %dma_start3A_15 : memref<1x2048xi32, #tpu.memory_space<hbm>> -> memref<2048xi32, #tpu.memory_space<hbm>>
    tpu.enqueue_dma source(%dma_start3A_16 : memref<2048xi32, #tpu.memory_space<hbm>>) target(%dma_start3A_13 : memref<2048xi32, #tpu.memory_space<vmem>>) target_semaphore(%arg10 : memref<!tpu.dma_semaphore, #tpu.memory_space<semaphore_mem>>)
    %add3A_17 = arith.constant 1 : i32
    %add3A_18 = arith.addi %mul3A_2, %add3A_17 : i32
    %dma_start3A_19 = arith.constant 1 : i32
    %dma_start3A_20 = arith.constant 0 : i32
    %dma_start3A_21 = tpu.memref_slice %arg8[%dma_start3A_19, %dma_start3A_20] : memref<2x2048xi32, #tpu.memory_space<vmem>> -> memref<1x2048xi32, #tpu.memory_space<vmem>>
    %dma_start3A_22 = tpu.memref_squeeze %dma_start3A_21 : memref<1x2048xi32, #tpu.memory_space<vmem>> -> memref<2048xi32, #tpu.memory_space<vmem>>
    %dma_start3A_23 = arith.constant 0 : i32
    %dma_start3A_24 = tpu.memref_slice %arg2[%add3A_18, %dma_start3A_23] : memref<2048x2048xi32, #tpu.memory_space<hbm>> -> memref<1x2048xi32, #tpu.memory_space<hbm>>
    %dma_start3A_25 = tpu.memref_squeeze %dma_start3A_24 : memref<1x2048xi32, #tpu.memory_space<hbm>> -> memref<2048xi32, #tpu.memory_space<hbm>>
    %dma_start3A_26 = arith.constant 0 : i32
    %dma_start3A_27 = tpu.memref_slice %arg8[%dma_start3A_19, %dma_start3A_26] : memref<2x2048xi32, #tpu.memory_space<vmem>> -> memref<1x2048xi32, #tpu.memory_space<vmem>>
    %dma_start3A_28 = tpu.memref_squeeze %dma_start3A_27 : memref<1x2048xi32, #tpu.memory_space<vmem>> -> memref<2048xi32, #tpu.memory_space<vmem>>
    %dma_start3A_29 = arith.constant 0 : i32
    %dma_start3A_30 = tpu.memref_slice %arg2[%add3A_18, %dma_start3A_29] : memref<2048x2048xi32, #tpu.memory_space<hbm>> -> memref<1x2048xi32, #tpu.memory_space<hbm>>
    %dma_start3A_31 = tpu.memref_squeeze %dma_start3A_30 : memref<1x2048xi32, #tpu.memory_space<hbm>> -> memref<2048xi32, #tpu.memory_space<hbm>>
    tpu.enqueue_dma source(%dma_start3A_31 : memref<2048xi32, #tpu.memory_space<hbm>>) target(%dma_start3A_28 : memref<2048xi32, #tpu.memory_space<vmem>>) target_semaphore(%arg11 : memref<!tpu.dma_semaphore, #tpu.memory_space<semaphore_mem>>)
    %scan3A = arith.constant 0 : i32
    %scan3A_32 = arith.constant 0 : i32
    %scan3A_33 = arith.constant 32 : i32
    %scan3A_34 = arith.addi %scan3A_32, %scan3A_33 : i32
    %scan3A_35 = arith.constant 1 : i32
    scf.for %scan3A_81 = %scan3A_32 to %scan3A_34 step %scan3A_35  : i32 {
      %mul3A_82 = arith.constant 2 : i32
      %mul3A_83 = arith.muli %scan3A_81, %mul3A_82 : i32
      %add3A_84 = arith.addi %mul3A_2, %mul3A_83 : i32
      %add3A_85 = arith.constant 0 : i32
      %add3A_86 = arith.addi %add3A_84, %add3A_85 : i32
      %dma_wait3A_87 = arith.constant 0 : i32
      %dma_wait3A_88 = arith.constant 0 : i32
      %dma_wait3A_89 = tpu.memref_slice %arg8[%dma_wait3A_87, %dma_wait3A_88] : memref<2x2048xi32, #tpu.memory_space<vmem>> -> memref<1x2048xi32, #tpu.memory_space<vmem>>
      %dma_wait3A_90 = tpu.memref_squeeze %dma_wait3A_89 : memref<1x2048xi32, #tpu.memory_space<vmem>> -> memref<2048xi32, #tpu.memory_space<vmem>>
      %dma_wait3A_91 = arith.constant 0 : i32
      %dma_wait3A_92 = tpu.memref_slice %arg2[%add3A_86, %dma_wait3A_91] : memref<2048x2048xi32, #tpu.memory_space<hbm>> -> memref<1x2048xi32, #tpu.memory_space<hbm>>
      %dma_wait3A_93 = tpu.memref_squeeze %dma_wait3A_92 : memref<1x2048xi32, #tpu.memory_space<hbm>> -> memref<2048xi32, #tpu.memory_space<hbm>>
      %dma_wait3A_94 = arith.constant 0 : i32
      %dma_wait3A_95 = tpu.memref_slice %arg8[%dma_wait3A_87, %dma_wait3A_94] : memref<2x2048xi32, #tpu.memory_space<vmem>> -> memref<1x2048xi32, #tpu.memory_space<vmem>>
      %dma_wait3A_96 = tpu.memref_squeeze %dma_wait3A_95 : memref<1x2048xi32, #tpu.memory_space<vmem>> -> memref<2048xi32, #tpu.memory_space<vmem>>
      %dma_wait3A_97 = arith.constant 0 : i32
      %dma_wait3A_98 = tpu.memref_slice %arg2[%add3A_86, %dma_wait3A_97] : memref<2048x2048xi32, #tpu.memory_space<hbm>> -> memref<1x2048xi32, #tpu.memory_space<hbm>>
      %dma_wait3A_99 = tpu.memref_squeeze %dma_wait3A_98 : memref<1x2048xi32, #tpu.memory_space<hbm>> -> memref<2048xi32, #tpu.memory_space<hbm>>
      tpu.wait_dma2 semaphore(%arg10 : memref<!tpu.dma_semaphore, #tpu.memory_space<semaphore_mem>>) src(%dma_wait3A_99 : memref<2048xi32, #tpu.memory_space<hbm>>) dst(%dma_wait3A_96 : memref<2048xi32, #tpu.memory_space<vmem>>)
      %gt3A = arith.constant 0 : i32
      %gt3A_100 = arith.cmpi sgt, %scan3A_81, %gt3A : i32
      %convert_element_type3A = arith.extui %gt3A_100 : i1 to i32
      %cond3A = arith.constant 0 : i32
      %cond3A_101 = arith.cmpi ne, %convert_element_type3A, %cond3A : i32
      scf.if %cond3A_101 {
        %sub3A_185 = arith.constant 2 : i32
        %sub3A_186 = arith.subi %add3A_86, %sub3A_185 : i32
        %dma_wait3A_187 = arith.constant 0 : i32
        %dma_wait3A_188 = arith.constant 0 : i32
        %dma_wait3A_189 = arith.constant 0 : i32
        %dma_wait3A_190 = tpu.memref_slice %arg9[%dma_wait3A_187, %dma_wait3A_188, %dma_wait3A_189] : memref<2x16x2048xf32, #tpu.memory_space<vmem>> -> memref<1x16x2048xf32, #tpu.memory_space<vmem>>
        %dma_wait3A_191 = tpu.memref_squeeze %dma_wait3A_190 : memref<1x16x2048xf32, #tpu.memory_space<vmem>> -> memref<16x2048xf32, #tpu.memory_space<vmem>>
        %dma_wait3A_192 = arith.constant 0 : i32
        %dma_wait3A_193 = arith.constant 0 : i32
        %dma_wait3A_194 = tpu.memref_slice %arg5[%dma_wait3A_192, %sub3A_186, %dma_wait3A_193] : memref<16x2048x2048xf32, #tpu.memory_space<hbm>> -> memref<16x1x2048xf32, #tpu.memory_space<hbm>>
        %dma_wait3A_195 = tpu.memref_squeeze %dma_wait3A_194 : memref<16x1x2048xf32, #tpu.memory_space<hbm>> -> memref<16x2048xf32, #tpu.memory_space<hbm>>
        %dma_wait3A_196 = arith.constant 0 : i32
        %dma_wait3A_197 = arith.constant 0 : i32
        %dma_wait3A_198 = tpu.memref_slice %arg5[%dma_wait3A_196, %sub3A_186, %dma_wait3A_197] : memref<16x2048x2048xf32, #tpu.memory_space<hbm>> -> memref<16x1x2048xf32, #tpu.memory_space<hbm>>
        %dma_wait3A_199 = tpu.memref_squeeze %dma_wait3A_198 : memref<16x1x2048xf32, #tpu.memory_space<hbm>> -> memref<16x2048xf32, #tpu.memory_space<hbm>>
        %dma_wait3A_200 = arith.constant 0 : i32
        %dma_wait3A_201 = arith.constant 0 : i32
        %dma_wait3A_202 = tpu.memref_slice %arg9[%dma_wait3A_187, %dma_wait3A_200, %dma_wait3A_201] : memref<2x16x2048xf32, #tpu.memory_space<vmem>> -> memref<1x16x2048xf32, #tpu.memory_space<vmem>>
        %dma_wait3A_203 = tpu.memref_squeeze %dma_wait3A_202 : memref<1x16x2048xf32, #tpu.memory_space<vmem>> -> memref<16x2048xf32, #tpu.memory_space<vmem>>
        tpu.wait_dma2 semaphore(%arg12 : memref<!tpu.dma_semaphore, #tpu.memory_space<semaphore_mem>>) src(%dma_wait3A_203 : memref<16x2048xf32, #tpu.memory_space<vmem>>) dst(%dma_wait3A_199 : memref<16x2048xf32, #tpu.memory_space<hbm>>)
      } else {
      }
      %parallel_loop3A = arith.constant 0 : i32
      %parallel_loop3A_102 = arith.constant 128 : i32
      %parallel_loop3A_103 = arith.constant 1 : i32
      scf.for %parallel_loop3A_185 = %parallel_loop3A to %parallel_loop3A_102 step %parallel_loop3A_103  : i32 {
        %parallel_loop3A_186 = arith.constant 16 : i32
        %parallel_loop3A_187 = arith.muli %parallel_loop3A_185, %parallel_loop3A_186 : i32
        %parallel_loop3A_188 = arith.constant 0 : i32
        %parallel_loop3A_189 = arith.index_cast %parallel_loop3A_188 : i32 to index
        %parallel_loop3A_190 = arith.index_cast %parallel_loop3A_187 : i32 to index
        %parallel_loop3A_191 = tpu.vector_load %arg8[%parallel_loop3A_189, %parallel_loop3A_190] {strides = array<i32>} : memref<2x2048xi32, #tpu.memory_space<vmem>>, vector<16xi32>,
        %parallel_loop3A_192 = arith.sitofp %parallel_loop3A_191 : vector<16xi32> to vector<16xf32>
        %parallel_loop3A_193 = tpu.bitcast %parallel_loop3A_192 : vector<16xf32> -> vector<16xi32>
        %parallel_loop3A_194 = arith.constant 20 : i32
        %parallel_loop3A_195 = vector.broadcast %parallel_loop3A_194 : i32 to vector<16xi32>
        %parallel_loop3A_196 = arith.shrsi %parallel_loop3A_193, %parallel_loop3A_195 : vector<16xi32>
        %parallel_loop3A_197 = arith.constant 1016 : i32
        %parallel_loop3A_198 = vector.broadcast %parallel_loop3A_197 : i32 to vector<16xi32>
        %parallel_loop3A_199 = arith.subi %parallel_loop3A_196, %parallel_loop3A_198 : vector<16xi32>
        %parallel_loop3A_200 = arith.constant 0 : i32
        %parallel_loop3A_201 = arith.constant 127 : i32
        %parallel_loop3A_202 = vector.broadcast %parallel_loop3A_200 : i32 to vector<16xi32>
        %parallel_loop3A_203 = arith.maxsi %parallel_loop3A_202, %parallel_loop3A_199 : vector<16xi32>
        %parallel_loop3A_204 = vector.broadcast %parallel_loop3A_201 : i32 to vector<16xi32>
        %parallel_loop3A_205 = arith.minsi %parallel_loop3A_204, %parallel_loop3A_203 : vector<16xi32>
        %parallel_loop3A_206 = tpu.vector_load_idx %arg6[%parallel_loop3A_205] : memref<128xi32, #tpu.memory_space<vmem>>[vector<16xi32>], vector<16xi32>,
        %parallel_loop3A_207 = arith.constant 131071 : i32
        %parallel_loop3A_208 = vector.broadcast %parallel_loop3A_207 : i32 to vector<16xi32>
        %parallel_loop3A_209 = arith.andi %parallel_loop3A_206, %parallel_loop3A_208 : vector<16xi32>
        %parallel_loop3A_210 = arith.constant 17 : i32
        %parallel_loop3A_211 = vector.broadcast %parallel_loop3A_210 : i32 to vector<16xi32>
        %parallel_loop3A_212 = arith.shrsi %parallel_loop3A_206, %parallel_loop3A_211 : vector<16xi32>
        %parallel_loop3A_213 = arith.constant 31 : i32
        %parallel_loop3A_214 = vector.broadcast %parallel_loop3A_213 : i32 to vector<16xi32>
        %parallel_loop3A_215 = arith.andi %parallel_loop3A_212, %parallel_loop3A_214 : vector<16xi32>
        %parallel_loop3A_216 = arith.constant 22 : i32
        %parallel_loop3A_217 = vector.broadcast %parallel_loop3A_216 : i32 to vector<16xi32>
        %parallel_loop3A_218 = arith.shrsi %parallel_loop3A_206, %parallel_loop3A_217 : vector<16xi32>
        %parallel_loop3A_219 = arith.cmpi sge, %parallel_loop3A_191, %parallel_loop3A_209 : vector<16xi32>
        %parallel_loop3A_220 = arith.constant 0 : i32
        %parallel_loop3A_221 = vector.broadcast %parallel_loop3A_220 : i32 to vector<16xi32>
        %parallel_loop3A_222 = arith.select %parallel_loop3A_219, %parallel_loop3A_218, %parallel_loop3A_221 : vector<16xi1>, vector<16xi32>
        %parallel_loop3A_223 = arith.addi %parallel_loop3A_215, %parallel_loop3A_222 : vector<16xi32>
        %parallel_loop3A_224 = arith.constant 0 : i32
        %parallel_loop3A_225 = arith.constant 0 : i32
        %parallel_loop3A_226 = tpu.memref_slice %arg7[%parallel_loop3A_224, %parallel_loop3A_225] : memref<16x32xf32, #tpu.memory_space<vmem>> -> memref<1x32xf32, #tpu.memory_space<vmem>>
        %parallel_loop3A_227 = tpu.memref_squeeze %parallel_loop3A_226 : memref<1x32xf32, #tpu.memory_space<vmem>> -> memref<32xf32, #tpu.memory_space<vmem>>
        %parallel_loop3A_228 = tpu.vector_load_idx %parallel_loop3A_227[%parallel_loop3A_223] : memref<32xf32, #tpu.memory_space<vmem>>[vector<16xi32>], vector<16xf32>,
        %parallel_loop3A_229 = arith.constant 0 : i32
        %parallel_loop3A_230 = arith.constant 0 : i32
        %parallel_loop3A_231 = arith.index_cast %parallel_loop3A_229 : i32 to index
        %parallel_loop3A_232 = arith.index_cast %parallel_loop3A_230 : i32 to index
        %parallel_loop3A_233 = arith.index_cast %parallel_loop3A_187 : i32 to index
        %parallel_loop3A_234 = tpu.vector_load %arg9[%parallel_loop3A_231, %parallel_loop3A_232, %parallel_loop3A_233] {strides = array<i32>} : memref<2x16x2048xf32, #tpu.memory_space<vmem>>, vector<16xf32>,
        tpu.vector_store %arg9[%parallel_loop3A_231, %parallel_loop3A_232, %parallel_loop3A_233], %parallel_loop3A_228 {strides = array<i32>} : memref<2x16x2048xf32, #tpu.memory_space<vmem>>, vector<16xf32>,
        %parallel_loop3A_235 = arith.constant 1 : i32
        %parallel_loop3A_236 = arith.constant 0 : i32
        %parallel_loop3A_237 = tpu.memref_slice %arg7[%parallel_loop3A_235, %parallel_loop3A_236] : memref<16x32xf32, #tpu.memory_space<vmem>> -> memref<1x32xf32, #tpu.memory_space<vmem>>
        %parallel_loop3A_238 = tpu.memref_squeeze %parallel_loop3A_237 : memref<1x32xf32, #tpu.memory_space<vmem>> -> memref<32xf32, #tpu.memory_space<vmem>>
        %parallel_loop3A_239 = tpu.vector_load_idx %parallel_loop3A_238[%parallel_loop3A_223] : memref<32xf32, #tpu.memory_space<vmem>>[vector<16xi32>], vector<16xf32>,
        %parallel_loop3A_240 = arith.constant 0 : i32
        %parallel_loop3A_241 = arith.constant 1 : i32
        %parallel_loop3A_242 = arith.index_cast %parallel_loop3A_240 : i32 to index
        %parallel_loop3A_243 = arith.index_cast %parallel_loop3A_241 : i32 to index
        %parallel_loop3A_244 = arith.index_cast %parallel_loop3A_187 : i32 to index
        %parallel_loop3A_245 = tpu.vector_load %arg9[%parallel_loop3A_242, %parallel_loop3A_243, %parallel_loop3A_244] {strides = array<i32>} : memref<2x16x2048xf32, #tpu.memory_space<vmem>>, vector<16xf32>,
        tpu.vector_store %arg9[%parallel_loop3A_242, %parallel_loop3A_243, %parallel_loop3A_244], %parallel_loop3A_239 {strides = array<i32>} : memref<2x16x2048xf32, #tpu.memory_space<vmem>>, vector<16xf32>,
        %parallel_loop3A_246 = arith.constant 2 : i32
        %parallel_loop3A_247 = arith.constant 0 : i32
        %parallel_loop3A_248 = tpu.memref_slice %arg7[%parallel_loop3A_246, %parallel_loop3A_247] : memref<16x32xf32, #tpu.memory_space<vmem>> -> memref<1x32xf32, #tpu.memory_space<vmem>>
        %parallel_loop3A_249 = tpu.memref_squeeze %parallel_loop3A_248 : memref<1x32xf32, #tpu.memory_space<vmem>> -> memref<32xf32, #tpu.memory_space<vmem>>
        %parallel_loop3A_250 = tpu.vector_load_idx %parallel_loop3A_249[%parallel_loop3A_223] : memref<32xf32, #tpu.memory_space<vmem>>[vector<16xi32>], vector<16xf32>,
        %parallel_loop3A_251 = arith.constant 0 : i32
        %parallel_loop3A_252 = arith.constant 2 : i32
        %parallel_loop3A_253 = arith.index_cast %parallel_loop3A_251 : i32 to index
        %parallel_loop3A_254 = arith.index_cast %parallel_loop3A_252 : i32 to index
        %parallel_loop3A_255 = arith.index_cast %parallel_loop3A_187 : i32 to index
        %parallel_loop3A_256 = tpu.vector_load %arg9[%parallel_loop3A_253, %parallel_loop3A_254, %parallel_loop3A_255] {strides = array<i32>} : memref<2x16x2048xf32, #tpu.memory_space<vmem>>, vector<16xf32>,
        tpu.vector_store %arg9[%parallel_loop3A_253, %parallel_loop3A_254, %parallel_loop3A_255], %parallel_loop3A_250 {strides = array<i32>} : memref<2x16x2048xf32, #tpu.memory_space<vmem>>, vector<16xf32>,
        %parallel_loop3A_257 = arith.constant 3 : i32
        %parallel_loop3A_258 = arith.constant 0 : i32
        %parallel_loop3A_259 = tpu.memref_slice %arg7[%parallel_loop3A_257, %parallel_loop3A_258] : memref<16x32xf32, #tpu.memory_space<vmem>> -> memref<1x32xf32, #tpu.memory_space<vmem>>
        %parallel_loop3A_260 = tpu.memref_squeeze %parallel_loop3A_259 : memref<1x32xf32, #tpu.memory_space<vmem>> -> memref<32xf32, #tpu.memory_space<vmem>>
        %parallel_loop3A_261 = tpu.vector_load_idx %parallel_loop3A_260[%parallel_loop3A_223] : memref<32xf32, #tpu.memory_space<vmem>>[vector<16xi32>], vector<16xf32>,
        %parallel_loop3A_262 = arith.constant 0 : i32
        %parallel_loop3A_263 = arith.constant 3 : i32
        %parallel_loop3A_264 = arith.index_cast %parallel_loop3A_262 : i32 to index
        %parallel_loop3A_265 = arith.index_cast %parallel_loop3A_263 : i32 to index
        %parallel_loop3A_266 = arith.index_cast %parallel_loop3A_187 : i32 to index
        %parallel_loop3A_267 = tpu.vector_load %arg9[%parallel_loop3A_264, %parallel_loop3A_265, %parallel_loop3A_266] {strides = array<i32>} : memref<2x16x2048xf32, #tpu.memory_space<vmem>>, vector<16xf32>,
        tpu.vector_store %arg9[%parallel_loop3A_264, %parallel_loop3A_265, %parallel_loop3A_266], %parallel_loop3A_261 {strides = array<i32>} : memref<2x16x2048xf32, #tpu.memory_space<vmem>>, vector<16xf32>,
        %parallel_loop3A_268 = arith.constant 4 : i32
        %parallel_loop3A_269 = arith.constant 0 : i32
        %parallel_loop3A_270 = tpu.memref_slice %arg7[%parallel_loop3A_268, %parallel_loop3A_269] : memref<16x32xf32, #tpu.memory_space<vmem>> -> memref<1x32xf32, #tpu.memory_space<vmem>>
        %parallel_loop3A_271 = tpu.memref_squeeze %parallel_loop3A_270 : memref<1x32xf32, #tpu.memory_space<vmem>> -> memref<32xf32, #tpu.memory_space<vmem>>
        %parallel_loop3A_272 = tpu.vector_load_idx %parallel_loop3A_271[%parallel_loop3A_223] : memref<32xf32, #tpu.memory_space<vmem>>[vector<16xi32>], vector<16xf32>,
        %parallel_loop3A_273 = arith.constant 0 : i32
        %parallel_loop3A_274 = arith.constant 4 : i32
        %parallel_loop3A_275 = arith.index_cast %parallel_loop3A_273 : i32 to index
        %parallel_loop3A_276 = arith.index_cast %parallel_loop3A_274 : i32 to index
        %parallel_loop3A_277 = arith.index_cast %parallel_loop3A_187 : i32 to index
        %parallel_loop3A_278 = tpu.vector_load %arg9[%parallel_loop3A_275, %parallel_loop3A_276, %parallel_loop3A_277] {strides = array<i32>} : memref<2x16x2048xf32, #tpu.memory_space<vmem>>, vector<16xf32>,
        tpu.vector_store %arg9[%parallel_loop3A_275, %parallel_loop3A_276, %parallel_loop3A_277], %parallel_loop3A_272 {strides = array<i32>} : memref<2x16x2048xf32, #tpu.memory_space<vmem>>, vector<16xf32>,
        %parallel_loop3A_279 = arith.constant 5 : i32
        %parallel_loop3A_280 = arith.constant 0 : i32
        %parallel_loop3A_281 = tpu.memref_slice %arg7[%parallel_loop3A_279, %parallel_loop3A_280] : memref<16x32xf32, #tpu.memory_space<vmem>> -> memref<1x32xf32, #tpu.memory_space<vmem>>
        %parallel_loop3A_282 = tpu.memref_squeeze %parallel_loop3A_281 : memref<1x32xf32, #tpu.memory_space<vmem>> -> memref<32xf32, #tpu.memory_space<vmem>>
        %parallel_loop3A_283 = tpu.vector_load_idx %parallel_loop3A_282[%parallel_loop3A_223] : memref<32xf32, #tpu.memory_space<vmem>>[vector<16xi32>], vector<16xf32>,
        %parallel_loop3A_284 = arith.constant 0 : i32
        %parallel_loop3A_285 = arith.constant 5 : i32
        %parallel_loop3A_286 = arith.index_cast %parallel_loop3A_284 : i32 to index
        %parallel_loop3A_287 = arith.index_cast %parallel_loop3A_285 : i32 to index
        %parallel_loop3A_288 = arith.index_cast %parallel_loop3A_187 : i32 to index
        %parallel_loop3A_289 = tpu.vector_load %arg9[%parallel_loop3A_286, %parallel_loop3A_287, %parallel_loop3A_288] {strides = array<i32>} : memref<2x16x2048xf32, #tpu.memory_space<vmem>>, vector<16xf32>,
        tpu.vector_store %arg9[%parallel_loop3A_286, %parallel_loop3A_287, %parallel_loop3A_288], %parallel_loop3A_283 {strides = array<i32>} : memref<2x16x2048xf32, #tpu.memory_space<vmem>>, vector<16xf32>,
        %parallel_loop3A_290 = arith.constant 6 : i32
        %parallel_loop3A_291 = arith.constant 0 : i32
        %parallel_loop3A_292 = tpu.memref_slice %arg7[%parallel_loop3A_290, %parallel_loop3A_291] : memref<16x32xf32, #tpu.memory_space<vmem>> -> memref<1x32xf32, #tpu.memory_space<vmem>>
        %parallel_loop3A_293 = tpu.memref_squeeze %parallel_loop3A_292 : memref<1x32xf32, #tpu.memory_space<vmem>> -> memref<32xf32, #tpu.memory_space<vmem>>
        %parallel_loop3A_294 = tpu.vector_load_idx %parallel_loop3A_293[%parallel_loop3A_223] : memref<32xf32, #tpu.memory_space<vmem>>[vector<16xi32>], vector<16xf32>,
        %parallel_loop3A_295 = arith.constant 0 : i32
        %parallel_loop3A_296 = arith.constant 6 : i32
        %parallel_loop3A_297 = arith.index_cast %parallel_loop3A_295 : i32 to index
        %parallel_loop3A_298 = arith.index_cast %parallel_loop3A_296 : i32 to index
        %parallel_loop3A_299 = arith.index_cast %parallel_loop3A_187 : i32 to index
        %parallel_loop3A_300 = tpu.vector_load %arg9[%parallel_loop3A_297, %parallel_loop3A_298, %parallel_loop3A_299] {strides = array<i32>} : memref<2x16x2048xf32, #tpu.memory_space<vmem>>, vector<16xf32>,
        tpu.vector_store %arg9[%parallel_loop3A_297, %parallel_loop3A_298, %parallel_loop3A_299], %parallel_loop3A_294 {strides = array<i32>} : memref<2x16x2048xf32, #tpu.memory_space<vmem>>, vector<16xf32>,
        %parallel_loop3A_301 = arith.constant 7 : i32
        %parallel_loop3A_302 = arith.constant 0 : i32
        %parallel_loop3A_303 = tpu.memref_slice %arg7[%parallel_loop3A_301, %parallel_loop3A_302] : memref<16x32xf32, #tpu.memory_space<vmem>> -> memref<1x32xf32, #tpu.memory_space<vmem>>
        %parallel_loop3A_304 = tpu.memref_squeeze %parallel_loop3A_303 : memref<1x32xf32, #tpu.memory_space<vmem>> -> memref<32xf32, #tpu.memory_space<vmem>>
        %parallel_loop3A_305 = tpu.vector_load_idx %parallel_loop3A_304[%parallel_loop3A_223] : memref<32xf32, #tpu.memory_space<vmem>>[vector<16xi32>], vector<16xf32>,
        %parallel_loop3A_306 = arith.constant 0 : i32
        %parallel_loop3A_307 = arith.constant 7 : i32
        %parallel_loop3A_308 = arith.index_cast %parallel_loop3A_306 : i32 to index
        %parallel_loop3A_309 = arith.index_cast %parallel_loop3A_307 : i32 to index
        %parallel_loop3A_310 = arith.index_cast %parallel_loop3A_187 : i32 to index
        %parallel_loop3A_311 = tpu.vector_load %arg9[%parallel_loop3A_308, %parallel_loop3A_309, %parallel_loop3A_310] {strides = array<i32>} : memref<2x16x2048xf32, #tpu.memory_space<vmem>>, vector<16xf32>,
        tpu.vector_store %arg9[%parallel_loop3A_308, %parallel_loop3A_309, %parallel_loop3A_310], %parallel_loop3A_305 {strides = array<i32>} : memref<2x16x2048xf32, #tpu.memory_space<vmem>>, vector<16xf32>,
        %parallel_loop3A_312 = arith.constant 8 : i32
        %parallel_loop3A_313 = arith.constant 0 : i32
        %parallel_loop3A_314 = tpu.memref_slice %arg7[%parallel_loop3A_312, %parallel_loop3A_313] : memref<16x32xf32, #tpu.memory_space<vmem>> -> memref<1x32xf32, #tpu.memory_space<vmem>>
        %parallel_loop3A_315 = tpu.memref_squeeze %parallel_loop3A_314 : memref<1x32xf32, #tpu.memory_space<vmem>> -> memref<32xf32, #tpu.memory_space<vmem>>
        %parallel_loop3A_316 = tpu.vector_load_idx %parallel_loop3A_315[%parallel_loop3A_223] : memref<32xf32, #tpu.memory_space<vmem>>[vector<16xi32>], vector<16xf32>,
        %parallel_loop3A_317 = arith.constant 0 : i32
        %parallel_loop3A_318 = arith.constant 8 : i32
        %parallel_loop3A_319 = arith.index_cast %parallel_loop3A_317 : i32 to index
        %parallel_loop3A_320 = arith.index_cast %parallel_loop3A_318 : i32 to index
        %parallel_loop3A_321 = arith.index_cast %parallel_loop3A_187 : i32 to index
        %parallel_loop3A_322 = tpu.vector_load %arg9[%parallel_loop3A_319, %parallel_loop3A_320, %parallel_loop3A_321] {strides = array<i32>} : memref<2x16x2048xf32, #tpu.memory_space<vmem>>, vector<16xf32>,
        tpu.vector_store %arg9[%parallel_loop3A_319, %parallel_loop3A_320, %parallel_loop3A_321], %parallel_loop3A_316 {strides = array<i32>} : memref<2x16x2048xf32, #tpu.memory_space<vmem>>, vector<16xf32>,
        %parallel_loop3A_323 = arith.constant 9 : i32
        %parallel_loop3A_324 = arith.constant 0 : i32
        %parallel_loop3A_325 = tpu.memref_slice %arg7[%parallel_loop3A_323, %parallel_loop3A_324] : memref<16x32xf32, #tpu.memory_space<vmem>> -> memref<1x32xf32, #tpu.memory_space<vmem>>
        %parallel_loop3A_326 = tpu.memref_squeeze %parallel_loop3A_325 : memref<1x32xf32, #tpu.memory_space<vmem>> -> memref<32xf32, #tpu.memory_space<vmem>>
        %parallel_loop3A_327 = tpu.vector_load_idx %parallel_loop3A_326[%parallel_loop3A_223] : memref<32xf32, #tpu.memory_space<vmem>>[vector<16xi32>], vector<16xf32>,
        %parallel_loop3A_328 = arith.constant 0 : i32
        %parallel_loop3A_329 = arith.constant 9 : i32
        %parallel_loop3A_330 = arith.index_cast %parallel_loop3A_328 : i32 to index
        %parallel_loop3A_331 = arith.index_cast %parallel_loop3A_329 : i32 to index
        %parallel_loop3A_332 = arith.index_cast %parallel_loop3A_187 : i32 to index
        %parallel_loop3A_333 = tpu.vector_load %arg9[%parallel_loop3A_330, %parallel_loop3A_331, %parallel_loop3A_332] {strides = array<i32>} : memref<2x16x2048xf32, #tpu.memory_space<vmem>>, vector<16xf32>,
        tpu.vector_store %arg9[%parallel_loop3A_330, %parallel_loop3A_331, %parallel_loop3A_332], %parallel_loop3A_327 {strides = array<i32>} : memref<2x16x2048xf32, #tpu.memory_space<vmem>>, vector<16xf32>,
        %parallel_loop3A_334 = arith.constant 10 : i32
        %parallel_loop3A_335 = arith.constant 0 : i32
        %parallel_loop3A_336 = tpu.memref_slice %arg7[%parallel_loop3A_334, %parallel_loop3A_335] : memref<16x32xf32, #tpu.memory_space<vmem>> -> memref<1x32xf32, #tpu.memory_space<vmem>>
        %parallel_loop3A_337 = tpu.memref_squeeze %parallel_loop3A_336 : memref<1x32xf32, #tpu.memory_space<vmem>> -> memref<32xf32, #tpu.memory_space<vmem>>
        %parallel_loop3A_338 = tpu.vector_load_idx %parallel_loop3A_337[%parallel_loop3A_223] : memref<32xf32, #tpu.memory_space<vmem>>[vector<16xi32>], vector<16xf32>,
        %parallel_loop3A_339 = arith.constant 0 : i32
        %parallel_loop3A_340 = arith.constant 10 : i32
        %parallel_loop3A_341 = arith.index_cast %parallel_loop3A_339 : i32 to index
        %parallel_loop3A_342 = arith.index_cast %parallel_loop3A_340 : i32 to index
        %parallel_loop3A_343 = arith.index_cast %parallel_loop3A_187 : i32 to index
        %parallel_loop3A_344 = tpu.vector_load %arg9[%parallel_loop3A_341, %parallel_loop3A_342, %parallel_loop3A_343] {strides = array<i32>} : memref<2x16x2048xf32, #tpu.memory_space<vmem>>, vector<16xf32>,
        tpu.vector_store %arg9[%parallel_loop3A_341, %parallel_loop3A_342, %parallel_loop3A_343], %parallel_loop3A_338 {strides = array<i32>} : memref<2x16x2048xf32, #tpu.memory_space<vmem>>, vector<16xf32>,
        %parallel_loop3A_345 = arith.constant 11 : i32
        %parallel_loop3A_346 = arith.constant 0 : i32
        %parallel_loop3A_347 = tpu.memref_slice %arg7[%parallel_loop3A_345, %parallel_loop3A_346] : memref<16x32xf32, #tpu.memory_space<vmem>> -> memref<1x32xf32, #tpu.memory_space<vmem>>
        %parallel_loop3A_348 = tpu.memref_squeeze %parallel_loop3A_347 : memref<1x32xf32, #tpu.memory_space<vmem>> -> memref<32xf32, #tpu.memory_space<vmem>>
        %parallel_loop3A_349 = tpu.vector_load_idx %parallel_loop3A_348[%parallel_loop3A_223] : memref<32xf32, #tpu.memory_space<vmem>>[vector<16xi32>], vector<16xf32>,
        %parallel_loop3A_350 = arith.constant 0 : i32
        %parallel_loop3A_351 = arith.constant 11 : i32
        %parallel_loop3A_352 = arith.index_cast %parallel_loop3A_350 : i32 to index
        %parallel_loop3A_353 = arith.index_cast %parallel_loop3A_351 : i32 to index
        %parallel_loop3A_354 = arith.index_cast %parallel_loop3A_187 : i32 to index
        %parallel_loop3A_355 = tpu.vector_load %arg9[%parallel_loop3A_352, %parallel_loop3A_353, %parallel_loop3A_354] {strides = array<i32>} : memref<2x16x2048xf32, #tpu.memory_space<vmem>>, vector<16xf32>,
        tpu.vector_store %arg9[%parallel_loop3A_352, %parallel_loop3A_353, %parallel_loop3A_354], %parallel_loop3A_349 {strides = array<i32>} : memref<2x16x2048xf32, #tpu.memory_space<vmem>>, vector<16xf32>,
        %parallel_loop3A_356 = arith.constant 12 : i32
        %parallel_loop3A_357 = arith.constant 0 : i32
        %parallel_loop3A_358 = tpu.memref_slice %arg7[%parallel_loop3A_356, %parallel_loop3A_357] : memref<16x32xf32, #tpu.memory_space<vmem>> -> memref<1x32xf32, #tpu.memory_space<vmem>>
        %parallel_loop3A_359 = tpu.memref_squeeze %parallel_loop3A_358 : memref<1x32xf32, #tpu.memory_space<vmem>> -> memref<32xf32, #tpu.memory_space<vmem>>
        %parallel_loop3A_360 = tpu.vector_load_idx %parallel_loop3A_359[%parallel_loop3A_223] : memref<32xf32, #tpu.memory_space<vmem>>[vector<16xi32>], vector<16xf32>,
        %parallel_loop3A_361 = arith.constant 0 : i32
        %parallel_loop3A_362 = arith.constant 12 : i32
        %parallel_loop3A_363 = arith.index_cast %parallel_loop3A_361 : i32 to index
        %parallel_loop3A_364 = arith.index_cast %parallel_loop3A_362 : i32 to index
        %parallel_loop3A_365 = arith.index_cast %parallel_loop3A_187 : i32 to index
        %parallel_loop3A_366 = tpu.vector_load %arg9[%parallel_loop3A_363, %parallel_loop3A_364, %parallel_loop3A_365] {strides = array<i32>} : memref<2x16x2048xf32, #tpu.memory_space<vmem>>, vector<16xf32>,
        tpu.vector_store %arg9[%parallel_loop3A_363, %parallel_loop3A_364, %parallel_loop3A_365], %parallel_loop3A_360 {strides = array<i32>} : memref<2x16x2048xf32, #tpu.memory_space<vmem>>, vector<16xf32>,
        %parallel_loop3A_367 = arith.constant 13 : i32
        %parallel_loop3A_368 = arith.constant 0 : i32
        %parallel_loop3A_369 = tpu.memref_slice %arg7[%parallel_loop3A_367, %parallel_loop3A_368] : memref<16x32xf32, #tpu.memory_space<vmem>> -> memref<1x32xf32, #tpu.memory_space<vmem>>
        %parallel_loop3A_370 = tpu.memref_squeeze %parallel_loop3A_369 : memref<1x32xf32, #tpu.memory_space<vmem>> -> memref<32xf32, #tpu.memory_space<vmem>>
        %parallel_loop3A_371 = tpu.vector_load_idx %parallel_loop3A_370[%parallel_loop3A_223] : memref<32xf32, #tpu.memory_space<vmem>>[vector<16xi32>], vector<16xf32>,
        %parallel_loop3A_372 = arith.constant 0 : i32
        %parallel_loop3A_373 = arith.constant 13 : i32
        %parallel_loop3A_374 = arith.index_cast %parallel_loop3A_372 : i32 to index
        %parallel_loop3A_375 = arith.index_cast %parallel_loop3A_373 : i32 to index
        %parallel_loop3A_376 = arith.index_cast %parallel_loop3A_187 : i32 to index
        %parallel_loop3A_377 = tpu.vector_load %arg9[%parallel_loop3A_374, %parallel_loop3A_375, %parallel_loop3A_376] {strides = array<i32>} : memref<2x16x2048xf32, #tpu.memory_space<vmem>>, vector<16xf32>,
        tpu.vector_store %arg9[%parallel_loop3A_374, %parallel_loop3A_375, %parallel_loop3A_376], %parallel_loop3A_371 {strides = array<i32>} : memref<2x16x2048xf32, #tpu.memory_space<vmem>>, vector<16xf32>,
        %parallel_loop3A_378 = arith.constant 14 : i32
        %parallel_loop3A_379 = arith.constant 0 : i32
        %parallel_loop3A_380 = tpu.memref_slice %arg7[%parallel_loop3A_378, %parallel_loop3A_379] : memref<16x32xf32, #tpu.memory_space<vmem>> -> memref<1x32xf32, #tpu.memory_space<vmem>>
        %parallel_loop3A_381 = tpu.memref_squeeze %parallel_loop3A_380 : memref<1x32xf32, #tpu.memory_space<vmem>> -> memref<32xf32, #tpu.memory_space<vmem>>
        %parallel_loop3A_382 = tpu.vector_load_idx %parallel_loop3A_381[%parallel_loop3A_223] : memref<32xf32, #tpu.memory_space<vmem>>[vector<16xi32>], vector<16xf32>,
        %parallel_loop3A_383 = arith.constant 0 : i32
        %parallel_loop3A_384 = arith.constant 14 : i32
        %parallel_loop3A_385 = arith.index_cast %parallel_loop3A_383 : i32 to index
        %parallel_loop3A_386 = arith.index_cast %parallel_loop3A_384 : i32 to index
        %parallel_loop3A_387 = arith.index_cast %parallel_loop3A_187 : i32 to index
        %parallel_loop3A_388 = tpu.vector_load %arg9[%parallel_loop3A_385, %parallel_loop3A_386, %parallel_loop3A_387] {strides = array<i32>} : memref<2x16x2048xf32, #tpu.memory_space<vmem>>, vector<16xf32>,
        tpu.vector_store %arg9[%parallel_loop3A_385, %parallel_loop3A_386, %parallel_loop3A_387], %parallel_loop3A_382 {strides = array<i32>} : memref<2x16x2048xf32, #tpu.memory_space<vmem>>, vector<16xf32>,
        %parallel_loop3A_389 = arith.constant 15 : i32
        %parallel_loop3A_390 = arith.constant 0 : i32
        %parallel_loop3A_391 = tpu.memref_slice %arg7[%parallel_loop3A_389, %parallel_loop3A_390] : memref<16x32xf32, #tpu.memory_space<vmem>> -> memref<1x32xf32, #tpu.memory_space<vmem>>
        %parallel_loop3A_392 = tpu.memref_squeeze %parallel_loop3A_391 : memref<1x32xf32, #tpu.memory_space<vmem>> -> memref<32xf32, #tpu.memory_space<vmem>>
        %parallel_loop3A_393 = tpu.vector_load_idx %parallel_loop3A_392[%parallel_loop3A_223] : memref<32xf32, #tpu.memory_space<vmem>>[vector<16xi32>], vector<16xf32>,
        %parallel_loop3A_394 = arith.constant 0 : i32
        %parallel_loop3A_395 = arith.constant 15 : i32
        %parallel_loop3A_396 = arith.index_cast %parallel_loop3A_394 : i32 to index
        %parallel_loop3A_397 = arith.index_cast %parallel_loop3A_395 : i32 to index
        %parallel_loop3A_398 = arith.index_cast %parallel_loop3A_187 : i32 to index
        %parallel_loop3A_399 = tpu.vector_load %arg9[%parallel_loop3A_396, %parallel_loop3A_397, %parallel_loop3A_398] {strides = array<i32>} : memref<2x16x2048xf32, #tpu.memory_space<vmem>>, vector<16xf32>,
        tpu.vector_store %arg9[%parallel_loop3A_396, %parallel_loop3A_397, %parallel_loop3A_398], %parallel_loop3A_393 {strides = array<i32>} : memref<2x16x2048xf32, #tpu.memory_space<vmem>>, vector<16xf32>,
      } {sc.loop_unroll_factor = 8 : i64, sc.parallel_access}
      %dma_start3A_104 = arith.constant 0 : i32
      %dma_start3A_105 = arith.constant 0 : i32
      %dma_start3A_106 = arith.constant 0 : i32
      %dma_start3A_107 = tpu.memref_slice %arg9[%dma_start3A_104, %dma_start3A_105, %dma_start3A_106] : memref<2x16x2048xf32, #tpu.memory_space<vmem>> -> memref<1x16x2048xf32, #tpu.memory_space<vmem>>
      %dma_start3A_108 = tpu.memref_squeeze %dma_start3A_107 : memref<1x16x2048xf32, #tpu.memory_space<vmem>> -> memref<16x2048xf32, #tpu.memory_space<vmem>>
      %dma_start3A_109 = arith.constant 0 : i32
      %dma_start3A_110 = arith.constant 0 : i32
      %dma_start3A_111 = tpu.memref_slice %arg5[%dma_start3A_109, %add3A_86, %dma_start3A_110] : memref<16x2048x2048xf32, #tpu.memory_space<hbm>> -> memref<16x1x2048xf32, #tpu.memory_space<hbm>>
      %dma_start3A_112 = tpu.memref_squeeze %dma_start3A_111 : memref<16x1x2048xf32, #tpu.memory_space<hbm>> -> memref<16x2048xf32, #tpu.memory_space<hbm>>
      %dma_start3A_113 = arith.constant 0 : i32
      %dma_start3A_114 = arith.constant 0 : i32
      %dma_start3A_115 = tpu.memref_slice %arg5[%dma_start3A_113, %add3A_86, %dma_start3A_114] : memref<16x2048x2048xf32, #tpu.memory_space<hbm>> -> memref<16x1x2048xf32, #tpu.memory_space<hbm>>
      %dma_start3A_116 = tpu.memref_squeeze %dma_start3A_115 : memref<16x1x2048xf32, #tpu.memory_space<hbm>> -> memref<16x2048xf32, #tpu.memory_space<hbm>>
      %dma_start3A_117 = arith.constant 0 : i32
      %dma_start3A_118 = arith.constant 0 : i32
      %dma_start3A_119 = tpu.memref_slice %arg9[%dma_start3A_104, %dma_start3A_117, %dma_start3A_118] : memref<2x16x2048xf32, #tpu.memory_space<vmem>> -> memref<1x16x2048xf32, #tpu.memory_space<vmem>>
      %dma_start3A_120 = tpu.memref_squeeze %dma_start3A_119 : memref<1x16x2048xf32, #tpu.memory_space<vmem>> -> memref<16x2048xf32, #tpu.memory_space<vmem>>
      tpu.enqueue_dma source(%dma_start3A_120 : memref<16x2048xf32, #tpu.memory_space<vmem>>) target(%dma_start3A_116 : memref<16x2048xf32, #tpu.memory_space<hbm>>) target_semaphore(%arg12 : memref<!tpu.dma_semaphore, #tpu.memory_space<semaphore_mem>>)
      %mul3A_121 = arith.constant 2 : i32
      %mul3A_122 = arith.muli %scan3A_81, %mul3A_121 : i32
      %add3A_123 = arith.constant 0 : i32
      %add3A_124 = arith.addi %mul3A_122, %add3A_123 : i32
      %add3A_125 = arith.constant 2 : i32
      %add3A_126 = arith.addi %add3A_124, %add3A_125 : i32
      %lt3A = arith.constant 64 : i32
      %lt3A_127 = arith.cmpi slt, %add3A_126, %lt3A : i32
      %convert_element_type3A_128 = arith.extui %lt3A_127 : i1 to i32
      %cond3A_129 = arith.constant 0 : i32
      %cond3A_130 = arith.cmpi ne, %convert_element_type3A_128, %cond3A_129 : i32
      scf.if %cond3A_130 {
        %add3A_185 = arith.constant 2 : i32
        %add3A_186 = arith.addi %add3A_86, %add3A_185 : i32
        %dma_start3A_187 = arith.constant 0 : i32
        %dma_start3A_188 = arith.constant 0 : i32
        %dma_start3A_189 = tpu.memref_slice %arg8[%dma_start3A_187, %dma_start3A_188] : memref<2x2048xi32, #tpu.memory_space<vmem>> -> memref<1x2048xi32, #tpu.memory_space<vmem>>
        %dma_start3A_190 = tpu.memref_squeeze %dma_start3A_189 : memref<1x2048xi32, #tpu.memory_space<vmem>> -> memref<2048xi32, #tpu.memory_space<vmem>>
        %dma_start3A_191 = arith.constant 0 : i32
        %dma_start3A_192 = tpu.memref_slice %arg2[%add3A_186, %dma_start3A_191] : memref<2048x2048xi32, #tpu.memory_space<hbm>> -> memref<1x2048xi32, #tpu.memory_space<hbm>>
        %dma_start3A_193 = tpu.memref_squeeze %dma_start3A_192 : memref<1x2048xi32, #tpu.memory_space<hbm>> -> memref<2048xi32, #tpu.memory_space<hbm>>
        %dma_start3A_194 = arith.constant 0 : i32
        %dma_start3A_195 = tpu.memref_slice %arg8[%dma_start3A_187, %dma_start3A_194] : memref<2x2048xi32, #tpu.memory_space<vmem>> -> memref<1x2048xi32, #tpu.memory_space<vmem>>
        %dma_start3A_196 = tpu.memref_squeeze %dma_start3A_195 : memref<1x2048xi32, #tpu.memory_space<vmem>> -> memref<2048xi32, #tpu.memory_space<vmem>>
        %dma_start3A_197 = arith.constant 0 : i32
        %dma_start3A_198 = tpu.memref_slice %arg2[%add3A_186, %dma_start3A_197] : memref<2048x2048xi32, #tpu.memory_space<hbm>> -> memref<1x2048xi32, #tpu.memory_space<hbm>>
        %dma_start3A_199 = tpu.memref_squeeze %dma_start3A_198 : memref<1x2048xi32, #tpu.memory_space<hbm>> -> memref<2048xi32, #tpu.memory_space<hbm>>
        tpu.enqueue_dma source(%dma_start3A_199 : memref<2048xi32, #tpu.memory_space<hbm>>) target(%dma_start3A_196 : memref<2048xi32, #tpu.memory_space<vmem>>) target_semaphore(%arg10 : memref<!tpu.dma_semaphore, #tpu.memory_space<semaphore_mem>>)
      } else {
      }
      %mul3A_131 = arith.constant 2 : i32
      %mul3A_132 = arith.muli %scan3A_81, %mul3A_131 : i32
      %add3A_133 = arith.addi %mul3A_2, %mul3A_132 : i32
      %add3A_134 = arith.constant 1 : i32
      %add3A_135 = arith.addi %add3A_133, %add3A_134 : i32
      %dma_wait3A_136 = arith.constant 1 : i32
      %dma_wait3A_137 = arith.constant 0 : i32
      %dma_wait3A_138 = tpu.memref_slice %arg8[%dma_wait3A_136, %dma_wait3A_137] : memref<2x2048xi32, #tpu.memory_space<vmem>> -> memref<1x2048xi32, #tpu.memory_space<vmem>>
      %dma_wait3A_139 = tpu.memref_squeeze %dma_wait3A_138 : memref<1x2048xi32, #tpu.memory_space<vmem>> -> memref<2048xi32, #tpu.memory_space<vmem>>
      %dma_wait3A_140 = arith.constant 0 : i32
      %dma_wait3A_141 = tpu.memref_slice %arg2[%add3A_135, %dma_wait3A_140] : memref<2048x2048xi32, #tpu.memory_space<hbm>> -> memref<1x2048xi32, #tpu.memory_space<hbm>>
      %dma_wait3A_142 = tpu.memref_squeeze %dma_wait3A_141 : memref<1x2048xi32, #tpu.memory_space<hbm>> -> memref<2048xi32, #tpu.memory_space<hbm>>
      %dma_wait3A_143 = arith.constant 0 : i32
      %dma_wait3A_144 = tpu.memref_slice %arg8[%dma_wait3A_136, %dma_wait3A_143] : memref<2x2048xi32, #tpu.memory_space<vmem>> -> memref<1x2048xi32, #tpu.memory_space<vmem>>
      %dma_wait3A_145 = tpu.memref_squeeze %dma_wait3A_144 : memref<1x2048xi32, #tpu.memory_space<vmem>> -> memref<2048xi32, #tpu.memory_space<vmem>>
      %dma_wait3A_146 = arith.constant 0 : i32
      %dma_wait3A_147 = tpu.memref_slice %arg2[%add3A_135, %dma_wait3A_146] : memref<2048x2048xi32, #tpu.memory_space<hbm>> -> memref<1x2048xi32, #tpu.memory_space<hbm>>
      %dma_wait3A_148 = tpu.memref_squeeze %dma_wait3A_147 : memref<1x2048xi32, #tpu.memory_space<hbm>> -> memref<2048xi32, #tpu.memory_space<hbm>>
      tpu.wait_dma2 semaphore(%arg11 : memref<!tpu.dma_semaphore, #tpu.memory_space<semaphore_mem>>) src(%dma_wait3A_148 : memref<2048xi32, #tpu.memory_space<hbm>>) dst(%dma_wait3A_145 : memref<2048xi32, #tpu.memory_space<vmem>>)
      %gt3A_149 = arith.constant 0 : i32
      %gt3A_150 = arith.cmpi sgt, %scan3A_81, %gt3A_149 : i32
      %convert_element_type3A_151 = arith.extui %gt3A_150 : i1 to i32
      %cond3A_152 = arith.constant 0 : i32
      %cond3A_153 = arith.cmpi ne, %convert_element_type3A_151, %cond3A_152 : i32
      scf.if %cond3A_153 {
        %sub3A_185 = arith.constant 2 : i32
        %sub3A_186 = arith.subi %add3A_135, %sub3A_185 : i32
        %dma_wait3A_187 = arith.constant 1 : i32
        %dma_wait3A_188 = arith.constant 0 : i32
        %dma_wait3A_189 = arith.constant 0 : i32
        %dma_wait3A_190 = tpu.memref_slice %arg9[%dma_wait3A_187, %dma_wait3A_188, %dma_wait3A_189] : memref<2x16x2048xf32, #tpu.memory_space<vmem>> -> memref<1x16x2048xf32, #tpu.memory_space<vmem>>
        %dma_wait3A_191 = tpu.memref_squeeze %dma_wait3A_190 : memref<1x16x2048xf32, #tpu.memory_space<vmem>> -> memref<16x2048xf32, #tpu.memory_space<vmem>>
        %dma_wait3A_192 = arith.constant 0 : i32
        %dma_wait3A_193 = arith.constant 0 : i32
        %dma_wait3A_194 = tpu.memref_slice %arg5[%dma_wait3A_192, %sub3A_186, %dma_wait3A_193] : memref<16x2048x2048xf32, #tpu.memory_space<hbm>> -> memref<16x1x2048xf32, #tpu.memory_space<hbm>>
        %dma_wait3A_195 = tpu.memref_squeeze %dma_wait3A_194 : memref<16x1x2048xf32, #tpu.memory_space<hbm>> -> memref<16x2048xf32, #tpu.memory_space<hbm>>
        %dma_wait3A_196 = arith.constant 0 : i32
        %dma_wait3A_197 = arith.constant 0 : i32
        %dma_wait3A_198 = tpu.memref_slice %arg5[%dma_wait3A_196, %sub3A_186, %dma_wait3A_197] : memref<16x2048x2048xf32, #tpu.memory_space<hbm>> -> memref<16x1x2048xf32, #tpu.memory_space<hbm>>
        %dma_wait3A_199 = tpu.memref_squeeze %dma_wait3A_198 : memref<16x1x2048xf32, #tpu.memory_space<hbm>> -> memref<16x2048xf32, #tpu.memory_space<hbm>>
        %dma_wait3A_200 = arith.constant 0 : i32
        %dma_wait3A_201 = arith.constant 0 : i32
        %dma_wait3A_202 = tpu.memref_slice %arg9[%dma_wait3A_187, %dma_wait3A_200, %dma_wait3A_201] : memref<2x16x2048xf32, #tpu.memory_space<vmem>> -> memref<1x16x2048xf32, #tpu.memory_space<vmem>>
        %dma_wait3A_203 = tpu.memref_squeeze %dma_wait3A_202 : memref<1x16x2048xf32, #tpu.memory_space<vmem>> -> memref<16x2048xf32, #tpu.memory_space<vmem>>
        tpu.wait_dma2 semaphore(%arg13 : memref<!tpu.dma_semaphore, #tpu.memory_space<semaphore_mem>>) src(%dma_wait3A_203 : memref<16x2048xf32, #tpu.memory_space<vmem>>) dst(%dma_wait3A_199 : memref<16x2048xf32, #tpu.memory_space<hbm>>)
      } else {
      }
      %parallel_loop3A_154 = arith.constant 0 : i32
      %parallel_loop3A_155 = arith.constant 128 : i32
      %parallel_loop3A_156 = arith.constant 1 : i32
      scf.for %parallel_loop3A_185 = %parallel_loop3A_154 to %parallel_loop3A_155 step %parallel_loop3A_156  : i32 {
        %parallel_loop3A_186 = arith.constant 16 : i32
        %parallel_loop3A_187 = arith.muli %parallel_loop3A_185, %parallel_loop3A_186 : i32
        %parallel_loop3A_188 = arith.constant 1 : i32
        %parallel_loop3A_189 = arith.index_cast %parallel_loop3A_188 : i32 to index
        %parallel_loop3A_190 = arith.index_cast %parallel_loop3A_187 : i32 to index
        %parallel_loop3A_191 = tpu.vector_load %arg8[%parallel_loop3A_189, %parallel_loop3A_190] {strides = array<i32>} : memref<2x2048xi32, #tpu.memory_space<vmem>>, vector<16xi32>,
        %parallel_loop3A_192 = arith.sitofp %parallel_loop3A_191 : vector<16xi32> to vector<16xf32>
        %parallel_loop3A_193 = tpu.bitcast %parallel_loop3A_192 : vector<16xf32> -> vector<16xi32>
        %parallel_loop3A_194 = arith.constant 20 : i32
        %parallel_loop3A_195 = vector.broadcast %parallel_loop3A_194 : i32 to vector<16xi32>
        %parallel_loop3A_196 = arith.shrsi %parallel_loop3A_193, %parallel_loop3A_195 : vector<16xi32>
        %parallel_loop3A_197 = arith.constant 1016 : i32
        %parallel_loop3A_198 = vector.broadcast %parallel_loop3A_197 : i32 to vector<16xi32>
        %parallel_loop3A_199 = arith.subi %parallel_loop3A_196, %parallel_loop3A_198 : vector<16xi32>
        %parallel_loop3A_200 = arith.constant 0 : i32
        %parallel_loop3A_201 = arith.constant 127 : i32
        %parallel_loop3A_202 = vector.broadcast %parallel_loop3A_200 : i32 to vector<16xi32>
        %parallel_loop3A_203 = arith.maxsi %parallel_loop3A_202, %parallel_loop3A_199 : vector<16xi32>
        %parallel_loop3A_204 = vector.broadcast %parallel_loop3A_201 : i32 to vector<16xi32>
        %parallel_loop3A_205 = arith.minsi %parallel_loop3A_204, %parallel_loop3A_203 : vector<16xi32>
        %parallel_loop3A_206 = tpu.vector_load_idx %arg6[%parallel_loop3A_205] : memref<128xi32, #tpu.memory_space<vmem>>[vector<16xi32>], vector<16xi32>,
        %parallel_loop3A_207 = arith.constant 131071 : i32
        %parallel_loop3A_208 = vector.broadcast %parallel_loop3A_207 : i32 to vector<16xi32>
        %parallel_loop3A_209 = arith.andi %parallel_loop3A_206, %parallel_loop3A_208 : vector<16xi32>
        %parallel_loop3A_210 = arith.constant 17 : i32
        %parallel_loop3A_211 = vector.broadcast %parallel_loop3A_210 : i32 to vector<16xi32>
        %parallel_loop3A_212 = arith.shrsi %parallel_loop3A_206, %parallel_loop3A_211 : vector<16xi32>
        %parallel_loop3A_213 = arith.constant 31 : i32
        %parallel_loop3A_214 = vector.broadcast %parallel_loop3A_213 : i32 to vector<16xi32>
        %parallel_loop3A_215 = arith.andi %parallel_loop3A_212, %parallel_loop3A_214 : vector<16xi32>
        %parallel_loop3A_216 = arith.constant 22 : i32
        %parallel_loop3A_217 = vector.broadcast %parallel_loop3A_216 : i32 to vector<16xi32>
        %parallel_loop3A_218 = arith.shrsi %parallel_loop3A_206, %parallel_loop3A_217 : vector<16xi32>
        %parallel_loop3A_219 = arith.cmpi sge, %parallel_loop3A_191, %parallel_loop3A_209 : vector<16xi32>
        %parallel_loop3A_220 = arith.constant 0 : i32
        %parallel_loop3A_221 = vector.broadcast %parallel_loop3A_220 : i32 to vector<16xi32>
        %parallel_loop3A_222 = arith.select %parallel_loop3A_219, %parallel_loop3A_218, %parallel_loop3A_221 : vector<16xi1>, vector<16xi32>
        %parallel_loop3A_223 = arith.addi %parallel_loop3A_215, %parallel_loop3A_222 : vector<16xi32>
        %parallel_loop3A_224 = arith.constant 0 : i32
        %parallel_loop3A_225 = arith.constant 0 : i32
        %parallel_loop3A_226 = tpu.memref_slice %arg7[%parallel_loop3A_224, %parallel_loop3A_225] : memref<16x32xf32, #tpu.memory_space<vmem>> -> memref<1x32xf32, #tpu.memory_space<vmem>>
        %parallel_loop3A_227 = tpu.memref_squeeze %parallel_loop3A_226 : memref<1x32xf32, #tpu.memory_space<vmem>> -> memref<32xf32, #tpu.memory_space<vmem>>
        %parallel_loop3A_228 = tpu.vector_load_idx %parallel_loop3A_227[%parallel_loop3A_223] : memref<32xf32, #tpu.memory_space<vmem>>[vector<16xi32>], vector<16xf32>,
        %parallel_loop3A_229 = arith.constant 1 : i32
        %parallel_loop3A_230 = arith.constant 0 : i32
        %parallel_loop3A_231 = arith.index_cast %parallel_loop3A_229 : i32 to index
        %parallel_loop3A_232 = arith.index_cast %parallel_loop3A_230 : i32 to index
        %parallel_loop3A_233 = arith.index_cast %parallel_loop3A_187 : i32 to index
        %parallel_loop3A_234 = tpu.vector_load %arg9[%parallel_loop3A_231, %parallel_loop3A_232, %parallel_loop3A_233] {strides = array<i32>} : memref<2x16x2048xf32, #tpu.memory_space<vmem>>, vector<16xf32>,
        tpu.vector_store %arg9[%parallel_loop3A_231, %parallel_loop3A_232, %parallel_loop3A_233], %parallel_loop3A_228 {strides = array<i32>} : memref<2x16x2048xf32, #tpu.memory_space<vmem>>, vector<16xf32>,
        %parallel_loop3A_235 = arith.constant 1 : i32
        %parallel_loop3A_236 = arith.constant 0 : i32
        %parallel_loop3A_237 = tpu.memref_slice %arg7[%parallel_loop3A_235, %parallel_loop3A_236] : memref<16x32xf32, #tpu.memory_space<vmem>> -> memref<1x32xf32, #tpu.memory_space<vmem>>
        %parallel_loop3A_238 = tpu.memref_squeeze %parallel_loop3A_237 : memref<1x32xf32, #tpu.memory_space<vmem>> -> memref<32xf32, #tpu.memory_space<vmem>>
        %parallel_loop3A_239 = tpu.vector_load_idx %parallel_loop3A_238[%parallel_loop3A_223] : memref<32xf32, #tpu.memory_space<vmem>>[vector<16xi32>], vector<16xf32>,
        %parallel_loop3A_240 = arith.constant 1 : i32
        %parallel_loop3A_241 = arith.constant 1 : i32
        %parallel_loop3A_242 = arith.index_cast %parallel_loop3A_240 : i32 to index
        %parallel_loop3A_243 = arith.index_cast %parallel_loop3A_241 : i32 to index
        %parallel_loop3A_244 = arith.index_cast %parallel_loop3A_187 : i32 to index
        %parallel_loop3A_245 = tpu.vector_load %arg9[%parallel_loop3A_242, %parallel_loop3A_243, %parallel_loop3A_244] {strides = array<i32>} : memref<2x16x2048xf32, #tpu.memory_space<vmem>>, vector<16xf32>,
        tpu.vector_store %arg9[%parallel_loop3A_242, %parallel_loop3A_243, %parallel_loop3A_244], %parallel_loop3A_239 {strides = array<i32>} : memref<2x16x2048xf32, #tpu.memory_space<vmem>>, vector<16xf32>,
        %parallel_loop3A_246 = arith.constant 2 : i32
        %parallel_loop3A_247 = arith.constant 0 : i32
        %parallel_loop3A_248 = tpu.memref_slice %arg7[%parallel_loop3A_246, %parallel_loop3A_247] : memref<16x32xf32, #tpu.memory_space<vmem>> -> memref<1x32xf32, #tpu.memory_space<vmem>>
        %parallel_loop3A_249 = tpu.memref_squeeze %parallel_loop3A_248 : memref<1x32xf32, #tpu.memory_space<vmem>> -> memref<32xf32, #tpu.memory_space<vmem>>
        %parallel_loop3A_250 = tpu.vector_load_idx %parallel_loop3A_249[%parallel_loop3A_223] : memref<32xf32, #tpu.memory_space<vmem>>[vector<16xi32>], vector<16xf32>,
        %parallel_loop3A_251 = arith.constant 1 : i32
        %parallel_loop3A_252 = arith.constant 2 : i32
        %parallel_loop3A_253 = arith.index_cast %parallel_loop3A_251 : i32 to index
        %parallel_loop3A_254 = arith.index_cast %parallel_loop3A_252 : i32 to index
        %parallel_loop3A_255 = arith.index_cast %parallel_loop3A_187 : i32 to index
        %parallel_loop3A_256 = tpu.vector_load %arg9[%parallel_loop3A_253, %parallel_loop3A_254, %parallel_loop3A_255] {strides = array<i32>} : memref<2x16x2048xf32, #tpu.memory_space<vmem>>, vector<16xf32>,
        tpu.vector_store %arg9[%parallel_loop3A_253, %parallel_loop3A_254, %parallel_loop3A_255], %parallel_loop3A_250 {strides = array<i32>} : memref<2x16x2048xf32, #tpu.memory_space<vmem>>, vector<16xf32>,
        %parallel_loop3A_257 = arith.constant 3 : i32
        %parallel_loop3A_258 = arith.constant 0 : i32
        %parallel_loop3A_259 = tpu.memref_slice %arg7[%parallel_loop3A_257, %parallel_loop3A_258] : memref<16x32xf32, #tpu.memory_space<vmem>> -> memref<1x32xf32, #tpu.memory_space<vmem>>
        %parallel_loop3A_260 = tpu.memref_squeeze %parallel_loop3A_259 : memref<1x32xf32, #tpu.memory_space<vmem>> -> memref<32xf32, #tpu.memory_space<vmem>>
        %parallel_loop3A_261 = tpu.vector_load_idx %parallel_loop3A_260[%parallel_loop3A_223] : memref<32xf32, #tpu.memory_space<vmem>>[vector<16xi32>], vector<16xf32>,
        %parallel_loop3A_262 = arith.constant 1 : i32
        %parallel_loop3A_263 = arith.constant 3 : i32
        %parallel_loop3A_264 = arith.index_cast %parallel_loop3A_262 : i32 to index
        %parallel_loop3A_265 = arith.index_cast %parallel_loop3A_263 : i32 to index
        %parallel_loop3A_266 = arith.index_cast %parallel_loop3A_187 : i32 to index
        %parallel_loop3A_267 = tpu.vector_load %arg9[%parallel_loop3A_264, %parallel_loop3A_265, %parallel_loop3A_266] {strides = array<i32>} : memref<2x16x2048xf32, #tpu.memory_space<vmem>>, vector<16xf32>,
        tpu.vector_store %arg9[%parallel_loop3A_264, %parallel_loop3A_265, %parallel_loop3A_266], %parallel_loop3A_261 {strides = array<i32>} : memref<2x16x2048xf32, #tpu.memory_space<vmem>>, vector<16xf32>,
        %parallel_loop3A_268 = arith.constant 4 : i32
        %parallel_loop3A_269 = arith.constant 0 : i32
        %parallel_loop3A_270 = tpu.memref_slice %arg7[%parallel_loop3A_268, %parallel_loop3A_269] : memref<16x32xf32, #tpu.memory_space<vmem>> -> memref<1x32xf32, #tpu.memory_space<vmem>>
        %parallel_loop3A_271 = tpu.memref_squeeze %parallel_loop3A_270 : memref<1x32xf32, #tpu.memory_space<vmem>> -> memref<32xf32, #tpu.memory_space<vmem>>
        %parallel_loop3A_272 = tpu.vector_load_idx %parallel_loop3A_271[%parallel_loop3A_223] : memref<32xf32, #tpu.memory_space<vmem>>[vector<16xi32>], vector<16xf32>,
        %parallel_loop3A_273 = arith.constant 1 : i32
        %parallel_loop3A_274 = arith.constant 4 : i32
        %parallel_loop3A_275 = arith.index_cast %parallel_loop3A_273 : i32 to index
        %parallel_loop3A_276 = arith.index_cast %parallel_loop3A_274 : i32 to index
        %parallel_loop3A_277 = arith.index_cast %parallel_loop3A_187 : i32 to index
        %parallel_loop3A_278 = tpu.vector_load %arg9[%parallel_loop3A_275, %parallel_loop3A_276, %parallel_loop3A_277] {strides = array<i32>} : memref<2x16x2048xf32, #tpu.memory_space<vmem>>, vector<16xf32>,
        tpu.vector_store %arg9[%parallel_loop3A_275, %parallel_loop3A_276, %parallel_loop3A_277], %parallel_loop3A_272 {strides = array<i32>} : memref<2x16x2048xf32, #tpu.memory_space<vmem>>, vector<16xf32>,
        %parallel_loop3A_279 = arith.constant 5 : i32
        %parallel_loop3A_280 = arith.constant 0 : i32
        %parallel_loop3A_281 = tpu.memref_slice %arg7[%parallel_loop3A_279, %parallel_loop3A_280] : memref<16x32xf32, #tpu.memory_space<vmem>> -> memref<1x32xf32, #tpu.memory_space<vmem>>
        %parallel_loop3A_282 = tpu.memref_squeeze %parallel_loop3A_281 : memref<1x32xf32, #tpu.memory_space<vmem>> -> memref<32xf32, #tpu.memory_space<vmem>>
        %parallel_loop3A_283 = tpu.vector_load_idx %parallel_loop3A_282[%parallel_loop3A_223] : memref<32xf32, #tpu.memory_space<vmem>>[vector<16xi32>], vector<16xf32>,
        %parallel_loop3A_284 = arith.constant 1 : i32
        %parallel_loop3A_285 = arith.constant 5 : i32
        %parallel_loop3A_286 = arith.index_cast %parallel_loop3A_284 : i32 to index
        %parallel_loop3A_287 = arith.index_cast %parallel_loop3A_285 : i32 to index
        %parallel_loop3A_288 = arith.index_cast %parallel_loop3A_187 : i32 to index
        %parallel_loop3A_289 = tpu.vector_load %arg9[%parallel_loop3A_286, %parallel_loop3A_287, %parallel_loop3A_288] {strides = array<i32>} : memref<2x16x2048xf32, #tpu.memory_space<vmem>>, vector<16xf32>,
        tpu.vector_store %arg9[%parallel_loop3A_286, %parallel_loop3A_287, %parallel_loop3A_288], %parallel_loop3A_283 {strides = array<i32>} : memref<2x16x2048xf32, #tpu.memory_space<vmem>>, vector<16xf32>,
        %parallel_loop3A_290 = arith.constant 6 : i32
        %parallel_loop3A_291 = arith.constant 0 : i32
        %parallel_loop3A_292 = tpu.memref_slice %arg7[%parallel_loop3A_290, %parallel_loop3A_291] : memref<16x32xf32, #tpu.memory_space<vmem>> -> memref<1x32xf32, #tpu.memory_space<vmem>>
        %parallel_loop3A_293 = tpu.memref_squeeze %parallel_loop3A_292 : memref<1x32xf32, #tpu.memory_space<vmem>> -> memref<32xf32, #tpu.memory_space<vmem>>
        %parallel_loop3A_294 = tpu.vector_load_idx %parallel_loop3A_293[%parallel_loop3A_223] : memref<32xf32, #tpu.memory_space<vmem>>[vector<16xi32>], vector<16xf32>,
        %parallel_loop3A_295 = arith.constant 1 : i32
        %parallel_loop3A_296 = arith.constant 6 : i32
        %parallel_loop3A_297 = arith.index_cast %parallel_loop3A_295 : i32 to index
        %parallel_loop3A_298 = arith.index_cast %parallel_loop3A_296 : i32 to index
        %parallel_loop3A_299 = arith.index_cast %parallel_loop3A_187 : i32 to index
        %parallel_loop3A_300 = tpu.vector_load %arg9[%parallel_loop3A_297, %parallel_loop3A_298, %parallel_loop3A_299] {strides = array<i32>} : memref<2x16x2048xf32, #tpu.memory_space<vmem>>, vector<16xf32>,
        tpu.vector_store %arg9[%parallel_loop3A_297, %parallel_loop3A_298, %parallel_loop3A_299], %parallel_loop3A_294 {strides = array<i32>} : memref<2x16x2048xf32, #tpu.memory_space<vmem>>, vector<16xf32>,
        %parallel_loop3A_301 = arith.constant 7 : i32
        %parallel_loop3A_302 = arith.constant 0 : i32
        %parallel_loop3A_303 = tpu.memref_slice %arg7[%parallel_loop3A_301, %parallel_loop3A_302] : memref<16x32xf32, #tpu.memory_space<vmem>> -> memref<1x32xf32, #tpu.memory_space<vmem>>
        %parallel_loop3A_304 = tpu.memref_squeeze %parallel_loop3A_303 : memref<1x32xf32, #tpu.memory_space<vmem>> -> memref<32xf32, #tpu.memory_space<vmem>>
        %parallel_loop3A_305 = tpu.vector_load_idx %parallel_loop3A_304[%parallel_loop3A_223] : memref<32xf32, #tpu.memory_space<vmem>>[vector<16xi32>], vector<16xf32>,
        %parallel_loop3A_306 = arith.constant 1 : i32
        %parallel_loop3A_307 = arith.constant 7 : i32
        %parallel_loop3A_308 = arith.index_cast %parallel_loop3A_306 : i32 to index
        %parallel_loop3A_309 = arith.index_cast %parallel_loop3A_307 : i32 to index
        %parallel_loop3A_310 = arith.index_cast %parallel_loop3A_187 : i32 to index
        %parallel_loop3A_311 = tpu.vector_load %arg9[%parallel_loop3A_308, %parallel_loop3A_309, %parallel_loop3A_310] {strides = array<i32>} : memref<2x16x2048xf32, #tpu.memory_space<vmem>>, vector<16xf32>,
        tpu.vector_store %arg9[%parallel_loop3A_308, %parallel_loop3A_309, %parallel_loop3A_310], %parallel_loop3A_305 {strides = array<i32>} : memref<2x16x2048xf32, #tpu.memory_space<vmem>>, vector<16xf32>,
        %parallel_loop3A_312 = arith.constant 8 : i32
        %parallel_loop3A_313 = arith.constant 0 : i32
        %parallel_loop3A_314 = tpu.memref_slice %arg7[%parallel_loop3A_312, %parallel_loop3A_313] : memref<16x32xf32, #tpu.memory_space<vmem>> -> memref<1x32xf32, #tpu.memory_space<vmem>>
        %parallel_loop3A_315 = tpu.memref_squeeze %parallel_loop3A_314 : memref<1x32xf32, #tpu.memory_space<vmem>> -> memref<32xf32, #tpu.memory_space<vmem>>
        %parallel_loop3A_316 = tpu.vector_load_idx %parallel_loop3A_315[%parallel_loop3A_223] : memref<32xf32, #tpu.memory_space<vmem>>[vector<16xi32>], vector<16xf32>,
        %parallel_loop3A_317 = arith.constant 1 : i32
        %parallel_loop3A_318 = arith.constant 8 : i32
        %parallel_loop3A_319 = arith.index_cast %parallel_loop3A_317 : i32 to index
        %parallel_loop3A_320 = arith.index_cast %parallel_loop3A_318 : i32 to index
        %parallel_loop3A_321 = arith.index_cast %parallel_loop3A_187 : i32 to index
        %parallel_loop3A_322 = tpu.vector_load %arg9[%parallel_loop3A_319, %parallel_loop3A_320, %parallel_loop3A_321] {strides = array<i32>} : memref<2x16x2048xf32, #tpu.memory_space<vmem>>, vector<16xf32>,
        tpu.vector_store %arg9[%parallel_loop3A_319, %parallel_loop3A_320, %parallel_loop3A_321], %parallel_loop3A_316 {strides = array<i32>} : memref<2x16x2048xf32, #tpu.memory_space<vmem>>, vector<16xf32>,
        %parallel_loop3A_323 = arith.constant 9 : i32
        %parallel_loop3A_324 = arith.constant 0 : i32
        %parallel_loop3A_325 = tpu.memref_slice %arg7[%parallel_loop3A_323, %parallel_loop3A_324] : memref<16x32xf32, #tpu.memory_space<vmem>> -> memref<1x32xf32, #tpu.memory_space<vmem>>
        %parallel_loop3A_326 = tpu.memref_squeeze %parallel_loop3A_325 : memref<1x32xf32, #tpu.memory_space<vmem>> -> memref<32xf32, #tpu.memory_space<vmem>>
        %parallel_loop3A_327 = tpu.vector_load_idx %parallel_loop3A_326[%parallel_loop3A_223] : memref<32xf32, #tpu.memory_space<vmem>>[vector<16xi32>], vector<16xf32>,
        %parallel_loop3A_328 = arith.constant 1 : i32
        %parallel_loop3A_329 = arith.constant 9 : i32
        %parallel_loop3A_330 = arith.index_cast %parallel_loop3A_328 : i32 to index
        %parallel_loop3A_331 = arith.index_cast %parallel_loop3A_329 : i32 to index
        %parallel_loop3A_332 = arith.index_cast %parallel_loop3A_187 : i32 to index
        %parallel_loop3A_333 = tpu.vector_load %arg9[%parallel_loop3A_330, %parallel_loop3A_331, %parallel_loop3A_332] {strides = array<i32>} : memref<2x16x2048xf32, #tpu.memory_space<vmem>>, vector<16xf32>,
        tpu.vector_store %arg9[%parallel_loop3A_330, %parallel_loop3A_331, %parallel_loop3A_332], %parallel_loop3A_327 {strides = array<i32>} : memref<2x16x2048xf32, #tpu.memory_space<vmem>>, vector<16xf32>,
        %parallel_loop3A_334 = arith.constant 10 : i32
        %parallel_loop3A_335 = arith.constant 0 : i32
        %parallel_loop3A_336 = tpu.memref_slice %arg7[%parallel_loop3A_334, %parallel_loop3A_335] : memref<16x32xf32, #tpu.memory_space<vmem>> -> memref<1x32xf32, #tpu.memory_space<vmem>>
        %parallel_loop3A_337 = tpu.memref_squeeze %parallel_loop3A_336 : memref<1x32xf32, #tpu.memory_space<vmem>> -> memref<32xf32, #tpu.memory_space<vmem>>
        %parallel_loop3A_338 = tpu.vector_load_idx %parallel_loop3A_337[%parallel_loop3A_223] : memref<32xf32, #tpu.memory_space<vmem>>[vector<16xi32>], vector<16xf32>,
        %parallel_loop3A_339 = arith.constant 1 : i32
        %parallel_loop3A_340 = arith.constant 10 : i32
        %parallel_loop3A_341 = arith.index_cast %parallel_loop3A_339 : i32 to index
        %parallel_loop3A_342 = arith.index_cast %parallel_loop3A_340 : i32 to index
        %parallel_loop3A_343 = arith.index_cast %parallel_loop3A_187 : i32 to index
        %parallel_loop3A_344 = tpu.vector_load %arg9[%parallel_loop3A_341, %parallel_loop3A_342, %parallel_loop3A_343] {strides = array<i32>} : memref<2x16x2048xf32, #tpu.memory_space<vmem>>, vector<16xf32>,
        tpu.vector_store %arg9[%parallel_loop3A_341, %parallel_loop3A_342, %parallel_loop3A_343], %parallel_loop3A_338 {strides = array<i32>} : memref<2x16x2048xf32, #tpu.memory_space<vmem>>, vector<16xf32>,
        %parallel_loop3A_345 = arith.constant 11 : i32
        %parallel_loop3A_346 = arith.constant 0 : i32
        %parallel_loop3A_347 = tpu.memref_slice %arg7[%parallel_loop3A_345, %parallel_loop3A_346] : memref<16x32xf32, #tpu.memory_space<vmem>> -> memref<1x32xf32, #tpu.memory_space<vmem>>
        %parallel_loop3A_348 = tpu.memref_squeeze %parallel_loop3A_347 : memref<1x32xf32, #tpu.memory_space<vmem>> -> memref<32xf32, #tpu.memory_space<vmem>>
        %parallel_loop3A_349 = tpu.vector_load_idx %parallel_loop3A_348[%parallel_loop3A_223] : memref<32xf32, #tpu.memory_space<vmem>>[vector<16xi32>], vector<16xf32>,
        %parallel_loop3A_350 = arith.constant 1 : i32
        %parallel_loop3A_351 = arith.constant 11 : i32
        %parallel_loop3A_352 = arith.index_cast %parallel_loop3A_350 : i32 to index
        %parallel_loop3A_353 = arith.index_cast %parallel_loop3A_351 : i32 to index
        %parallel_loop3A_354 = arith.index_cast %parallel_loop3A_187 : i32 to index
        %parallel_loop3A_355 = tpu.vector_load %arg9[%parallel_loop3A_352, %parallel_loop3A_353, %parallel_loop3A_354] {strides = array<i32>} : memref<2x16x2048xf32, #tpu.memory_space<vmem>>, vector<16xf32>,
        tpu.vector_store %arg9[%parallel_loop3A_352, %parallel_loop3A_353, %parallel_loop3A_354], %parallel_loop3A_349 {strides = array<i32>} : memref<2x16x2048xf32, #tpu.memory_space<vmem>>, vector<16xf32>,
        %parallel_loop3A_356 = arith.constant 12 : i32
        %parallel_loop3A_357 = arith.constant 0 : i32
        %parallel_loop3A_358 = tpu.memref_slice %arg7[%parallel_loop3A_356, %parallel_loop3A_357] : memref<16x32xf32, #tpu.memory_space<vmem>> -> memref<1x32xf32, #tpu.memory_space<vmem>>
        %parallel_loop3A_359 = tpu.memref_squeeze %parallel_loop3A_358 : memref<1x32xf32, #tpu.memory_space<vmem>> -> memref<32xf32, #tpu.memory_space<vmem>>
        %parallel_loop3A_360 = tpu.vector_load_idx %parallel_loop3A_359[%parallel_loop3A_223] : memref<32xf32, #tpu.memory_space<vmem>>[vector<16xi32>], vector<16xf32>,
        %parallel_loop3A_361 = arith.constant 1 : i32
        %parallel_loop3A_362 = arith.constant 12 : i32
        %parallel_loop3A_363 = arith.index_cast %parallel_loop3A_361 : i32 to index
        %parallel_loop3A_364 = arith.index_cast %parallel_loop3A_362 : i32 to index
        %parallel_loop3A_365 = arith.index_cast %parallel_loop3A_187 : i32 to index
        %parallel_loop3A_366 = tpu.vector_load %arg9[%parallel_loop3A_363, %parallel_loop3A_364, %parallel_loop3A_365] {strides = array<i32>} : memref<2x16x2048xf32, #tpu.memory_space<vmem>>, vector<16xf32>,
        tpu.vector_store %arg9[%parallel_loop3A_363, %parallel_loop3A_364, %parallel_loop3A_365], %parallel_loop3A_360 {strides = array<i32>} : memref<2x16x2048xf32, #tpu.memory_space<vmem>>, vector<16xf32>,
        %parallel_loop3A_367 = arith.constant 13 : i32
        %parallel_loop3A_368 = arith.constant 0 : i32
        %parallel_loop3A_369 = tpu.memref_slice %arg7[%parallel_loop3A_367, %parallel_loop3A_368] : memref<16x32xf32, #tpu.memory_space<vmem>> -> memref<1x32xf32, #tpu.memory_space<vmem>>
        %parallel_loop3A_370 = tpu.memref_squeeze %parallel_loop3A_369 : memref<1x32xf32, #tpu.memory_space<vmem>> -> memref<32xf32, #tpu.memory_space<vmem>>
        %parallel_loop3A_371 = tpu.vector_load_idx %parallel_loop3A_370[%parallel_loop3A_223] : memref<32xf32, #tpu.memory_space<vmem>>[vector<16xi32>], vector<16xf32>,
        %parallel_loop3A_372 = arith.constant 1 : i32
        %parallel_loop3A_373 = arith.constant 13 : i32
        %parallel_loop3A_374 = arith.index_cast %parallel_loop3A_372 : i32 to index
        %parallel_loop3A_375 = arith.index_cast %parallel_loop3A_373 : i32 to index
        %parallel_loop3A_376 = arith.index_cast %parallel_loop3A_187 : i32 to index
        %parallel_loop3A_377 = tpu.vector_load %arg9[%parallel_loop3A_374, %parallel_loop3A_375, %parallel_loop3A_376] {strides = array<i32>} : memref<2x16x2048xf32, #tpu.memory_space<vmem>>, vector<16xf32>,
        tpu.vector_store %arg9[%parallel_loop3A_374, %parallel_loop3A_375, %parallel_loop3A_376], %parallel_loop3A_371 {strides = array<i32>} : memref<2x16x2048xf32, #tpu.memory_space<vmem>>, vector<16xf32>,
        %parallel_loop3A_378 = arith.constant 14 : i32
        %parallel_loop3A_379 = arith.constant 0 : i32
        %parallel_loop3A_380 = tpu.memref_slice %arg7[%parallel_loop3A_378, %parallel_loop3A_379] : memref<16x32xf32, #tpu.memory_space<vmem>> -> memref<1x32xf32, #tpu.memory_space<vmem>>
        %parallel_loop3A_381 = tpu.memref_squeeze %parallel_loop3A_380 : memref<1x32xf32, #tpu.memory_space<vmem>> -> memref<32xf32, #tpu.memory_space<vmem>>
        %parallel_loop3A_382 = tpu.vector_load_idx %parallel_loop3A_381[%parallel_loop3A_223] : memref<32xf32, #tpu.memory_space<vmem>>[vector<16xi32>], vector<16xf32>,
        %parallel_loop3A_383 = arith.constant 1 : i32
        %parallel_loop3A_384 = arith.constant 14 : i32
        %parallel_loop3A_385 = arith.index_cast %parallel_loop3A_383 : i32 to index
        %parallel_loop3A_386 = arith.index_cast %parallel_loop3A_384 : i32 to index
        %parallel_loop3A_387 = arith.index_cast %parallel_loop3A_187 : i32 to index
        %parallel_loop3A_388 = tpu.vector_load %arg9[%parallel_loop3A_385, %parallel_loop3A_386, %parallel_loop3A_387] {strides = array<i32>} : memref<2x16x2048xf32, #tpu.memory_space<vmem>>, vector<16xf32>,
        tpu.vector_store %arg9[%parallel_loop3A_385, %parallel_loop3A_386, %parallel_loop3A_387], %parallel_loop3A_382 {strides = array<i32>} : memref<2x16x2048xf32, #tpu.memory_space<vmem>>, vector<16xf32>,
        %parallel_loop3A_389 = arith.constant 15 : i32
        %parallel_loop3A_390 = arith.constant 0 : i32
        %parallel_loop3A_391 = tpu.memref_slice %arg7[%parallel_loop3A_389, %parallel_loop3A_390] : memref<16x32xf32, #tpu.memory_space<vmem>> -> memref<1x32xf32, #tpu.memory_space<vmem>>
        %parallel_loop3A_392 = tpu.memref_squeeze %parallel_loop3A_391 : memref<1x32xf32, #tpu.memory_space<vmem>> -> memref<32xf32, #tpu.memory_space<vmem>>
        %parallel_loop3A_393 = tpu.vector_load_idx %parallel_loop3A_392[%parallel_loop3A_223] : memref<32xf32, #tpu.memory_space<vmem>>[vector<16xi32>], vector<16xf32>,
        %parallel_loop3A_394 = arith.constant 1 : i32
        %parallel_loop3A_395 = arith.constant 15 : i32
        %parallel_loop3A_396 = arith.index_cast %parallel_loop3A_394 : i32 to index
        %parallel_loop3A_397 = arith.index_cast %parallel_loop3A_395 : i32 to index
        %parallel_loop3A_398 = arith.index_cast %parallel_loop3A_187 : i32 to index
        %parallel_loop3A_399 = tpu.vector_load %arg9[%parallel_loop3A_396, %parallel_loop3A_397, %parallel_loop3A_398] {strides = array<i32>} : memref<2x16x2048xf32, #tpu.memory_space<vmem>>, vector<16xf32>,
        tpu.vector_store %arg9[%parallel_loop3A_396, %parallel_loop3A_397, %parallel_loop3A_398], %parallel_loop3A_393 {strides = array<i32>} : memref<2x16x2048xf32, #tpu.memory_space<vmem>>, vector<16xf32>,
      } {sc.loop_unroll_factor = 8 : i64, sc.parallel_access}
      %dma_start3A_157 = arith.constant 1 : i32
      %dma_start3A_158 = arith.constant 0 : i32
      %dma_start3A_159 = arith.constant 0 : i32
      %dma_start3A_160 = tpu.memref_slice %arg9[%dma_start3A_157, %dma_start3A_158, %dma_start3A_159] : memref<2x16x2048xf32, #tpu.memory_space<vmem>> -> memref<1x16x2048xf32, #tpu.memory_space<vmem>>
      %dma_start3A_161 = tpu.memref_squeeze %dma_start3A_160 : memref<1x16x2048xf32, #tpu.memory_space<vmem>> -> memref<16x2048xf32, #tpu.memory_space<vmem>>
      %dma_start3A_162 = arith.constant 0 : i32
      %dma_start3A_163 = arith.constant 0 : i32
      %dma_start3A_164 = tpu.memref_slice %arg5[%dma_start3A_162, %add3A_135, %dma_start3A_163] : memref<16x2048x2048xf32, #tpu.memory_space<hbm>> -> memref<16x1x2048xf32, #tpu.memory_space<hbm>>
      %dma_start3A_165 = tpu.memref_squeeze %dma_start3A_164 : memref<16x1x2048xf32, #tpu.memory_space<hbm>> -> memref<16x2048xf32, #tpu.memory_space<hbm>>
      %dma_start3A_166 = arith.constant 0 : i32
      %dma_start3A_167 = arith.constant 0 : i32
      %dma_start3A_168 = tpu.memref_slice %arg5[%dma_start3A_166, %add3A_135, %dma_start3A_167] : memref<16x2048x2048xf32, #tpu.memory_space<hbm>> -> memref<16x1x2048xf32, #tpu.memory_space<hbm>>
      %dma_start3A_169 = tpu.memref_squeeze %dma_start3A_168 : memref<16x1x2048xf32, #tpu.memory_space<hbm>> -> memref<16x2048xf32, #tpu.memory_space<hbm>>
      %dma_start3A_170 = arith.constant 0 : i32
      %dma_start3A_171 = arith.constant 0 : i32
      %dma_start3A_172 = tpu.memref_slice %arg9[%dma_start3A_157, %dma_start3A_170, %dma_start3A_171] : memref<2x16x2048xf32, #tpu.memory_space<vmem>> -> memref<1x16x2048xf32, #tpu.memory_space<vmem>>
      %dma_start3A_173 = tpu.memref_squeeze %dma_start3A_172 : memref<1x16x2048xf32, #tpu.memory_space<vmem>> -> memref<16x2048xf32, #tpu.memory_space<vmem>>
      tpu.enqueue_dma source(%dma_start3A_173 : memref<16x2048xf32, #tpu.memory_space<vmem>>) target(%dma_start3A_169 : memref<16x2048xf32, #tpu.memory_space<hbm>>) target_semaphore(%arg13 : memref<!tpu.dma_semaphore, #tpu.memory_space<semaphore_mem>>)
      %mul3A_174 = arith.constant 2 : i32
      %mul3A_175 = arith.muli %scan3A_81, %mul3A_174 : i32
      %add3A_176 = arith.constant 1 : i32
      %add3A_177 = arith.addi %mul3A_175, %add3A_176 : i32
      %add3A_178 = arith.constant 2 : i32
      %add3A_179 = arith.addi %add3A_177, %add3A_178 : i32
      %lt3A_180 = arith.constant 64 : i32
      %lt3A_181 = arith.cmpi slt, %add3A_179, %lt3A_180 : i32
      %convert_element_type3A_182 = arith.extui %lt3A_181 : i1 to i32
      %cond3A_183 = arith.constant 0 : i32
      %cond3A_184 = arith.cmpi ne, %convert_element_type3A_182, %cond3A_183 : i32
      scf.if %cond3A_184 {
        %add3A_185 = arith.constant 2 : i32
        %add3A_186 = arith.addi %add3A_135, %add3A_185 : i32
        %dma_start3A_187 = arith.constant 1 : i32
        %dma_start3A_188 = arith.constant 0 : i32
        %dma_start3A_189 = tpu.memref_slice %arg8[%dma_start3A_187, %dma_start3A_188] : memref<2x2048xi32, #tpu.memory_space<vmem>> -> memref<1x2048xi32, #tpu.memory_space<vmem>>
        %dma_start3A_190 = tpu.memref_squeeze %dma_start3A_189 : memref<1x2048xi32, #tpu.memory_space<vmem>> -> memref<2048xi32, #tpu.memory_space<vmem>>
        %dma_start3A_191 = arith.constant 0 : i32
        %dma_start3A_192 = tpu.memref_slice %arg2[%add3A_186, %dma_start3A_191] : memref<2048x2048xi32, #tpu.memory_space<hbm>> -> memref<1x2048xi32, #tpu.memory_space<hbm>>
        %dma_start3A_193 = tpu.memref_squeeze %dma_start3A_192 : memref<1x2048xi32, #tpu.memory_space<hbm>> -> memref<2048xi32, #tpu.memory_space<hbm>>
        %dma_start3A_194 = arith.constant 0 : i32
        %dma_start3A_195 = tpu.memref_slice %arg8[%dma_start3A_187, %dma_start3A_194] : memref<2x2048xi32, #tpu.memory_space<vmem>> -> memref<1x2048xi32, #tpu.memory_space<vmem>>
        %dma_start3A_196 = tpu.memref_squeeze %dma_start3A_195 : memref<1x2048xi32, #tpu.memory_space<vmem>> -> memref<2048xi32, #tpu.memory_space<vmem>>
        %dma_start3A_197 = arith.constant 0 : i32
        %dma_start3A_198 = tpu.memref_slice %arg2[%add3A_186, %dma_start3A_197] : memref<2048x2048xi32, #tpu.memory_space<hbm>> -> memref<1x2048xi32, #tpu.memory_space<hbm>>
        %dma_start3A_199 = tpu.memref_squeeze %dma_start3A_198 : memref<1x2048xi32, #tpu.memory_space<hbm>> -> memref<2048xi32, #tpu.memory_space<hbm>>
        tpu.enqueue_dma source(%dma_start3A_199 : memref<2048xi32, #tpu.memory_space<hbm>>) target(%dma_start3A_196 : memref<2048xi32, #tpu.memory_space<vmem>>) target_semaphore(%arg11 : memref<!tpu.dma_semaphore, #tpu.memory_space<semaphore_mem>>)
      } else {
      }
    }
    %scan3A_36 = arith.constant 32 : i32
    %add3A_37 = arith.constant 64 : i32
    %add3A_38 = arith.addi %mul3A_2, %add3A_37 : i32
    %sub3A = arith.constant 2 : i32
    %sub3A_39 = arith.subi %add3A_38, %sub3A : i32
    %add3A_40 = arith.constant 0 : i32
    %add3A_41 = arith.addi %sub3A_39, %add3A_40 : i32
    %dma_wait3A = arith.constant 0 : i32
    %dma_wait3A_42 = arith.constant 0 : i32
    %dma_wait3A_43 = arith.constant 0 : i32
    %dma_wait3A_44 = tpu.memref_slice %arg9[%dma_wait3A, %dma_wait3A_42, %dma_wait3A_43] : memref<2x16x2048xf32, #tpu.memory_space<vmem>> -> memref<1x16x2048xf32, #tpu.memory_space<vmem>>
    %dma_wait3A_45 = tpu.memref_squeeze %dma_wait3A_44 : memref<1x16x2048xf32, #tpu.memory_space<vmem>> -> memref<16x2048xf32, #tpu.memory_space<vmem>>
    %dma_wait3A_46 = arith.constant 0 : i32
    %dma_wait3A_47 = arith.constant 0 : i32
    %dma_wait3A_48 = tpu.memref_slice %arg5[%dma_wait3A_46, %add3A_41, %dma_wait3A_47] : memref<16x2048x2048xf32, #tpu.memory_space<hbm>> -> memref<16x1x2048xf32, #tpu.memory_space<hbm>>
    %dma_wait3A_49 = tpu.memref_squeeze %dma_wait3A_48 : memref<16x1x2048xf32, #tpu.memory_space<hbm>> -> memref<16x2048xf32, #tpu.memory_space<hbm>>
    %dma_wait3A_50 = arith.constant 0 : i32
    %dma_wait3A_51 = arith.constant 0 : i32
    %dma_wait3A_52 = tpu.memref_slice %arg5[%dma_wait3A_50, %add3A_41, %dma_wait3A_51] : memref<16x2048x2048xf32, #tpu.memory_space<hbm>> -> memref<16x1x2048xf32, #tpu.memory_space<hbm>>
    %dma_wait3A_53 = tpu.memref_squeeze %dma_wait3A_52 : memref<16x1x2048xf32, #tpu.memory_space<hbm>> -> memref<16x2048xf32, #tpu.memory_space<hbm>>
    %dma_wait3A_54 = arith.constant 0 : i32
    %dma_wait3A_55 = arith.constant 0 : i32
    %dma_wait3A_56 = tpu.memref_slice %arg9[%dma_wait3A, %dma_wait3A_54, %dma_wait3A_55] : memref<2x16x2048xf32, #tpu.memory_space<vmem>> -> memref<1x16x2048xf32, #tpu.memory_space<vmem>>
    %dma_wait3A_57 = tpu.memref_squeeze %dma_wait3A_56 : memref<1x16x2048xf32, #tpu.memory_space<vmem>> -> memref<16x2048xf32, #tpu.memory_space<vmem>>
    tpu.wait_dma2 semaphore(%arg12 : memref<!tpu.dma_semaphore, #tpu.memory_space<semaphore_mem>>) src(%dma_wait3A_57 : memref<16x2048xf32, #tpu.memory_space<vmem>>) dst(%dma_wait3A_53 : memref<16x2048xf32, #tpu.memory_space<hbm>>)
    %add3A_58 = arith.constant 64 : i32
    %add3A_59 = arith.addi %mul3A_2, %add3A_58 : i32
    %sub3A_60 = arith.constant 2 : i32
    %sub3A_61 = arith.subi %add3A_59, %sub3A_60 : i32
    %add3A_62 = arith.constant 1 : i32
    %add3A_63 = arith.addi %sub3A_61, %add3A_62 : i32
    %dma_wait3A_64 = arith.constant 1 : i32
    %dma_wait3A_65 = arith.constant 0 : i32
    %dma_wait3A_66 = arith.constant 0 : i32
    %dma_wait3A_67 = tpu.memref_slice %arg9[%dma_wait3A_64, %dma_wait3A_65, %dma_wait3A_66] : memref<2x16x2048xf32, #tpu.memory_space<vmem>> -> memref<1x16x2048xf32, #tpu.memory_space<vmem>>
    %dma_wait3A_68 = tpu.memref_squeeze %dma_wait3A_67 : memref<1x16x2048xf32, #tpu.memory_space<vmem>> -> memref<16x2048xf32, #tpu.memory_space<vmem>>
    %dma_wait3A_69 = arith.constant 0 : i32
    %dma_wait3A_70 = arith.constant 0 : i32
    %dma_wait3A_71 = tpu.memref_slice %arg5[%dma_wait3A_69, %add3A_63, %dma_wait3A_70] : memref<16x2048x2048xf32, #tpu.memory_space<hbm>> -> memref<16x1x2048xf32, #tpu.memory_space<hbm>>
    %dma_wait3A_72 = tpu.memref_squeeze %dma_wait3A_71 : memref<16x1x2048xf32, #tpu.memory_space<hbm>> -> memref<16x2048xf32, #tpu.memory_space<hbm>>
    %dma_wait3A_73 = arith.constant 0 : i32
    %dma_wait3A_74 = arith.constant 0 : i32
    %dma_wait3A_75 = tpu.memref_slice %arg5[%dma_wait3A_73, %add3A_63, %dma_wait3A_74] : memref<16x2048x2048xf32, #tpu.memory_space<hbm>> -> memref<16x1x2048xf32, #tpu.memory_space<hbm>>
    %dma_wait3A_76 = tpu.memref_squeeze %dma_wait3A_75 : memref<16x1x2048xf32, #tpu.memory_space<hbm>> -> memref<16x2048xf32, #tpu.memory_space<hbm>>
    %dma_wait3A_77 = arith.constant 0 : i32
    %dma_wait3A_78 = arith.constant 0 : i32
    %dma_wait3A_79 = tpu.memref_slice %arg9[%dma_wait3A_64, %dma_wait3A_77, %dma_wait3A_78] : memref<2x16x2048xf32, #tpu.memory_space<vmem>> -> memref<1x16x2048xf32, #tpu.memory_space<vmem>>
    %dma_wait3A_80 = tpu.memref_squeeze %dma_wait3A_79 : memref<1x16x2048xf32, #tpu.memory_space<vmem>> -> memref<16x2048xf32, #tpu.memory_space<vmem>>
    tpu.wait_dma2 semaphore(%arg13 : memref<!tpu.dma_semaphore, #tpu.memory_space<semaphore_mem>>) src(%dma_wait3A_80 : memref<16x2048xf32, #tpu.memory_space<vmem>>) dst(%dma_wait3A_76 : memref<16x2048xf32, #tpu.memory_space<hbm>>)
    return
  }
}

</mosaic_0001>

<sc_bundles>
// kernel: _sc_call.3.cloned.1.call-start
scs
__scs_entry_jumppad:
0x0: {  	(pc) =	sbr.rel $0x88, $3  }
0x1: {  	(tag) =	ssettag $0x0;
	lr =	simm.s32 $0x1  }
0x2: {  	[smem:$0x3F9E] =	sst lr;
	_ =	strace $0xD0000000  }
0x3: {  	_ = 	snop  }
0x4: {  	_ = 	snop  }
0x5: {  	_ = 	snop  }
0x6: {  	_ = 	snop  }
0x7: {  	_ = 	snop  }
__scs_overlays_trampoline_lowered:
0x8: {  	[smem:$0x3FAD] =	sst s0  }
0x9: {  	[smem:$0x3FAE] =	sst s1  }
0xa: {  	[smem:$0x3FAF] =	sst s2  }
0xb: {  	[smem:$0x3FB0] =	sst s3  }
0xc: {  	[smem:$0x3FB1] =	sst s4  }
0xd: {  	[smem:$0x3FB2] =	sst s5  }
0xe: {  	[smem:$0x3FB3] =	sst s6  }
0xf: {  	[smem:$0x3FB4] =	sst s7  }
0x10: {  	[smem:$0x3FB5] =	sst s8  }
0x11: {  	[smem:$0x3FB6] =	sst s9;
	s0 =	simm.s32 @!p0 $0x0  }
0x12: {  	s1 =	sld [smem:$0x3F9C];
	s0 =	simm.s32 @p0 $0x1  }
0x13: {  	[smem:$0x3FB7] =	sst s0;
	s0 =	simm.s32 @!p1 $0x0  }
0x14: {  	s2 =	sld [smem:$0x3F9B];
	s0 =	simm.s32 @p1 $0x1  }
0x15: {  	[smem:$0x3FB8] =	sst s0;
	s0 =	simm.s32 @!p2 $0x0  }
0x16: {  	s3 =	sld [smem:$0x3FDB];
	s0 =	simm.s32 @p2 $0x1  }
0x17: {  	s4 =	simm.s32 $0x1BF5;
	[smem:$0x3FBA] =	sst s0  }
0x18: {  	s0 =	sld [smem:$0x3F9D];
	_ =	swait.ge [sflag:s4], $0x0  }
0x19: {  	s7 =	sld [smem:$0x3F9E]  }
0x1a: {  	s8 =	sadd.s32 $0xFFFFE003, lr  }
0x1b: {  	s9 =	sadd.s32 $0xFFFFFEF7, lr;
	s5 =	simm.s32 $0xFFFFFFFF;
	p2 =	slt.u32 s8, $0xFFFFF086  }
0x1c: {  	p1 =	slt.u32 s9, $0xF7A;
	s5 =	simm.s32 @!p2 $0x0  }
0x1d: {  	s5 =	simm.s32 @p1 $0x1;
	p0 =	seq.s32 s7, s2  }
0x1e: {  	s7 =	smul.u32 @!p0 $0xF7A, s2;
	p2 =	seq.s32 @!p0 s5, $0x0  }
0x1f: {  	s9 =	smul.u32 $0xF7A, s1;
	s8 =	simm.s32 @!p0 $0x1BF5;
	p2 =	por !p2, p0  }
0x20: {  	[sflag:s8] =	ssyncset.s32 @!p0 $0xFFFFF086;
	s6 =	sadd.s32 @!p0 s3, s7;
	s7 =	simm.s32 @!p0 $0x108  }
0x21: {  	s3 =	sadd.s32 s3, s9;
	s6 =	sadd.s32 @!p0 $0x88, s6;
	s7 =	simm.s32 @p2 $0x1082  }
0x22: {  	[simem:s7], [sflag:s8] =	dma.local @!p0 [hbm:s6], $0xF7A  }
0x23: {  	s9 =	sor.u32 $0xD0000000, s2;
	s6 =	simm.s32 $0x108;
	_ =	swait.ge @!p0 [sflag:s8], $0x0  }
0x24: {  	s3 =	sadd.s32 $0x88, s3;
	s6 =	simm.s32 @!p1 $0x1082;
	[sflag:s4] =	ssyncset.s32 $0xFFFFF086  }
0x25: {  	[simem:s6], [sflag:s4] =	dma.local [hbm:s3], $0xF7A  }
0x26: {  	[smem:$0x3F9E] =	sst s1;
	(tag) =	ssettag s2;
	_ =	strace s9  }
0x27: {  	s1 =	sld [smem:$0x3FAE]  }
0x28: {  	s2 =	sld [smem:$0x3FAF]  }
0x29: {  	s4 =	sld [smem:$0x3FB1]  }
0x2a: {  	p0 =	seq.s32 s5, $0x0;
	s5 =	sld [smem:$0x3FB2]  }
0x2b: {  	s6 =	sld [smem:$0x3FB3]  }
0x2c: {  	s7 =	sld [smem:$0x3FB4]  }
0x2d: {  	s3 =	simm.s32 $0x108;
	s8 =	sld [smem:$0x3FB5]  }
0x2e: {  	s3 =	simm.s32 @!p0 $0x1082;
	s9 =	sld [smem:$0x3FB6]  }
0x2f: {  	lr =	sadd.s32 s0, s3;
	s0 =	sld [smem:$0x3FAD]  }
0x30: {  	s3 =	sld [smem:$0x3FB0]  }
0x31: {  	[smem:$0x3FB9] =	sst s10  }
0x32: {  	s10 =	sld [smem:$0x3FB7];
	_ =	sdelay $0x3  }
0x33: {  	p0 =	seq.s32 s10, $0x1;
	s10 =	sld [smem:$0x3FB9];
	_ =	sdelay $0x3  }
0x34: {  	[smem:$0x3FB9] =	sst s10  }
0x35: {  	s10 =	sld [smem:$0x3FB8];
	_ =	sdelay $0x3  }
0x36: {  	p1 =	seq.s32 s10, $0x1;
	s10 =	sld [smem:$0x3FB9];
	_ =	sdelay $0x3  }
0x37: {  	[smem:$0x3FB9] =	sst s10  }
0x38: {  	s10 =	sld [smem:$0x3FBA]  }
0x39: {  	_ = 	snop;
	(pc) =	sbr.ind lr, $3  }
0x3a: {  	_ = 	snop  }
0x3b: {  	_ = 	snop  }
0x3c: {  	p2 =	seq.s32 s10, $0x1;
	s10 =	sld [smem:$0x3FB9]  }
0x3d: {  	_ =	shalt  }
0x3e: {  	_ =	shalt  }
0x3f: {  	_ =	shalt  }
0x40: {  	_ =	shalt  }
0x41: {  	_ =	shalt  }
0x42: {  	_ =	shalt  }
0x43: {  	_ =	shalt  }
0x44: {  	_ =	shalt  }
0x45: {  	_ =	shalt  }
0x46: {  	_ =	shalt  }
0x47: {  	_ =	shalt  }
0x48: {  	_ =	shalt  }
0x49: {  	_ =	shalt  }
0x4a: {  	_ =	shalt  }
0x4b: {  	_ =	shalt  }
0x4c: {  	_ =	shalt  }
0x4d: {  	_ =	shalt  }
0x4e: {  	_ =	shalt  }
0x4f: {  	_ =	shalt  }
0x50: {  	_ =	shalt  }
0x51: {  	_ =	shalt  }
0x52: {  	_ =	shalt  }
0x53: {  	_ =	shalt  }
0x54: {  	_ =	shalt  }
0x55: {  	_ =	shalt  }
0x56: {  	_ =	shalt  }
0x57: {  	_ =	shalt  }
0x58: {  	_ =	shalt  }
0x59: {  	_ =	shalt  }
0x5a: {  	_ =	shalt  }
0x5b: {  	_ =	shalt  }
0x5c: {  	_ =	shalt  }
0x5d: {  	_ =	shalt  }
0x5e: {  	_ =	shalt  }
0x5f: {  	_ =	shalt  }
0x60: {  	_ =	shalt  }
0x61: {  	_ =	shalt  }
0x62: {  	_ =	shalt  }
0x63: {  	_ =	shalt  }
0x64: {  	_ =	shalt  }
0x65: {  	_ =	shalt  }
0x66: {  	_ =	shalt  }
0x67: {  	_ =	shalt  }
0x68: {  	_ =	shalt  }
0x69: {  	_ =	shalt  }
0x6a: {  	_ =	shalt  }
0x6b: {  	_ =	shalt  }
0x6c: {  	_ =	shalt  }
0x6d: {  	_ =	shalt  }
0x6e: {  	_ =	shalt  }
0x6f: {  	_ =	shalt  }
0x70: {  	_ =	shalt  }
0x71: {  	_ =	shalt  }
0x72: {  	_ =	shalt  }
0x73: {  	_ =	shalt  }
0x74: {  	_ =	shalt  }
0x75: {  	_ =	shalt  }
0x76: {  	_ =	shalt  }
0x77: {  	_ =	shalt  }
0x78: {  	_ =	shalt  }
0x79: {  	_ =	shalt  }
0x7a: {  	_ =	shalt  }
0x7b: {  	_ =	shalt  }
0x7c: {  	_ =	shalt  }
0x7d: {  	_ =	shalt  }
0x7e: {  	_ =	shalt  }
0x7f: {  	_ =	shalt  }
0x80: {  	_ =	shalt  }
0x81: {  	_ =	shalt  }
0x82: {  	_ =	shalt  }
0x83: {  	_ =	shalt  }
0x84: {  	_ =	shalt  }
0x85: {  	_ =	shalt  }
0x86: {  	_ =	shalt  }
0x87: {  	_ =	shalt  }
.Lfunc_end0:
.L_simem_size_0:
called_computation_lowered:
.L_overlay_start_0:
0x88: {  	s2 =	sld [smem:$0x3FD9]  }
0x89: {  	s3 =	sld [smem:$0x3FFE];
	_ =	sdelay $0x1  }
0x8a: {  	s1 =	srdreg.scid  }
0x8b: {  	s0 =	sand.u32 $0x1, s1  }
0x8c: {  	s18 =	sshll.u32 s0, $0xA;
	s2 =	sadd.s32 s3, s2  }
0x8d: {  	s2 =	sadd.s32 s2, s18  }
0x8e: {  	[smem:$0x3FC5] =	sst s2  }
0x8f: {  	_ = 	snop  }
0x90: {  	s2 =	sld [smem:$0x3FC9]  }
0x91: {  	s19 =	sld [smem:$0x3FC8]  }
0x92: {  	s4 =	sld [smem:$0x3FC7]  }
0x93: {  	s5 =	sld [smem:$0x3FD0];
	(tm) =	ssettm $0x1  }
0x94: {  	s6 =	sld [smem:$0x3FFB];
	_ =	sdelay $0x3  }
0x95: {  	_ =	strace s6  }
0x96: {  	s6 =	sld [smem:$0x3FFC];
	_ =	sdelay $0x3  }
0x97: {  	_ =	strace s6  }
0x98: {  	s6 =	sld [smem:$0x3FFD];
	_ =	sdelay $0x3  }
0x99: {  	_ =	strace s6  }
0x9a: {  	_ =	strace $0x8FFFFFFF  }
0x9b: {  	s20 =	sld [smem:$0x3FDB];
	_ =	sdelay $0x1  }
0x9c: {  	s7 =	simm.s32 $_scs_section_size  }
0x9d: {  	s8 =	simm.s32 $_size__tile_overlayer_lowered;
	s9 =	simm.s32 $_tile_overlayer_lowered  }
0x9e: {  	s23 =	simm.s32 $0x1BFF;
	s22 =	sshll.u32 s9, $0x1;
	s6 =	sadd.s32 s7, s20  }
0x9f: {  	s10 =	simm.s32 $0x0;
	s21 =	sshll.u32 s8, $0x1;
	s8 =	sadd.s32 s22, s6  }
0xa0: {  	[timem:s10], [sflag:s23] =	dma.local [hbm:s8], s21  }
0xa1: {  	_ =	swait.ge [sflag:s23], s21  }
0xa2: {  	s7 =	ssub.s32 $0x0, s21;
	[sflag:s23] =	ssyncset.done $0x0  }
0xa3: {  	[sflag:s23] =	ssyncadd.s32 s7;
	_ =	sdelay $0x1  }
0xa4: {  	s24 =	simm.s32 $0x1B8B  }
0xa5: {  	_ =	swait.ge [sflag:s24], $0x1  }
0xa6: {  	[sflag:s24] =	ssyncset.done $0x0  }
0xa7: {  	s25 =	simm.s32 $0x1B8E;
	[sflag:s24] =	ssyncadd.s32 $0xFFFFFFFF  }
0xa8: {  	s26 =	simm.s32 $execute0_lowered;
	[smem:$0x3FD2] =	sst s25  }
0xa9: {  	s7 =	sshll.u32 s26, $0x1;
	_ =	strace $0x80000046;
	[dreg:$0x1] =	wrdreg $0xFFFFFFFF  }
0xaa: {  	s28 =	simm.s32 $_size_execute0_lowered;
	s6 =	sadd.s32 s6, s7;
	[dreg:$0x0] =	wrdreg $0x0  }
0xab: {  	s7 =	sshll.u32 s28, $0x1;
	[dreg:$0x2] =	wrdreg s6  }
0xac: {  	[dreg:$0x3] =	wrdreg s7  }
0xad: {  	[dreg:$0x4] =	wrdreg $0xC0  }
0xae: {  	_ =	task [dreg:s10], $0x5FFFF  }
0xaf: {  	[dreg:$0x1] =	wrdreg $0xFFFFFFFF  }
0xb0: {  	[dreg:$0x0] =	wrdreg $0x60  }
0xb1: {  	[dreg:$0x2] =	wrdreg s2  }
0xb2: {  	[dreg:$0x3] =	wrdreg s19  }
0xb3: {  	[dreg:$0x4] =	wrdreg s4  }
0xb4: {  	[dreg:$0x5] =	wrdreg s5  }
0xb5: {  	[dreg:$0x6] =	wrdreg $0x9  }
0xb6: {  	_ =	task.clear_ibuf [dreg:s10], $0x7FFFF;
	_ =	strace $0x90000046  }
0xb7: {  	s29 =	simm.s32 $0x9;
	_ =	strace $0x80000048  }
0xb8: {  	_ =	swait.ge [sflag:s29], $0x1  }
0xb9: {  	[sflag:s29] =	ssyncadd.s32 $0xFFFFFFFF  }
0xba: {  	_ =	strace $0x90000048  }
0xbb: {  	_ =	sfence  }
0xbc: {  	s30 =	sld [smem:$0x0];
	_ =	sdelay $0x2  }
0xbd: {  	s31 =	sshll.u32 s1, $0xD;
	s1 =	sshrl.u32 s1, $0x2  }
0xbe: {  	s3 =	sand.u32 $0x4000, s31;
	s1 =	sadd.s32 s1, s30  }
0xbf: {  	s0 =	sor.u32 s3, s0;
	s1 =	sshll.u32 s1, $0x11  }
0xc0: {  	s0 =	sor.u32 s1, s0  }
0xc1: {  	s0 =	sadd.s32 $0x8F2B, s0  }
0xc2: {  	[sflag:s0] =	ssyncadd.remote.s32 $0x1  }
0xc3: {  	_ =	sfence.sel $0xFFFF  }
0xc4: {  	[dreg:$0x0] =	wrdreg $0xFFFFFFFF;
	(pc) =	sbr.abs _section_cstart, $3  }
0xc5: {  	[dreg:$0x1] =	wrdreg $0xFFFFFFFF  }
0xc6: {  	_ =	task.clear_ibuf [dreg:s10], $0x2FFFF;
	_ =	strace $0x9FFFFFFF  }
0xc7: {  	(tm) =	ssettm $0x7FFFFFFF  }
tec
execute0_lowered:
.L_overlay_start_1:
0x0: {  	(tag) =	ssettag $0x1  }
0x1: {  	s0 =	srdreg.scid  }
0x2: {  	s4 =	rddreg [dreg:$0x0];
	s1 =	stileid.u32;
	s0 =	sand.u32 $0x1, s0  }
0x3: {  	s5 =	rddreg [dreg:$0x3];
	s3 =	sshll.u32 s0, $0x6;
	s0 =	ssub.s32 $0x2, s0  }
0x4: {  	s7 =	simm.s32 $0x0;
	s2 =	sshll.u32 s1, $0x7;
	s16 =	sshrl.u32 s0, $0x1  }
0x5: {  	s12 =	simm.s32 $0x80;
	s6 =	sor.u32 s3, s2;
	s0 =	ssub.s32 s0, s16  }
0x6: {  	[smem:$0x7FF] =	sst s7;
	s3 =	sshll.u32 s6, $0x8;
	s0 =	smax.u32 s0, $0x1  }
0x7: {  	_ =	strace $0x80000047;
	s17 =	sadd.s32 s4, s3;
	[dreg:$0x7] =	wrdreg s0  }
0x8: {  	s29 =	simm.s32 $0x380;
	s18 =	sadd.s32 $0x10, s17;
	[dreg:$0x5] =	wrdreg s17  }
0x9: {  	s11 =	simm.s32 $0x400;
	s19 =	sadd.s32 $0x80, s17;
	[dreg:$0x6] =	wrdreg s18  }
0xa: {  	s8 =	simm.s32 $0x480;
	s20 =	sadd.s32 $0x100, s17;
	[dreg:$0x8] =	wrdreg s19  }
0xb: {  	s9 =	simm.s32 $0x500;
	s21 =	sadd.s32 $0x180, s17;
	[dreg:$0x9] =	wrdreg s20  }
0xc: {  	s28 =	simm.s32 $0x800;
	s22 =	sadd.s32 $0x200, s17;
	[dreg:$0xa] =	wrdreg s21  }
0xd: {  	s30 =	simm.s32 $0x400000;
	s23 =	sadd.s32 $0x280, s17;
	[dreg:$0xb] =	wrdreg s22  }
0xe: {  	s31 =	simm.s32 $0x2;
	s24 =	sadd.s32 $0x300, s17;
	[dreg:$0xc] =	wrdreg s23  }
0xf: {  	s2 =	simm.s32 $0x0;
	s25 =	sadd.s32 $0x380, s17;
	[dreg:$0xd] =	wrdreg s24  }
.Ltmp0:
0x10: {  	s26 =	sadd.s32 $0x400, s17;
	[dreg:$0xe] =	wrdreg s25;
	(pc) =	sbr.rel .LBB2_1-.Ltmp0, $4  }
0x11: {  	s16 =	simm.s32 $0x1;
	s17 =	simm.s32 $0x580;
	[dreg:$0xf] =	wrdreg s26  }
0x12: {  	s18 =	simm.s32 $0x100;
	s20 =	simm.s32 $0x180;
	s22 =	simm.s32 $0x200  }
0x13: {  	s24 =	simm.s32 $0x280;
	s26 =	simm.s32 $0x300;
	s19 =	simm.s32 $0x600  }
0x14: {  	s21 =	simm.s32 $0x680;
	s23 =	simm.s32 $0x700;
	s25 =	simm.s32 $0x780  }
.LBB2_12:
0x15: {  	s0 =	simm.s32 $0x3  }
0x16: {  	_ =	swait.ge [sflag:s0], $0x8000  }
0x17: {  	[sflag:s0] =	ssyncset.done $0x0  }
0x18: {  	s1 =	simm.s32 $0x4;
	[sflag:s0] =	ssyncadd.s32 $0xFFFF8000  }
0x19: {  	_ =	swait.ge [sflag:s1], $0x8000  }
0x1a: {  	s2 =	rddreg [dreg:$0x10]  }
0x1b: {  	s15 =	rddreg [dreg:$0x7];
	s2 =	sadd.s32 $0x1, s2  }
0x1c: {  	p0 =	sne.s32 s2, s15  }
.Ltmp1:
0x1d: {  	_ = 	snop;
	(pc) =	sbr.rel @!p0 .LBB2_13-.Ltmp1, $3  }
0x1e: {  	_ =	sdelay $0x1  }
0x1f: {  	[sflag:s1] =	ssyncset.done $0x0  }
0x20: {  	[sflag:s1] =	ssyncadd.s32 $0xFFFF8000  }
.LBB2_1:
0x21: {  	[dreg:$0x10] =	wrdreg s2  }
0x22: {  	s0 =	rddreg [dreg:$0x1];
	s1 =	simm.s32 $0x5  }
0x23: {  	[tilespmem:s7], [sflag:$0x5] =	stream.linear.gather [hbm4b:s0+s7], $0x80, $0x38;
	[tilespmem:$0x11880] =	vst v63  }
0x24: {  	_ =	swait.ge [sflag:s1], $0x80  }
0x25: {  	[sflag:s1] =	ssyncset.done $0x0  }
0x26: {  	[sflag:s1] =	ssyncadd.s32 $0xFFFFFF80  }
0x27: {  	s15 =	rddreg [dreg:$0x2]  }
0x28: {  	[tilespmem:s12], [sflag:$0x5] =	stream.linear.gather [hbm4b:s15+s7], $0x800, $0x38;
	[tilespmem:$0x11880] =	vst v63  }
0x29: {  	_ =	swait.ge [sflag:s1], $0x800  }
0x2a: {  	[sflag:s1] =	ssyncset.done $0x0  }
0x2b: {  	s2 =	simm.s32 $0x880;
	[sflag:s1] =	ssyncadd.s32 $0xFFFFF800;
	s1 =	rddreg [dreg:$0x5]  }
0x2c: {  	[tilespmem:s2], [sflag:$0x1] =	stream.linear.gather [hbm4b:s1+s7], $0x80, $0x38;
	[tilespmem:$0x11880] =	vst v63  }
0x2d: {  	s4 =	simm.s32 $0x980;
	s3 =	rddreg [dreg:$0x8]  }
0x2e: {  	[tilespmem:s4], [sflag:$0x1] =	stream.linear.gather [hbm4b:s3+s7], $0x80, $0x38;
	[tilespmem:$0x11880] =	vst v63  }
0x2f: {  	s13 =	simm.s32 $0xA80;
	s10 =	rddreg [dreg:$0x9]  }
0x30: {  	[tilespmem:s13], [sflag:$0x1] =	stream.linear.gather [hbm4b:s10+s7], $0x80, $0x38;
	[tilespmem:$0x11880] =	vst v63  }
0x31: {  	s15 =	simm.s32 $0xB80;
	s14 =	rddreg [dreg:$0xa]  }
0x32: {  	[tilespmem:s15], [sflag:$0x1] =	stream.linear.gather [hbm4b:s14+s7], $0x80, $0x38;
	[tilespmem:$0x11880] =	vst v63  }
0x33: {  	s3 =	rddreg [dreg:$0xb];
	s4 =	simm.s32 $0xC80  }
0x34: {  	[tilespmem:s4], [sflag:$0x1] =	stream.linear.gather [hbm4b:s3+s7], $0x80, $0x38;
	[tilespmem:$0x11880] =	vst v63  }
0x35: {  	s10 =	rddreg [dreg:$0xc];
	s13 =	simm.s32 $0xD80  }
0x36: {  	[tilespmem:s13], [sflag:$0x1] =	stream.linear.gather [hbm4b:s10+s7], $0x80, $0x38;
	[tilespmem:$0x11880] =	vst v63  }
0x37: {  	s14 =	rddreg [dreg:$0xd];
	s15 =	simm.s32 $0xE80  }
0x38: {  	[tilespmem:s15], [sflag:$0x1] =	stream.linear.gather [hbm4b:s14+s7], $0x80, $0x38;
	[tilespmem:$0x11880] =	vst v63  }
0x39: {  	s3 =	rddreg [dreg:$0xe];
	s4 =	simm.s32 $0xF80  }
0x3a: {  	[tilespmem:s4], [sflag:$0x1] =	stream.linear.gather [hbm4b:s3+s7], $0x80, $0x38;
	[tilespmem:$0x11880] =	vst v63  }
0x3b: {  	s10 =	rddreg [dreg:$0xf];
	s13 =	simm.s32 $0x1080  }
0x3c: {  	[tilespmem:s13], [sflag:$0x1] =	stream.linear.gather [hbm4b:s10+s7], $0x80, $0x38;
	[tilespmem:$0x11880] =	vst v63  }
0x3d: {  	s14 =	sadd.s32 $0x480, s1;
	s15 =	simm.s32 $0x1180  }
0x3e: {  	[tilespmem:s15], [sflag:$0x1] =	stream.linear.gather [hbm4b:s14+s7], $0x80, $0x38;
	[tilespmem:$0x11880] =	vst v63  }
0x3f: {  	s3 =	sadd.s32 $0x500, s1;
	s4 =	simm.s32 $0x1280  }
0x40: {  	[tilespmem:s4], [sflag:$0x1] =	stream.linear.gather [hbm4b:s3+s7], $0x80, $0x38;
	[tilespmem:$0x11880] =	vst v63  }
0x41: {  	s10 =	sadd.s32 $0x580, s1;
	s13 =	simm.s32 $0x1380  }
0x42: {  	[tilespmem:s13], [sflag:$0x1] =	stream.linear.gather [hbm4b:s10+s7], $0x80, $0x38;
	[tilespmem:$0x11880] =	vst v63  }
0x43: {  	s14 =	sadd.s32 $0x600, s1;
	s15 =	simm.s32 $0x1480  }
0x44: {  	[tilespmem:s15], [sflag:$0x1] =	stream.linear.gather [hbm4b:s14+s7], $0x80, $0x38;
	[tilespmem:$0x11880] =	vst v63  }
0x45: {  	s3 =	sadd.s32 $0x680, s1;
	s4 =	simm.s32 $0x1580  }
0x46: {  	[tilespmem:s4], [sflag:$0x1] =	stream.linear.gather [hbm4b:s3+s7], $0x80, $0x38;
	[tilespmem:$0x11880] =	vst v63  }
0x47: {  	s10 =	sadd.s32 $0x700, s1;
	s13 =	simm.s32 $0x1680  }
0x48: {  	[tilespmem:s13], [sflag:$0x1] =	stream.linear.gather [hbm4b:s10+s7], $0x80, $0x38;
	[tilespmem:$0x11880] =	vst v63  }
0x49: {  	s14 =	sadd.s32 $0x780, s1;
	s15 =	simm.s32 $0x1780  }
0x4a: {  	[tilespmem:s15], [sflag:$0x1] =	stream.linear.gather [hbm4b:s14+s7], $0x80, $0x38;
	[tilespmem:$0x11880] =	vst v63  }
0x4b: {  	s2 =	simm.s32 $0x900;
	s1 =	rddreg [dreg:$0x6]  }
0x4c: {  	[tilespmem:s2], [sflag:$0x2] =	stream.linear.gather [hbm4b:s1+s7], $0x80, $0x38;
	[tilespmem:$0x11880] =	vst v63  }
0x4d: {  	s3 =	sadd.s32 $0x80, s1;
	s4 =	simm.s32 $0xA00  }
0x4e: {  	[tilespmem:s4], [sflag:$0x2] =	stream.linear.gather [hbm4b:s3+s7], $0x80, $0x38;
	[tilespmem:$0x11880] =	vst v63  }
0x4f: {  	s10 =	sadd.s32 $0x100, s1;
	s13 =	simm.s32 $0xB00  }
0x50: {  	[tilespmem:s13], [sflag:$0x2] =	stream.linear.gather [hbm4b:s10+s7], $0x80, $0x38;
	[tilespmem:$0x11880] =	vst v63  }
0x51: {  	s14 =	sadd.s32 $0x180, s1;
	s15 =	simm.s32 $0xC00  }
0x52: {  	[tilespmem:s15], [sflag:$0x2] =	stream.linear.gather [hbm4b:s14+s7], $0x80, $0x38;
	[tilespmem:$0x11880] =	vst v63  }
0x53: {  	s3 =	sadd.s32 $0x200, s1;
	s4 =	simm.s32 $0xD00  }
0x54: {  	[tilespmem:s4], [sflag:$0x2] =	stream.linear.gather [hbm4b:s3+s7], $0x80, $0x38;
	[tilespmem:$0x11880] =	vst v63  }
0x55: {  	s10 =	sadd.s32 $0x280, s1;
	s13 =	simm.s32 $0xE00  }
0x56: {  	[tilespmem:s13], [sflag:$0x2] =	stream.linear.gather [hbm4b:s10+s7], $0x80, $0x38;
	[tilespmem:$0x11880] =	vst v63  }
0x57: {  	s14 =	sadd.s32 $0x300, s1;
	s15 =	simm.s32 $0xF00  }
0x58: {  	[tilespmem:s15], [sflag:$0x2] =	stream.linear.gather [hbm4b:s14+s7], $0x80, $0x38;
	[tilespmem:$0x11880] =	vst v63  }
0x59: {  	s3 =	sadd.s32 $0x380, s1;
	s4 =	simm.s32 $0x1000  }
0x5a: {  	[tilespmem:s4], [sflag:$0x2] =	stream.linear.gather [hbm4b:s3+s7], $0x80, $0x38;
	[tilespmem:$0x11880] =	vst v63  }
0x5b: {  	s10 =	sadd.s32 $0x400, s1;
	s13 =	simm.s32 $0x1100  }
0x5c: {  	[tilespmem:s13], [sflag:$0x2] =	stream.linear.gather [hbm4b:s10+s7], $0x80, $0x38;
	[tilespmem:$0x11880] =	vst v63  }
0x5d: {  	s14 =	sadd.s32 $0x480, s1;
	s15 =	simm.s32 $0x1200  }
0x5e: {  	[tilespmem:s15], [sflag:$0x2] =	stream.linear.gather [hbm4b:s14+s7], $0x80, $0x38;
	[tilespmem:$0x11880] =	vst v63  }
0x5f: {  	s3 =	sadd.s32 $0x500, s1;
	s4 =	simm.s32 $0x1300  }
0x60: {  	[tilespmem:s4], [sflag:$0x2] =	stream.linear.gather [hbm4b:s3+s7], $0x80, $0x38;
	[tilespmem:$0x11880] =	vst v63  }
0x61: {  	s10 =	sadd.s32 $0x580, s1;
	s13 =	simm.s32 $0x1400  }
0x62: {  	[tilespmem:s13], [sflag:$0x2] =	stream.linear.gather [hbm4b:s10+s7], $0x80, $0x38;
	[tilespmem:$0x11880] =	vst v63  }
0x63: {  	s14 =	sadd.s32 $0x600, s1;
	s15 =	simm.s32 $0x1500  }
0x64: {  	[tilespmem:s15], [sflag:$0x2] =	stream.linear.gather [hbm4b:s14+s7], $0x80, $0x38;
	[tilespmem:$0x11880] =	vst v63  }
0x65: {  	s3 =	sadd.s32 $0x680, s1;
	s4 =	simm.s32 $0x1600  }
0x66: {  	[tilespmem:s4], [sflag:$0x2] =	stream.linear.gather [hbm4b:s3+s7], $0x80, $0x38;
	[tilespmem:$0x11880] =	vst v63  }
0x67: {  	s10 =	sadd.s32 $0x700, s1;
	s13 =	simm.s32 $0x1700  }
0x68: {  	[tilespmem:s13], [sflag:$0x2] =	stream.linear.gather [hbm4b:s10+s7], $0x80, $0x38;
	[tilespmem:$0x11880] =	vst v63  }
0x69: {  	s14 =	sadd.s32 $0x780, s1;
	s15 =	simm.s32 $0x1800;
	s3 =	simm.s32 $0x0  }
0x6a: {  	[tilespmem:s15], [sflag:$0x2] =	stream.linear.gather [hbm4b:s14+s7], $0x80, $0x38;
	[tilespmem:$0x11880] =	vst v63  }
.LBB2_2:
0x6b: {  	_ =	swait.ge [sflag:s16], $0x800  }
0x6c: {  	p0 =	seq.s32 s3, $0x0;
	[sflag:s16] =	ssyncset.done $0x0  }
0x6d: {  	s0 =	simm.s32 @!p0 $0x3;
	[sflag:s16] =	ssyncadd.s32 $0xFFFFF800  }
0x6e: {  	_ =	swait.ge @!p0 [sflag:s0], $0x8000  }
0x6f: {  	[sflag:s0] =	ssyncset.done @!p0 $0x0  }
0x70: {  	s14 =	simm.s32 $0x8C0;
	[sflag:s0] =	ssyncadd.s32 @!p0 $0xFFFF8000  }
0x71: {  	v0 =	vld [tilespmem:s14+$0x30];
	_ =	sdelay $0x2  }
0x72: {  	v1 =	vld [tilespmem:s14+$0xFFFFFFD0]  }
0x73: {  	v2 =	vld [tilespmem:s14+$0xFFFFFFE0]  }
0x74: {  	v4 =	vld [tilespmem:s14+$0xFFFFFFF0];
	v3 =	vcvt.s32.f32 v0  }
0x75: {  	v5 =	vld [tilespmem:s14+$0x0]  }
0x76: {  	v6 =	vld [tilespmem:s14+$0x10];
	v3 =	vshra.s32 v3, $0x14  }
0x77: {  	v8 =	vld [tilespmem:s14+$0x20];
	vm0 =	vgt.s32 v3, $0x3F8  }
0x78: {  	v9 =	vld [tilespmem:s14+$0xFFFFFFC0];
	v3 =	vnsel vm0, $0x3F8, v3  }
0x79: {  	v3 =	vmin.u32 v3, $0x477  }
0x7a: {  	v7 =	vcvt.s32.f32 v1;
	v10 =	vcvt.s32.f32 v2;
	v3 =	vadd.s32 $0xFFFFFC08, v3  }
0x7b: {  	v11 =	vcvt.s32.f32 v4;
	v12 =	vcvt.s32.f32 v5  }
0x7c: {  	v13 =	vcvt.s32.f32 v6;
	v14 =	vcvt.s32.f32 v8  }
0x7d: {  	v15 =	vcvt.s32.f32 v9;
	v7 =	vshra.s32 v7, $0x14;
	v10 =	vshra.s32 v10, $0x14  }
0x7e: {  	v11 =	vshra.s32 v11, $0x14;
	v12 =	vshra.s32 v12, $0x14;
	v13 =	vshra.s32 v13, $0x14  }
0x7f: {  	v14 =	vshra.s32 v14, $0x14;
	v15 =	vshra.s32 v15, $0x14;
	vm15 =	vgt.s32 v7, $0x3F8;
	v3 =	vld.idx.msk [tilespmem:v3+s7+$0x0], $0xffff  }
0x80: {  	vm1 =	vgt.s32 v10, $0x3F8;
	vm2 =	vgt.s32 v11, $0x3F8;
	vm3 =	vgt.s32 v12, $0x3F8  }
0x81: {  	vm4 =	vgt.s32 v15, $0x3F8;
	vm8 =	vgt.s32 v13, $0x3F8;
	v7 =	vnsel vm15, $0x3F8, v7  }
0x82: {  	v15 =	vnsel vm4, $0x3F8, v15;
	v10 =	vnsel vm1, $0x3F8, v10;
	v11 =	vnsel vm2, $0x3F8, v11  }
0x83: {  	v15 =	vmin.u32 v15, $0x477;
	v7 =	vmin.u32 v7, $0x477;
	v10 =	vmin.u32 v10, $0x477  }
0x84: {  	v15 =	vadd.s32 $0xFFFFFC08, v15;
	v16 =	vadd.s32 $0xFFFFFC08, v7;
	v7 =	vand.u32 $0x1FFFF, v3  }
0x85: {  	v17 =	vshrl.u32 v3, $0x11;
	v3 =	vshra.s32 v3, $0x16;
	vm7 =	vlt.s32 v0, v7  }
0x86: {  	v0 =	vadd.s32 $0xFFFFFC08, v10;
	v7 =	vand.u32 $0x1F, v17;
	v3 =	vsel vm7, $0x0, v3  }
0x87: {  	v11 =	vmin.u32 v11, $0x477;
	v10 =	vnsel vm3, $0x3F8, v12;
	v7 =	vadd.s32 v7, v3  }
0x88: {  	v3 =	vmin.u32 v10, $0x477;
	v10 =	vadd.s32 $0xFFFFFC08, v11;
	v11 =	vnsel vm8, $0x3F8, v13  }
0x89: {  	vm9 =	vgt.s32 v14, $0x3F8;
	v12 =	vld.idx.msk [tilespmem:v15+s7+$0x0], $0xffff;
	v3 =	vadd.s32 $0xFFFFFC08, v3;
	v11 =	vmin.u32 v11, $0x477  }
0x8a: {  	v13 =	vnsel vm9, $0x3F8, v14;
	v14 =	vld.idx.msk [tilespmem:v16+s7+$0x0], $0xffff;
	v11 =	vadd.s32 $0xFFFFFC08, v11  }
0x8b: {  	v13 =	vmin.u32 v13, $0x477;
	v0 =	vld.idx.msk [tilespmem:v0+s7+$0x0], $0xffff  }
0x8c: {  	v13 =	vadd.s32 $0xFFFFFC08, v13;
	v15 =	vld.idx.msk [tilespmem:v7+s12+$0x0], $0xffff  }
0x8d: {  	v10 =	vld.idx.msk [tilespmem:v10+s7+$0x0], $0xffff  }
0x8e: {  	v3 =	vld.idx.msk [tilespmem:v3+s7+$0x0], $0xffff  }
0x8f: {  	v16 =	vand.u32 $0x1FFFF, v12;
	v17 =	vshrl.u32 v12, $0x11;
	v12 =	vshra.s32 v12, $0x16;
	v11 =	vld.idx.msk [tilespmem:v11+s7+$0x0], $0xffff  }
0x90: {  	vm10 =	vlt.s32 v9, v16;
	v9 =	vand.u32 $0x1FFFF, v14;
	v16 =	vshrl.u32 v14, $0x11  }
0x91: {  	s13 =	simm.s32 $0x5C70;
	v14 =	vshra.s32 v14, $0x16;
	vm11 =	vlt.s32 v1, v9;
	v13 =	vld.idx.msk [tilespmem:v13+s7+$0x0], $0xffff;
	v1 =	vand.u32 $0x1FFFF, v0  }
0x92: {  	v9 =	vshrl.u32 v0, $0x11;
	vm12 =	vlt.s32 v2, v1;
	[tilespmem:s13+$0xFFFFBC80] =	vst v15;
	v1 =	vand.u32 $0x1FFFF, v10  }
0x93: {  	v0 =	vshra.s32 v0, $0x16;
	v2 =	vld.idx.msk [tilespmem:v7+s18+$0x0], $0xffff;
	vm13 =	vlt.s32 v4, v1;
	v1 =	vand.u32 $0x1FFFF, v3  }
0x94: {  	v9 =	vand.u32 $0x1F, v9;
	vm14 =	vlt.s32 v5, v1;
	v5 =	vand.u32 $0x1FFFF, v11  }
0x95: {  	v0 =	vsel vm12, $0x0, v0;
	v4 =	vshrl.u32 v10, $0x11;
	vm5 =	vlt.s32 v6, v5  }
0x96: {  	v5 =	vand.u32 $0x1FFFF, v13;
	v6 =	vsel vm10, $0x0, v12;
	v12 =	vand.u32 $0x1F, v17  }
0x97: {  	vm15 =	vlt.s32 v8, v5;
	v6 =	vadd.s32 v12, v6;
	v5 =	vsel vm11, $0x0, v14  }
0x98: {  	v12 =	vshra.s32 v13, $0x16;
	[tilespmem:s13+$0xFFFFBD00] =	vst v2;
	v2 =	vshrl.u32 v13, $0x11;
	v13 =	vand.u32 $0x1F, v16  }
0x99: {  	v8 =	vld.idx.msk [tilespmem:v7+s20+$0x0], $0xffff;
	v5 =	vadd.s32 v13, v5;
	v13 =	vand.u32 $0x1F, v4;
	v4 =	vadd.s32 v9, v0  }
0x9a: {  	v10 =	vshra.s32 v10, $0x16;
	v1 =	vshrl.u32 v3, $0x11;
	v3 =	vshra.s32 v3, $0x16  }
0x9b: {  	v15 =	vshrl.u32 v11, $0x11;
	v11 =	vshra.s32 v11, $0x16;
	v10 =	vsel vm13, $0x0, v10  }
0x9c: {  	v1 =	vand.u32 $0x1F, v1;
	v0 =	vsel vm14, $0x0, v3;
	v3 =	vadd.s32 v13, v10  }
0x9d: {  	v9 =	vsel vm5, $0x0, v11;
	v10 =	vand.u32 $0x1F, v15;
	v0 =	vadd.s32 v1, v0;
	v11 =	vld.idx.msk [tilespmem:v6+s12+$0x0], $0xffff  }
0x9e: {  	v1 =	vsel vm15, $0x0, v12;
	[tilespmem:s13+$0xFFFFBD80] =	vst v8;
	v8 =	vand.u32 $0x1F, v2;
	v2 =	vadd.s32 v10, v9;
	v10 =	vld.idx.msk [tilespmem:v4+s12+$0x0], $0xffff  }
0x9f: {  	v9 =	vld.idx.msk [tilespmem:v7+s22+$0x0], $0xffff;
	v1 =	vadd.s32 v8, v1  }
0xa0: {  	v8 =	vld.idx.msk [tilespmem:v5+s12+$0x0], $0xffff  }
0xa1: {  	v12 =	vld.idx.msk [tilespmem:v3+s12+$0x0], $0xffff  }
0xa2: {  	v13 =	vld.idx.msk [tilespmem:v0+s12+$0x0], $0xffff;
	[tilespmem:s13+$0xFFFFBC10] =	vst v11  }
0xa3: {  	v11 =	vld.idx.msk [tilespmem:v2+s12+$0x0], $0xffff;
	[tilespmem:s13+$0xFFFFBC30] =	vst v10  }
0xa4: {  	v14 =	vld.idx.msk [tilespmem:v1+s12+$0x0], $0xffff;
	[tilespmem:s13+$0xFFFFBE00] =	vst v9  }
0xa5: {  	[tilespmem:s13+$0xFFFFBC20] =	vst v8;
	v9 =	vld.idx.msk [tilespmem:v6+s18+$0x0], $0xffff  }
0xa6: {  	[tilespmem:s13+$0xFFFFBC40] =	vst v12;
	v12 =	vld.idx.msk [tilespmem:v4+s18+$0x0], $0xffff  }
0xa7: {  	[tilespmem:s13+$0xFFFFBC50] =	vst v13;
	v8 =	vld.idx.msk [tilespmem:v7+s24+$0x0], $0xffff  }
0xa8: {  	v10 =	vld.idx.msk [tilespmem:v5+s18+$0x0], $0xffff;
	[tilespmem:s13+$0xFFFFBC60] =	vst v11  }
0xa9: {  	v13 =	vld.idx.msk [tilespmem:v3+s18+$0x0], $0xffff;
	[tilespmem:s13+$0xFFFFBC70] =	vst v14  }
0xaa: {  	v11 =	vld.idx.msk [tilespmem:v0+s18+$0x0], $0xffff;
	[tilespmem:s13+$0xFFFFBC90] =	vst v9  }
0xab: {  	v14 =	vld.idx.msk [tilespmem:v2+s18+$0x0], $0xffff;
	[tilespmem:s13+$0xFFFFBCB0] =	vst v12  }
0xac: {  	[tilespmem:s13+$0xFFFFBE80] =	vst v8;
	v9 =	vld.idx.msk [tilespmem:v1+s18+$0x0], $0xffff  }
0xad: {  	[tilespmem:s13+$0xFFFFBCA0] =	vst v10;
	v10 =	vld.idx.msk [tilespmem:v6+s20+$0x0], $0xffff  }
0xae: {  	[tilespmem:s13+$0xFFFFBCC0] =	vst v13;
	v13 =	vld.idx.msk [tilespmem:v4+s20+$0x0], $0xffff  }
0xaf: {  	v8 =	vld.idx.msk [tilespmem:v7+s26+$0x0], $0xffff  }
0xb0: {  	v12 =	vld.idx.msk [tilespmem:v5+s20+$0x0], $0xffff;
	[tilespmem:s13+$0xFFFFBCD0] =	vst v11  }
0xb1: {  	v11 =	vld.idx.msk [tilespmem:v3+s20+$0x0], $0xffff;
	[tilespmem:s13+$0xFFFFBCE0] =	vst v14  }
0xb2: {  	v14 =	vld.idx.msk [tilespmem:v0+s20+$0x0], $0xffff;
	[tilespmem:s13+$0xFFFFBCF0] =	vst v9  }
0xb3: {  	[tilespmem:s13+$0xFFFFBD10] =	vst v10;
	v9 =	vld.idx.msk [tilespmem:v2+s20+$0x0], $0xffff  }
0xb4: {  	[tilespmem:s13+$0xFFFFBF00] =	vst v8;
	v10 =	vld.idx.msk [tilespmem:v1+s20+$0x0], $0xffff  }
0xb5: {  	[tilespmem:s13+$0xFFFFBD20] =	vst v12;
	v12 =	vld.idx.msk [tilespmem:v6+s22+$0x0], $0xffff  }
0xb6: {  	[tilespmem:s13+$0xFFFFBD30] =	vst v13;
	v8 =	vld.idx.msk [tilespmem:v7+s29+$0x0], $0xffff  }
0xb7: {  	v13 =	vld.idx.msk [tilespmem:v5+s22+$0x0], $0xffff;
	[tilespmem:s13+$0xFFFFBD40] =	vst v11  }
0xb8: {  	v11 =	vld.idx.msk [tilespmem:v4+s22+$0x0], $0xffff;
	[tilespmem:s13+$0xFFFFBD50] =	vst v14  }
0xb9: {  	v14 =	vld.idx.msk [tilespmem:v3+s22+$0x0], $0xffff;
	[tilespmem:s13+$0xFFFFBD60] =	vst v9  }
0xba: {  	v9 =	vld.idx.msk [tilespmem:v0+s22+$0x0], $0xffff;
	[tilespmem:s13+$0xFFFFBD70] =	vst v10  }
0xbb: {  	[tilespmem:s13+$0xFFFFBD90] =	vst v12;
	v10 =	vld.idx.msk [tilespmem:v2+s22+$0x0], $0xffff  }
0xbc: {  	[tilespmem:s13+$0xFFFFBF80] =	vst v8;
	v12 =	vld.idx.msk [tilespmem:v1+s22+$0x0], $0xffff  }
0xbd: {  	[tilespmem:s13+$0xFFFFBDA0] =	vst v13;
	v13 =	vld.idx.msk [tilespmem:v6+s24+$0x0], $0xffff  }
0xbe: {  	v8 =	vld.idx.msk [tilespmem:v7+s11+$0x0], $0xffff;
	[tilespmem:s13+$0xFFFFBDB0] =	vst v11  }
0xbf: {  	v11 =	vld.idx.msk [tilespmem:v5+s24+$0x0], $0xffff;
	[tilespmem:s13+$0xFFFFBDC0] =	vst v14  }
0xc0: {  	v14 =	vld.idx.msk [tilespmem:v4+s24+$0x0], $0xffff;
	[tilespmem:s13+$0xFFFFBDD0] =	vst v9  }
0xc1: {  	v9 =	vld.idx.msk [tilespmem:v3+s24+$0x0], $0xffff;
	[tilespmem:s13+$0xFFFFBDE0] =	vst v10  }
0xc2: {  	v10 =	vld.idx.msk [tilespmem:v0+s24+$0x0], $0xffff;
	[tilespmem:s13+$0xFFFFBDF0] =	vst v12  }
0xc3: {  	[tilespmem:s13+$0xFFFFBE10] =	vst v13;
	v12 =	vld.idx.msk [tilespmem:v2+s24+$0x0], $0xffff  }
0xc4: {  	[tilespmem:s13+$0xFFFFBE20] =	vst v11;
	v11 =	vld.idx.msk [tilespmem:v1+s24+$0x0], $0xffff  }
0xc5: {  	[tilespmem:s13+$0xFFFFC000] =	vst v8;
	v13 =	vld.idx.msk [tilespmem:v6+s26+$0x0], $0xffff  }
0xc6: {  	v8 =	vld.idx.msk [tilespmem:v7+s8+$0x0], $0xffff;
	[tilespmem:s13+$0xFFFFBE30] =	vst v14  }
0xc7: {  	v14 =	vld.idx.msk [tilespmem:v5+s26+$0x0], $0xffff;
	[tilespmem:s13+$0xFFFFBE40] =	vst v9  }
0xc8: {  	v9 =	vld.idx.msk [tilespmem:v4+s26+$0x0], $0xffff;
	[tilespmem:s13+$0xFFFFBE50] =	vst v10  }
0xc9: {  	v10 =	vld.idx.msk [tilespmem:v3+s26+$0x0], $0xffff;
	[tilespmem:s13+$0xFFFFBE60] =	vst v12  }
0xca: {  	v12 =	vld.idx.msk [tilespmem:v0+s26+$0x0], $0xffff;
	[tilespmem:s13+$0xFFFFBE70] =	vst v11  }
0xcb: {  	[tilespmem:s13+$0xFFFFBE90] =	vst v13;
	v11 =	vld.idx.msk [tilespmem:v2+s26+$0x0], $0xffff  }
0xcc: {  	[tilespmem:s13+$0xFFFFFC80] =	vst v8;
	v13 =	vld.idx.msk [tilespmem:v1+s26+$0x0], $0xffff  }
0xcd: {  	[tilespmem:s13+$0xFFFFBEA0] =	vst v14;
	v14 =	vld.idx.msk [tilespmem:v6+s29+$0x0], $0xffff  }
0xce: {  	v8 =	vld.idx.msk [tilespmem:v7+s9+$0x0], $0xffff;
	[tilespmem:s13+$0xFFFFBEB0] =	vst v9  }
0xcf: {  	v9 =	vld.idx.msk [tilespmem:v5+s29+$0x0], $0xffff;
	[tilespmem:s13+$0xFFFFBEC0] =	vst v10  }
0xd0: {  	v10 =	vld.idx.msk [tilespmem:v4+s29+$0x0], $0xffff;
	[tilespmem:s13+$0xFFFFBED0] =	vst v12  }
0xd1: {  	v12 =	vld.idx.msk [tilespmem:v3+s29+$0x0], $0xffff;
	[tilespmem:s13+$0xFFFFBEE0] =	vst v11  }
0xd2: {  	v11 =	vld.idx.msk [tilespmem:v0+s29+$0x0], $0xffff;
	[tilespmem:s13+$0xFFFFBEF0] =	vst v13  }
0xd3: {  	[tilespmem:s13+$0xFFFFBF10] =	vst v14;
	v13 =	vld.idx.msk [tilespmem:v2+s29+$0x0], $0xffff  }
0xd4: {  	[tilespmem:s13+$0xFFFFFD00] =	vst v8;
	v14 =	vld.idx.msk [tilespmem:v1+s29+$0x0], $0xffff  }
0xd5: {  	[tilespmem:s13+$0xFFFFBF20] =	vst v9;
	v9 =	vld.idx.msk [tilespmem:v6+s11+$0x0], $0xffff  }
0xd6: {  	v8 =	vld.idx.msk [tilespmem:v7+s17+$0x0], $0xffff;
	[tilespmem:s13+$0xFFFFBF30] =	vst v10  }
0xd7: {  	v10 =	vld.idx.msk [tilespmem:v5+s11+$0x0], $0xffff;
	[tilespmem:s13+$0xFFFFBF40] =	vst v12  }
0xd8: {  	v12 =	vld.idx.msk [tilespmem:v4+s11+$0x0], $0xffff;
	[tilespmem:s13+$0xFFFFBF50] =	vst v11  }
0xd9: {  	v11 =	vld.idx.msk [tilespmem:v3+s11+$0x0], $0xffff;
	[tilespmem:s13+$0xFFFFBF60] =	vst v13  }
0xda: {  	v13 =	vld.idx.msk [tilespmem:v0+s11+$0x0], $0xffff;
	[tilespmem:s13+$0xFFFFBF70] =	vst v14  }
0xdb: {  	v14 =	vld.idx.msk [tilespmem:v2+s11+$0x0], $0xffff;
	[tilespmem:s13+$0xFFFFBF90] =	vst v9  }
0xdc: {  	[tilespmem:s13+$0xFFFFFD80] =	vst v8;
	v9 =	vld.idx.msk [tilespmem:v1+s11+$0x0], $0xffff  }
0xdd: {  	[tilespmem:s13+$0xFFFFBFA0] =	vst v10;
	v8 =	vld.idx.msk [tilespmem:v7+s19+$0x0], $0xffff  }
0xde: {  	v10 =	vld.idx.msk [tilespmem:v6+s8+$0x0], $0xffff;
	[tilespmem:s13+$0xFFFFBFB0] =	vst v12  }
0xdf: {  	v12 =	vld.idx.msk [tilespmem:v5+s8+$0x0], $0xffff;
	[tilespmem:s13+$0xFFFFBFC0] =	vst v11  }
0xe0: {  	v11 =	vld.idx.msk [tilespmem:v4+s8+$0x0], $0xffff;
	[tilespmem:s13+$0xFFFFBFD0] =	vst v13  }
0xe1: {  	v13 =	vld.idx.msk [tilespmem:v3+s8+$0x0], $0xffff;
	[tilespmem:s13+$0xFFFFBFE0] =	vst v14  }
0xe2: {  	v14 =	vld.idx.msk [tilespmem:v0+s8+$0x0], $0xffff;
	[tilespmem:s13+$0xFFFFFE00] =	vst v8  }
0xe3: {  	[tilespmem:s13+$0xFFFFBFF0] =	vst v9;
	v8 =	vld.idx.msk [tilespmem:v7+s21+$0x0], $0xffff  }
0xe4: {  	[tilespmem:s13+$0xFFFFFC10] =	vst v10;
	v9 =	vld.idx.msk [tilespmem:v2+s8+$0x0], $0xffff  }
0xe5: {  	[tilespmem:s13+$0xFFFFFC20] =	vst v12;
	v10 =	vld.idx.msk [tilespmem:v1+s8+$0x0], $0xffff  }
0xe6: {  	v12 =	vld.idx.msk [tilespmem:v6+s9+$0x0], $0xffff;
	[tilespmem:s13+$0xFFFFFC30] =	vst v11  }
0xe7: {  	v11 =	vld.idx.msk [tilespmem:v5+s9+$0x0], $0xffff;
	[tilespmem:s13+$0xFFFFFC40] =	vst v13  }
0xe8: {  	v13 =	vld.idx.msk [tilespmem:v4+s9+$0x0], $0xffff;
	[tilespmem:s13+$0xFFFFFE80] =	vst v8  }
0xe9: {  	[tilespmem:s13+$0xFFFFFC50] =	vst v14;
	v8 =	vld.idx.msk [tilespmem:v7+s23+$0x0], $0xffff  }
0xea: {  	v14 =	vld.idx.msk [tilespmem:v3+s9+$0x0], $0xffff;
	[tilespmem:s13+$0xFFFFFC60] =	vst v9  }
0xeb: {  	v9 =	vld.idx.msk [tilespmem:v0+s9+$0x0], $0xffff;
	[tilespmem:s13+$0xFFFFFC70] =	vst v10  }
0xec: {  	[tilespmem:s13+$0xFFFFFC90] =	vst v12;
	v10 =	vld.idx.msk [tilespmem:v2+s9+$0x0], $0xffff  }
0xed: {  	[tilespmem:s13+$0xFFFFFCA0] =	vst v11;
	v11 =	vld.idx.msk [tilespmem:v1+s9+$0x0], $0xffff  }
0xee: {  	v12 =	vld.idx.msk [tilespmem:v6+s17+$0x0], $0xffff;
	[tilespmem:s13+$0xFFFFFF00] =	vst v8  }
0xef: {  	[tilespmem:s13+$0xFFFFFCB0] =	vst v13;
	v8 =	vld.idx.msk [tilespmem:v7+s25+$0x0], $0xffff  }
0xf0: {  	v13 =	vld.idx.msk [tilespmem:v5+s17+$0x0], $0xffff;
	[tilespmem:s13+$0xFFFFFCC0] =	vst v14  }
0xf1: {  	[tilespmem:s13+$0xFFFFFCD0] =	vst v9;
	v15 =	vld.idx.msk [tilespmem:v3+s17+$0x0], $0xffff  }
0xf2: {  	v14 =	vld.idx.msk [tilespmem:v4+s17+$0x0], $0xffff;
	[tilespmem:s13+$0xFFFFFCE0] =	vst v10  }
0xf3: {  	v16 =	vld.idx.msk [tilespmem:v0+s17+$0x0], $0xffff;
	[tilespmem:s13+$0xFFFFFCF0] =	vst v11  }
0xf4: {  	v11 =	vld.idx.msk [tilespmem:v2+s17+$0x0], $0xffff;
	[tilespmem:s13+$0xFFFFFF80] =	vst v8  }
0xf5: {  	[tilespmem:s13+$0xFFFFFD10] =	vst v12;
	v9 =	vld.idx.msk [tilespmem:v7+s28+$0x0], $0xffff  }
0xf6: {  	v12 =	vld.idx.msk [tilespmem:v1+s17+$0x0], $0xffff;
	[tilespmem:s13+$0xFFFFFD40] =	vst v15  }
0xf7: {  	[tilespmem:s13+$0xFFFFFD20] =	vst v13;
	v10 =	vld.idx.msk [tilespmem:v3+s19+$0x0], $0xffff  }
0xf8: {  	[tilespmem:s13+$0xFFFFFD30] =	vst v14;
	v7 =	vld.idx.msk [tilespmem:v6+s19+$0x0], $0xffff  }
0xf9: {  	s15 =	sshll.u32 s3, $0x1;
	[tilespmem:s13+$0xFFFFFD50] =	vst v16;
	v8 =	vld.idx.msk [tilespmem:v5+s19+$0x0], $0xffff  }
0xfa: {  	s4 =	sshll.u32 s3, $0x5;
	s0 =	sadd.s32 s6, s15;
	[tilespmem:s13+$0x0] =	vst v9;
	v9 =	vld.idx.msk [tilespmem:v4+s19+$0x0], $0xffff  }
0xfb: {  	s10 =	simm.s32 $0x0;
	s4 =	sand.u32 $0x60, s4;
	s2 =	sshll.u32 s0, $0x8;
	v14 =	vld.idx.msk [tilespmem:v0+s19+$0x0], $0xffff;
	[tilespmem:s13+$0xFFFFFD60] =	vst v11  }
0xfc: {  	s15 =	simm.s32 $0x5C70;
	s14 =	simm.s32 $0x9C0;
	s2 =	sand.u32 $0x7F800, s2;
	v15 =	vld.idx.msk [tilespmem:v2+s19+$0x0], $0xffff;
	[tilespmem:s13+$0xFFFFFD70] =	vst v12  }
.LBB2_3:
0xfd: {  	v16 =	vld [tilespmem:s14+$0x30];
	s10 =	sadd.s32 $0x8, s10;
	[tilespmem:s13+$0xFFFFFD90] =	vst v7  }
0xfe: {  	v13 =	vld [tilespmem:s14+$0xFFFFFFD0];
	p1 =	slt.u32 s10, $0x78;
	[tilespmem:s13+$0xFFFFFDA0] =	vst v8  }
0xff: {  	v12 =	vld [tilespmem:s14+$0xFFFFFFE0];
	[tilespmem:s13+$0xFFFFFDB0] =	vst v9  }
0x100: {  	v11 =	vld [tilespmem:s14+$0xFFFFFFF0];
	[tilespmem:s13+$0xFFFFFDC0] =	vst v10  }
0x101: {  	v10 =	vld [tilespmem:s14+$0x0];
	[tilespmem:s13+$0xFFFFFDD0] =	vst v14  }
0x102: {  	v9 =	vld [tilespmem:s14+$0x10];
	v7 =	vcvt.s32.f32 v16;
	[tilespmem:s13+$0xFFFFFDE0] =	vst v15  }
0x103: {  	v14 =	vcvt.s32.f32 v13;
	v8 =	vld [tilespmem:s14+$0x20]  }
0x104: {  	v15 =	vld [tilespmem:s14+$0xFFFFFFC0];
	v17 =	vcvt.s32.f32 v12;
	v7 =	vshra.s32 v7, $0x14  }
0x105: {  	v14 =	vshra.s32 v14, $0x14;
	v18 =	vcvt.s32.f32 v11;
	vm0 =	vgt.s32 v7, $0x3F8;
	v19 =	vld.idx.msk [tilespmem:v1+s19+$0x0], $0xffff  }
0x106: {  	v17 =	vshra.s32 v17, $0x14;
	v20 =	vcvt.s32.f32 v10;
	v7 =	vnsel vm0, $0x3F8, v7;
	v21 =	vld.idx.msk [tilespmem:v6+s21+$0x0], $0xffff  }
0x107: {  	v18 =	vshra.s32 v18, $0x14;
	v22 =	vcvt.s32.f32 v9;
	v7 =	vmin.u32 v7, $0x477;
	v23 =	vld.idx.msk [tilespmem:v5+s21+$0x0], $0xffff  }
0x108: {  	v20 =	vshra.s32 v20, $0x14;
	v24 =	vcvt.s32.f32 v8;
	v7 =	vadd.s32 $0xFFFFFC08, v7;
	v25 =	vld.idx.msk [tilespmem:v4+s21+$0x0], $0xffff  }
0x109: {  	vm0 =	vgt.s32 v14, $0x3F8;
	v26 =	vcvt.s32.f32 v15;
	v22 =	vshra.s32 v22, $0x14;
	v27 =	vld.idx.msk [tilespmem:v3+s21+$0x0], $0xffff  }
0x10a: {  	vm1 =	vgt.s32 v17, $0x3F8;
	vm2 =	vgt.s32 v18, $0x3F8;
	v24 =	vshra.s32 v24, $0x14;
	v28 =	vld.idx.msk [tilespmem:v0+s21+$0x0], $0xffff  }
0x10b: {  	vm3 =	vgt.s32 v20, $0x3F8;
	vm4 =	vgt.s32 v22, $0x3F8;
	v26 =	vshra.s32 v26, $0x14;
	v29 =	vld.idx.msk [tilespmem:v2+s21+$0x0], $0xffff;
	[tilespmem:s13+$0xFFFFFDF0] =	vst v19  }
0x10c: {  	v14 =	vnsel vm0, $0x3F8, v14;
	vm0 =	vgt.s32 v24, $0x3F8;
	vm5 =	vgt.s32 v26, $0x3F8;
	[tilespmem:s13+$0xFFFFFE10] =	vst v21;
	v19 =	vld.idx.msk [tilespmem:v1+s21+$0x0], $0xffff  }
0x10d: {  	v17 =	vnsel vm1, $0x3F8, v17;
	v18 =	vnsel vm2, $0x3F8, v18;
	v21 =	vnsel vm5, $0x3F8, v26;
	v7 =	vld.idx.msk [tilespmem:v7+s7+$0x0], $0xffff;
	[tilespmem:s13+$0xFFFFFE20] =	vst v23  }
0x10e: {  	v20 =	vnsel vm3, $0x3F8, v20;
	v22 =	vnsel vm4, $0x3F8, v22;
	v23 =	vnsel vm0, $0x3F8, v24;
	v24 =	vld.idx.msk [tilespmem:v6+s23+$0x0], $0xffff;
	[tilespmem:s13+$0xFFFFFE30] =	vst v25  }
0x10f: {  	v14 =	vmin.u32 v14, $0x477;
	v17 =	vmin.u32 v17, $0x477;
	v21 =	vmin.u32 v21, $0x477;
	v25 =	vld.idx.msk [tilespmem:v5+s23+$0x0], $0xffff;
	[tilespmem:s13+$0xFFFFFE40] =	vst v27  }
0x110: {  	v18 =	vmin.u32 v18, $0x477;
	v20 =	vmin.u32 v20, $0x477;
	v22 =	vmin.u32 v22, $0x477;
	v26 =	vld.idx.msk [tilespmem:v4+s23+$0x0], $0xffff;
	[tilespmem:s13+$0xFFFFFE50] =	vst v28  }
0x111: {  	v14 =	vadd.s32 $0xFFFFFC08, v14;
	v23 =	vmin.u32 v23, $0x477;
	v21 =	vadd.s32 $0xFFFFFC08, v21;
	v27 =	vld.idx.msk [tilespmem:v3+s23+$0x0], $0xffff;
	[tilespmem:s13+$0xFFFFFE60] =	vst v29  }
0x112: {  	v17 =	vadd.s32 $0xFFFFFC08, v17;
	v18 =	vadd.s32 $0xFFFFFC08, v18;
	v20 =	vadd.s32 $0xFFFFFC08, v20;
	v28 =	vld.idx.msk [tilespmem:v0+s23+$0x0], $0xffff;
	[tilespmem:s13+$0xFFFFFE70] =	vst v19  }
0x113: {  	v19 =	vadd.s32 $0xFFFFFC08, v22;
	v22 =	vadd.s32 $0xFFFFFC08, v23;
	v23 =	vand.u32 $0x1FFFF, v7;
	v29 =	vld.idx.msk [tilespmem:v2+s23+$0x0], $0xffff  }
0x114: {  	v30 =	vshrl.u32 v7, $0x11;
	v7 =	vshra.s32 v7, $0x16;
	vm0 =	vlt.s32 v16, v23;
	[tilespmem:s13+$0xFFFFFE90] =	vst v24;
	v16 =	vld.idx.msk [tilespmem:v1+s23+$0x0], $0xffff  }
0x115: {  	v23 =	vand.u32 $0x1F, v30;
	v7 =	vsel vm0, $0x0, v7;
	v24 =	vld.idx.msk [tilespmem:v6+s25+$0x0], $0xffff;
	[tilespmem:s13+$0xFFFFFEA0] =	vst v25  }
0x116: {  	v7 =	vadd.s32 v23, v7;
	v21 =	vld.idx.msk [tilespmem:v21+s7+$0x0], $0xffff;
	[tilespmem:s13+$0xFFFFFEB0] =	vst v26  }
0x117: {  	v14 =	vld.idx.msk [tilespmem:v14+s7+$0x0], $0xffff;
	[tilespmem:s13+$0xFFFFFEC0] =	vst v27  }
0x118: {  	v17 =	vld.idx.msk [tilespmem:v17+s7+$0x0], $0xffff;
	[tilespmem:s13+$0xFFFFFED0] =	vst v28  }
0x119: {  	v18 =	vld.idx.msk [tilespmem:v18+s7+$0x0], $0xffff;
	[tilespmem:s13+$0xFFFFFEE0] =	vst v29  }
0x11a: {  	v20 =	vld.idx.msk [tilespmem:v20+s7+$0x0], $0xffff;
	[tilespmem:s13+$0xFFFFFEF0] =	vst v16  }
0x11b: {  	v16 =	vld.idx.msk [tilespmem:v7+s12+$0x0], $0xffff;
	[tilespmem:s13+$0xFFFFFF10] =	vst v24  }
0x11c: {  	v23 =	vand.u32 $0x1FFFF, v21;
	v24 =	vshrl.u32 v21, $0x11;
	v21 =	vshra.s32 v21, $0x16;
	v19 =	vld.idx.msk [tilespmem:v19+s7+$0x0], $0xffff  }
0x11d: {  	vm0 =	vlt.s32 v15, v23;
	v15 =	vand.u32 $0x1FFFF, v14;
	v23 =	vshrl.u32 v14, $0x11;
	v22 =	vld.idx.msk [tilespmem:v22+s7+$0x0], $0xffff  }
0x11e: {  	v14 =	vshra.s32 v14, $0x16;
	vm1 =	vlt.s32 v13, v15;
	v13 =	vand.u32 $0x1FFFF, v17;
	v15 =	vld.idx.msk [tilespmem:v5+s25+$0x0], $0xffff  }
0x11f: {  	v25 =	vshrl.u32 v17, $0x11;
	vm2 =	vlt.s32 v12, v13;
	v12 =	vand.u32 $0x1FFFF, v18;
	v13 =	vld.idx.msk [tilespmem:v4+s25+$0x0], $0xffff  }
0x120: {  	s13 =	sadd.s32 $0x400, s13;
	v17 =	vshra.s32 v17, $0x16;
	vm3 =	vlt.s32 v11, v12;
	v11 =	vand.u32 $0x1FFFF, v20;
	v12 =	vld.idx.msk [tilespmem:v3+s25+$0x0], $0xffff  }
0x121: {  	v26 =	vshrl.u32 v18, $0x11;
	v18 =	vshra.s32 v18, $0x16;
	vm4 =	vlt.s32 v10, v11;
	[tilespmem:s13+$0xFFFFBC80] =	vst v16;
	v10 =	vld.idx.msk [tilespmem:v0+s25+$0x0], $0xffff  }
0x122: {  	v11 =	vshrl.u32 v20, $0x11;
	v16 =	vshra.s32 v20, $0x16;
	v20 =	vand.u32 $0x1FFFF, v19;
	v27 =	vld.idx.msk [tilespmem:v7+s18+$0x0], $0xffff  }
0x123: {  	v28 =	vshrl.u32 v19, $0x11;
	vm5 =	vlt.s32 v9, v20;
	v9 =	vand.u32 $0x1FFFF, v22;
	v20 =	vld.idx.msk [tilespmem:v2+s25+$0x0], $0xffff  }
0x124: {  	v19 =	vshra.s32 v19, $0x16;
	v29 =	vshrl.u32 v22, $0x11;
	vm6 =	vlt.s32 v8, v9;
	[tilespmem:s15+$0xFFFFFF20] =	vst v15;
	v8 =	vld.idx.msk [tilespmem:v1+s25+$0x0], $0xffff  }
0x125: {  	v14 =	vsel vm1, $0x0, v14;
	v9 =	vsel vm0, $0x0, v21;
	v15 =	vshra.s32 v22, $0x16;
	v21 =	vld.idx.msk [tilespmem:v6+s28+$0x0], $0xffff;
	[tilespmem:s15+$0xFFFFFF30] =	vst v13  }
0x126: {  	v16 =	vsel vm4, $0x0, v16;
	v13 =	vsel vm2, $0x0, v17;
	v17 =	vsel vm3, $0x0, v18;
	v18 =	vld.idx.msk [tilespmem:v5+s28+$0x0], $0xffff;
	[tilespmem:s15+$0xFFFFFF40] =	vst v12  }
0x127: {  	v15 =	vsel vm6, $0x0, v15;
	v5 =	vand.u32 $0x1F, v24;
	v12 =	vsel vm5, $0x0, v19;
	v19 =	vld.idx.msk [tilespmem:v4+s28+$0x0], $0xffff;
	[tilespmem:s15+$0xFFFFFF50] =	vst v10  }
0x128: {  	v22 =	vand.u32 $0x1F, v26;
	v4 =	vand.u32 $0x1F, v23;
	v10 =	vand.u32 $0x1F, v25;
	[tilespmem:s13+$0xFFFFBD00] =	vst v27;
	v23 =	vld.idx.msk [tilespmem:v3+s28+$0x0], $0xffff  }
0x129: {  	v11 =	vand.u32 $0x1F, v11;
	v24 =	vand.u32 $0x1F, v28;
	v25 =	vand.u32 $0x1F, v29;
	v26 =	vld.idx.msk [tilespmem:v7+s20+$0x0], $0xffff;
	[tilespmem:s15+$0xFFFFFF60] =	vst v20  }
0x12a: {  	v6 =	vadd.s32 v5, v9;
	v5 =	vadd.s32 v4, v14;
	v4 =	vadd.s32 v10, v13;
	[tilespmem:s15+$0xFFFFFF70] =	vst v8  }
0x12b: {  	v3 =	vadd.s32 v22, v17;
	v8 =	vadd.s32 v24, v12;
	v9 =	vld.idx.msk [tilespmem:v0+s28+$0x0], $0xffff;
	v0 =	vadd.s32 v11, v16  }
0x12c: {  	v10 =	vadd.s32 v25, v15;
	[tilespmem:s15+$0xFFFFFF90] =	vst v21;
	v11 =	vld.idx.msk [tilespmem:v2+s28+$0x0], $0xffff;
	v2 =	vmov v8  }
0x12d: {  	[tilespmem:s15+$0xFFFFFFA0] =	vst v18;
	v8 =	vld.idx.msk [tilespmem:v1+s28+$0x0], $0xffff;
	v1 =	vmov v10  }
0x12e: {  	[tilespmem:s15+$0xFFFFFFB0] =	vst v19  }
0x12f: {  	v10 =	vld.idx.msk [tilespmem:v6+s12+$0x0], $0xffff;
	[tilespmem:s13+$0xFFFFBD80] =	vst v26  }
0x130: {  	v12 =	vld.idx.msk [tilespmem:v7+s22+$0x0], $0xffff;
	[tilespmem:s15+$0xFFFFFFC0] =	vst v23  }
0x131: {  	v13 =	vld.idx.msk [tilespmem:v5+s12+$0x0], $0xffff;
	[tilespmem:s15+$0xFFFFFFD0] =	vst v9  }
0x132: {  	v9 =	vld.idx.msk [tilespmem:v4+s12+$0x0], $0xffff;
	[tilespmem:s15+$0xFFFFFFE0] =	vst v11  }
0x133: {  	v11 =	vld.idx.msk [tilespmem:v3+s12+$0x0], $0xffff;
	[tilespmem:s15+$0xFFFFFFF0] =	vst v8;
	s15 =	smov.u32 s13  }
0x134: {  	v8 =	vld.idx.msk [tilespmem:v0+s12+$0x0], $0xffff  }
0x135: {  	[tilespmem:s13+$0xFFFFBC10] =	vst v10;
	v10 =	vld.idx.msk [tilespmem:v2+s12+$0x0], $0xffff  }
0x136: {  	v14 =	vld.idx.msk [tilespmem:v1+s12+$0x0], $0xffff;
	[tilespmem:s13+$0xFFFFBE00] =	vst v12  }
0x137: {  	[tilespmem:s13+$0xFFFFBC20] =	vst v13;
	v12 =	vld.idx.msk [tilespmem:v7+s24+$0x0], $0xffff  }
0x138: {  	v13 =	vld.idx.msk [tilespmem:v6+s18+$0x0], $0xffff;
	[tilespmem:s13+$0xFFFFBC30] =	vst v9  }
0x139: {  	v9 =	vld.idx.msk [tilespmem:v5+s18+$0x0], $0xffff;
	[tilespmem:s13+$0xFFFFBC40] =	vst v11  }
0x13a: {  	v11 =	vld.idx.msk [tilespmem:v4+s18+$0x0], $0xffff;
	[tilespmem:s13+$0xFFFFBC50] =	vst v8  }
0x13b: {  	v8 =	vld.idx.msk [tilespmem:v3+s18+$0x0], $0xffff;
	[tilespmem:s13+$0xFFFFBC60] =	vst v10  }
0x13c: {  	v10 =	vld.idx.msk [tilespmem:v0+s18+$0x0], $0xffff;
	[tilespmem:s13+$0xFFFFBC70] =	vst v14  }
0x13d: {  	v14 =	vld.idx.msk [tilespmem:v2+s18+$0x0], $0xffff;
	[tilespmem:s13+$0xFFFFBE80] =	vst v12  }
0x13e: {  	[tilespmem:s13+$0xFFFFBC90] =	vst v13;
	v12 =	vld.idx.msk [tilespmem:v7+s26+$0x0], $0xffff  }
0x13f: {  	[tilespmem:s13+$0xFFFFBCA0] =	vst v9;
	v9 =	vld.idx.msk [tilespmem:v1+s18+$0x0], $0xffff  }
0x140: {  	v13 =	vld.idx.msk [tilespmem:v6+s20+$0x0], $0xffff;
	[tilespmem:s13+$0xFFFFBCB0] =	vst v11  }
0x141: {  	v11 =	vld.idx.msk [tilespmem:v5+s20+$0x0], $0xffff;
	[tilespmem:s13+$0xFFFFBCC0] =	vst v8  }
0x142: {  	v8 =	vld.idx.msk [tilespmem:v4+s20+$0x0], $0xffff;
	[tilespmem:s13+$0xFFFFBCD0] =	vst v10  }
0x143: {  	v10 =	vld.idx.msk [tilespmem:v3+s20+$0x0], $0xffff;
	[tilespmem:s13+$0xFFFFBCE0] =	vst v14  }
0x144: {  	v14 =	vld.idx.msk [tilespmem:v0+s20+$0x0], $0xffff;
	[tilespmem:s13+$0xFFFFBF00] =	vst v12  }
0x145: {  	[tilespmem:s13+$0xFFFFBCF0] =	vst v9;
	v9 =	vld.idx.msk [tilespmem:v7+s29+$0x0], $0xffff  }
0x146: {  	[tilespmem:s13+$0xFFFFBD10] =	vst v13;
	v12 =	vld.idx.msk [tilespmem:v2+s20+$0x0], $0xffff  }
0x147: {  	[tilespmem:s13+$0xFFFFBD20] =	vst v11;
	v11 =	vld.idx.msk [tilespmem:v1+s20+$0x0], $0xffff  }
0x148: {  	v13 =	vld.idx.msk [tilespmem:v6+s22+$0x0], $0xffff;
	[tilespmem:s13+$0xFFFFBD30] =	vst v8  }
0x149: {  	v8 =	vld.idx.msk [tilespmem:v5+s22+$0x0], $0xffff;
	[tilespmem:s13+$0xFFFFBD40] =	vst v10  }
0x14a: {  	v10 =	vld.idx.msk [tilespmem:v4+s22+$0x0], $0xffff;
	[tilespmem:s13+$0xFFFFBD50] =	vst v14  }
0x14b: {  	v14 =	vld.idx.msk [tilespmem:v3+s22+$0x0], $0xffff;
	[tilespmem:s13+$0xFFFFBF80] =	vst v9  }
0x14c: {  	[tilespmem:s13+$0xFFFFBD60] =	vst v12;
	v9 =	vld.idx.msk [tilespmem:v7+s11+$0x0], $0xffff  }
0x14d: {  	v12 =	vld.idx.msk [tilespmem:v0+s22+$0x0], $0xffff;
	[tilespmem:s13+$0xFFFFBD70] =	vst v11  }
0x14e: {  	[tilespmem:s13+$0xFFFFBD90] =	vst v13;
	v11 =	vld.idx.msk [tilespmem:v2+s22+$0x0], $0xffff  }
0x14f: {  	[tilespmem:s13+$0xFFFFBDA0] =	vst v8;
	v8 =	vld.idx.msk [tilespmem:v1+s22+$0x0], $0xffff  }
0x150: {  	v13 =	vld.idx.msk [tilespmem:v6+s24+$0x0], $0xffff;
	[tilespmem:s13+$0xFFFFBDB0] =	vst v10  }
0x151: {  	v10 =	vld.idx.msk [tilespmem:v5+s24+$0x0], $0xffff;
	[tilespmem:s13+$0xFFFFBDC0] =	vst v14  }
0x152: {  	v14 =	vld.idx.msk [tilespmem:v4+s24+$0x0], $0xffff;
	[tilespmem:s13+$0xFFFFC000] =	vst v9  }
0x153: {  	[tilespmem:s13+$0xFFFFBDD0] =	vst v12;
	v9 =	vld.idx.msk [tilespmem:v7+s8+$0x0], $0xffff  }
0x154: {  	v12 =	vld.idx.msk [tilespmem:v3+s24+$0x0], $0xffff;
	[tilespmem:s13+$0xFFFFBDE0] =	vst v11  }
0x155: {  	v11 =	vld.idx.msk [tilespmem:v0+s24+$0x0], $0xffff;
	[tilespmem:s13+$0xFFFFBDF0] =	vst v8  }
0x156: {  	[tilespmem:s13+$0xFFFFBE10] =	vst v13;
	v8 =	vld.idx.msk [tilespmem:v2+s24+$0x0], $0xffff  }
0x157: {  	[tilespmem:s13+$0xFFFFBE20] =	vst v10;
	v10 =	vld.idx.msk [tilespmem:v1+s24+$0x0], $0xffff  }
0x158: {  	v13 =	vld.idx.msk [tilespmem:v6+s26+$0x0], $0xffff;
	[tilespmem:s13+$0xFFFFBE30] =	vst v14  }
0x159: {  	v14 =	vld.idx.msk [tilespmem:v5+s26+$0x0], $0xffff;
	[tilespmem:s13+$0xFFFFFC80] =	vst v9  }
0x15a: {  	[tilespmem:s13+$0xFFFFBE40] =	vst v12;
	v9 =	vld.idx.msk [tilespmem:v7+s9+$0x0], $0xffff  }
0x15b: {  	v12 =	vld.idx.msk [tilespmem:v4+s26+$0x0], $0xffff;
	[tilespmem:s13+$0xFFFFBE50] =	vst v11  }
0x15c: {  	v11 =	vld.idx.msk [tilespmem:v3+s26+$0x0], $0xffff;
	[tilespmem:s13+$0xFFFFBE60] =	vst v8  }
0x15d: {  	v8 =	vld.idx.msk [tilespmem:v0+s26+$0x0], $0xffff;
	[tilespmem:s13+$0xFFFFBE70] =	vst v10  }
0x15e: {  	[tilespmem:s13+$0xFFFFBE90] =	vst v13;
	v10 =	vld.idx.msk [tilespmem:v2+s26+$0x0], $0xffff  }
0x15f: {  	[tilespmem:s13+$0xFFFFBEA0] =	vst v14;
	v13 =	vld.idx.msk [tilespmem:v1+s26+$0x0], $0xffff  }
0x160: {  	v14 =	vld.idx.msk [tilespmem:v6+s29+$0x0], $0xffff;
	[tilespmem:s13+$0xFFFFFD00] =	vst v9  }
0x161: {  	[tilespmem:s13+$0xFFFFBEB0] =	vst v12;
	v9 =	vld.idx.msk [tilespmem:v7+s17+$0x0], $0xffff  }
0x162: {  	v12 =	vld.idx.msk [tilespmem:v5+s29+$0x0], $0xffff;
	[tilespmem:s13+$0xFFFFBEC0] =	vst v11  }
0x163: {  	v11 =	vld.idx.msk [tilespmem:v4+s29+$0x0], $0xffff;
	[tilespmem:s13+$0xFFFFBED0] =	vst v8  }
0x164: {  	v8 =	vld.idx.msk [tilespmem:v3+s29+$0x0], $0xffff;
	[tilespmem:s13+$0xFFFFBEE0] =	vst v10  }
0x165: {  	v10 =	vld.idx.msk [tilespmem:v0+s29+$0x0], $0xffff;
	[tilespmem:s13+$0xFFFFBEF0] =	vst v13  }
0x166: {  	[tilespmem:s13+$0xFFFFBF10] =	vst v14;
	v13 =	vld.idx.msk [tilespmem:v2+s29+$0x0], $0xffff  }
0x167: {  	v14 =	vld.idx.msk [tilespmem:v1+s29+$0x0], $0xffff;
	[tilespmem:s13+$0xFFFFFD80] =	vst v9  }
0x168: {  	[tilespmem:s13+$0xFFFFBF20] =	vst v12;
	v9 =	vld.idx.msk [tilespmem:v7+s19+$0x0], $0xffff  }
0x169: {  	v12 =	vld.idx.msk [tilespmem:v6+s11+$0x0], $0xffff;
	[tilespmem:s13+$0xFFFFBF30] =	vst v11  }
0x16a: {  	v11 =	vld.idx.msk [tilespmem:v5+s11+$0x0], $0xffff;
	[tilespmem:s13+$0xFFFFBF40] =	vst v8  }
0x16b: {  	v8 =	vld.idx.msk [tilespmem:v4+s11+$0x0], $0xffff;
	[tilespmem:s13+$0xFFFFBF50] =	vst v10  }
0x16c: {  	v10 =	vld.idx.msk [tilespmem:v3+s11+$0x0], $0xffff;
	[tilespmem:s13+$0xFFFFBF60] =	vst v13  }
0x16d: {  	v13 =	vld.idx.msk [tilespmem:v0+s11+$0x0], $0xffff;
	[tilespmem:s13+$0xFFFFBF70] =	vst v14  }
0x16e: {  	v14 =	vld.idx.msk [tilespmem:v2+s11+$0x0], $0xffff;
	[tilespmem:s13+$0xFFFFFE00] =	vst v9  }
0x16f: {  	[tilespmem:s13+$0xFFFFBF90] =	vst v12;
	v9 =	vld.idx.msk [tilespmem:v7+s21+$0x0], $0xffff  }
0x170: {  	[tilespmem:s13+$0xFFFFBFA0] =	vst v11;
	v11 =	vld.idx.msk [tilespmem:v1+s11+$0x0], $0xffff  }
0x171: {  	v12 =	vld.idx.msk [tilespmem:v6+s8+$0x0], $0xffff;
	[tilespmem:s13+$0xFFFFBFB0] =	vst v8  }
0x172: {  	v8 =	vld.idx.msk [tilespmem:v5+s8+$0x0], $0xffff;
	[tilespmem:s13+$0xFFFFBFC0] =	vst v10  }
0x173: {  	v10 =	vld.idx.msk [tilespmem:v4+s8+$0x0], $0xffff;
	[tilespmem:s13+$0xFFFFBFD0] =	vst v13  }
0x174: {  	v13 =	vld.idx.msk [tilespmem:v3+s8+$0x0], $0xffff;
	[tilespmem:s13+$0xFFFFBFE0] =	vst v14  }
0x175: {  	v14 =	vld.idx.msk [tilespmem:v0+s8+$0x0], $0xffff;
	[tilespmem:s13+$0xFFFFFE80] =	vst v9  }
0x176: {  	[tilespmem:s13+$0xFFFFBFF0] =	vst v11;
	v9 =	vld.idx.msk [tilespmem:v7+s23+$0x0], $0xffff  }
0x177: {  	[tilespmem:s13+$0xFFFFFC10] =	vst v12;
	v11 =	vld.idx.msk [tilespmem:v2+s8+$0x0], $0xffff  }
0x178: {  	[tilespmem:s13+$0xFFFFFC20] =	vst v8;
	v8 =	vld.idx.msk [tilespmem:v1+s8+$0x0], $0xffff  }
0x179: {  	v12 =	vld.idx.msk [tilespmem:v6+s9+$0x0], $0xffff;
	[tilespmem:s13+$0xFFFFFC30] =	vst v10  }
0x17a: {  	v10 =	vld.idx.msk [tilespmem:v5+s9+$0x0], $0xffff;
	[tilespmem:s13+$0xFFFFFC40] =	vst v13  }
0x17b: {  	v13 =	vld.idx.msk [tilespmem:v4+s9+$0x0], $0xffff;
	[tilespmem:s13+$0xFFFFFC50] =	vst v14  }
0x17c: {  	v14 =	vld.idx.msk [tilespmem:v3+s9+$0x0], $0xffff;
	[tilespmem:s13+$0xFFFFFF00] =	vst v9  }
0x17d: {  	[tilespmem:s13+$0xFFFFFC60] =	vst v11;
	v9 =	vld.idx.msk [tilespmem:v7+s25+$0x0], $0xffff  }
0x17e: {  	v11 =	vld.idx.msk [tilespmem:v0+s9+$0x0], $0xffff;
	[tilespmem:s13+$0xFFFFFC70] =	vst v8  }
0x17f: {  	[tilespmem:s13+$0xFFFFFC90] =	vst v12;
	v8 =	vld.idx.msk [tilespmem:v2+s9+$0x0], $0xffff  }
0x180: {  	[tilespmem:s13+$0xFFFFFCA0] =	vst v10;
	v10 =	vld.idx.msk [tilespmem:v1+s9+$0x0], $0xffff  }
0x181: {  	v12 =	vld.idx.msk [tilespmem:v6+s17+$0x0], $0xffff;
	[tilespmem:s13+$0xFFFFFCB0] =	vst v13  }
0x182: {  	v13 =	vld.idx.msk [tilespmem:v5+s17+$0x0], $0xffff;
	[tilespmem:s13+$0xFFFFFCC0] =	vst v14  }
0x183: {  	v14 =	vld.idx.msk [tilespmem:v4+s17+$0x0], $0xffff;
	[tilespmem:s13+$0xFFFFFF80] =	vst v9  }
0x184: {  	[tilespmem:s13+$0xFFFFFCD0] =	vst v11;
	v9 =	vld.idx.msk [tilespmem:v7+s28+$0x0], $0xffff  }
0x185: {  	v11 =	vld.idx.msk [tilespmem:v3+s17+$0x0], $0xffff;
	[tilespmem:s13+$0xFFFFFCE0] =	vst v8  }
0x186: {  	v15 =	vld.idx.msk [tilespmem:v0+s17+$0x0], $0xffff;
	[tilespmem:s13+$0xFFFFFCF0] =	vst v10  }
0x187: {  	[tilespmem:s13+$0xFFFFFD10] =	vst v12;
	v12 =	vld.idx.msk [tilespmem:v2+s17+$0x0], $0xffff  }
0x188: {  	[tilespmem:s13+$0xFFFFFD20] =	vst v13;
	v13 =	vld.idx.msk [tilespmem:v1+s17+$0x0], $0xffff  }
0x189: {  	v7 =	vld.idx.msk [tilespmem:v6+s19+$0x0], $0xffff;
	[tilespmem:s13+$0xFFFFFD30] =	vst v14  }
.Ltmp2:
0x18a: {  	v8 =	vld.idx.msk [tilespmem:v5+s19+$0x0], $0xffff;
	[tilespmem:s13+$0x0] =	vst v9;
	(pc) =	sbr.rel @p1 .LBB2_3-.Ltmp2, $4  }
0x18b: {  	v9 =	vld.idx.msk [tilespmem:v4+s19+$0x0], $0xffff;
	[tilespmem:s13+$0xFFFFFD40] =	vst v11  }
0x18c: {  	v10 =	vld.idx.msk [tilespmem:v3+s19+$0x0], $0xffff;
	[tilespmem:s13+$0xFFFFFD50] =	vst v15  }
0x18d: {  	v14 =	vld.idx.msk [tilespmem:v0+s19+$0x0], $0xffff;
	[tilespmem:s13+$0xFFFFFD60] =	vst v12  }
0x18e: {  	s14 =	sadd.s32 $0x100, s14;
	v15 =	vld.idx.msk [tilespmem:v2+s19+$0x0], $0xffff;
	[tilespmem:s13+$0xFFFFFD70] =	vst v13  }
0x18f: {  	_ =	sdelay $0x2  }
0x190: {  	[tilespmem:s13+$0xFFFFFD90] =	vst v7  }
0x191: {  	[tilespmem:s13+$0xFFFFFDA0] =	vst v8;
	v37 =	vld.idx.msk [tilespmem:v1+s19+$0x0], $0xffff  }
0x192: {  	[tilespmem:s13+$0xFFFFFDB0] =	vst v9;
	v38 =	vld.idx.msk [tilespmem:v6+s21+$0x0], $0xffff  }
0x193: {  	v39 =	vld.idx.msk [tilespmem:v5+s21+$0x0], $0xffff;
	[tilespmem:s13+$0xFFFFFDC0] =	vst v10  }
0x194: {  	v40 =	vld.idx.msk [tilespmem:v4+s21+$0x0], $0xffff;
	[tilespmem:s13+$0xFFFFFDD0] =	vst v14  }
0x195: {  	v11 =	vld.idx.msk [tilespmem:v3+s21+$0x0], $0xffff;
	[tilespmem:s13+$0xFFFFFDE0] =	vst v15  }
0x196: {  	v12 =	vld.idx.msk [tilespmem:v0+s21+$0x0], $0xffff;
	[tilespmem:s13+$0xFFFFFDF0] =	vst v37  }
0x197: {  	v41 =	vld.idx.msk [tilespmem:v2+s21+$0x0], $0xffff;
	[tilespmem:s13+$0xFFFFFE10] =	vst v38  }
0x198: {  	v42 =	vld.idx.msk [tilespmem:v1+s21+$0x0], $0xffff;
	[tilespmem:s13+$0xFFFFFE20] =	vst v39  }
0x199: {  	v43 =	vld.idx.msk [tilespmem:v6+s23+$0x0], $0xffff;
	[tilespmem:s13+$0xFFFFFE30] =	vst v40  }
0x19a: {  	v44 =	vld.idx.msk [tilespmem:v5+s23+$0x0], $0xffff;
	[tilespmem:s13+$0xFFFFFE40] =	vst v11  }
0x19b: {  	v45 =	vld.idx.msk [tilespmem:v4+s23+$0x0], $0xffff;
	[tilespmem:s13+$0xFFFFFE50] =	vst v12  }
0x19c: {  	v46 =	vld.idx.msk [tilespmem:v3+s23+$0x0], $0xffff;
	[tilespmem:s13+$0xFFFFFE60] =	vst v41  }
0x19d: {  	v47 =	vld.idx.msk [tilespmem:v0+s23+$0x0], $0xffff;
	[tilespmem:s13+$0xFFFFFE70] =	vst v42  }
0x19e: {  	v48 =	vld.idx.msk [tilespmem:v2+s23+$0x0], $0xffff;
	[tilespmem:s13+$0xFFFFFE90] =	vst v43  }
0x19f: {  	v49 =	vld.idx.msk [tilespmem:v1+s23+$0x0], $0xffff;
	[tilespmem:s13+$0xFFFFFEA0] =	vst v44  }
0x1a0: {  	v50 =	vld.idx.msk [tilespmem:v6+s25+$0x0], $0xffff;
	[tilespmem:s13+$0xFFFFFEB0] =	vst v45  }
0x1a1: {  	v51 =	vld.idx.msk [tilespmem:v5+s25+$0x0], $0xffff;
	[tilespmem:s13+$0xFFFFFEC0] =	vst v46  }
0x1a2: {  	v52 =	vld.idx.msk [tilespmem:v4+s25+$0x0], $0xffff;
	[tilespmem:s13+$0xFFFFFED0] =	vst v47  }
0x1a3: {  	v53 =	vld.idx.msk [tilespmem:v3+s25+$0x0], $0xffff;
	[tilespmem:s13+$0xFFFFFEE0] =	vst v48  }
0x1a4: {  	v54 =	vld.idx.msk [tilespmem:v0+s25+$0x0], $0xffff;
	[tilespmem:s13+$0xFFFFFEF0] =	vst v49  }
0x1a5: {  	v55 =	vld.idx.msk [tilespmem:v2+s25+$0x0], $0xffff;
	[tilespmem:s13+$0xFFFFFF10] =	vst v50  }
0x1a6: {  	[tilespmem:s15+$0xFFFFFF20] =	vst v51;
	v56 =	vld.idx.msk [tilespmem:v1+s25+$0x0], $0xffff  }
0x1a7: {  	v57 =	vld.idx.msk [tilespmem:v6+s28+$0x0], $0xffff;
	[tilespmem:s15+$0xFFFFFF30] =	vst v52  }
0x1a8: {  	v58 =	vld.idx.msk [tilespmem:v5+s28+$0x0], $0xffff;
	[tilespmem:s15+$0xFFFFFF40] =	vst v53  }
0x1a9: {  	v59 =	vld.idx.msk [tilespmem:v4+s28+$0x0], $0xffff;
	[tilespmem:s15+$0xFFFFFF50] =	vst v54  }
0x1aa: {  	v60 =	vld.idx.msk [tilespmem:v3+s28+$0x0], $0xffff;
	[tilespmem:s15+$0xFFFFFF60] =	vst v55  }
0x1ab: {  	v61 =	vld.idx.msk [tilespmem:v0+s28+$0x0], $0xffff;
	[tilespmem:s15+$0xFFFFFF70] =	vst v56  }
0x1ac: {  	v62 =	vld.idx.msk [tilespmem:v2+s28+$0x0], $0xffff;
	[tilespmem:s15+$0xFFFFFF90] =	vst v57  }
0x1ad: {  	[tilespmem:s15+$0xFFFFFFA0] =	vst v58;
	v63 =	vld.idx.msk [tilespmem:v1+s28+$0x0], $0xffff  }
0x1ae: {  	[tilespmem:s15+$0xFFFFFFB0] =	vst v59  }
0x1af: {  	[tilespmem:s15+$0xFFFFFFC0] =	vst v60  }
0x1b0: {  	[tilespmem:s15+$0xFFFFFFD0] =	vst v61  }
0x1b1: {  	s10 =	sadd.s32 s5, s4;
	[tilespmem:s15+$0xFFFFFFE0] =	vst v62  }
0x1b2: {  	p1 =	por $0x1, $0x1;
	s10 =	sadd.s32 s2, s10;
	s13 =	simm.s32 $0x0;
	[tilespmem:s15+$0xFFFFFFF0] =	vst v63  }
.LBB2_5:
0x1b3: {  	s14 =	sshll.u32 s13, $0xE  }
0x1b4: {  	s1 =	sshll.u32 s13, $0x16;
	s14 =	sand.u32 $0x3FFFC000, s14  }
0x1b5: {  	s13 =	sadd.s32 s1, s10;
	s15 =	sor.u32 $0x1880, s14  }
0x1b6: {  	[hbm4b:s13+s12] =	stream.strided.scatter [tilespmem:s15], [sflag:$0x3], $0x400, s30, s12, $0x38;
	[tilespmem:$0x11880] =	vst v63  }
0x1b7: {  	s1 =	sadd.s32 $0x80, s13;
	s15 =	sor.u32 $0x1C80, s14  }
0x1b8: {  	[hbm4b:s1+s12] =	stream.strided.scatter [tilespmem:s15], [sflag:$0x3], $0x400, s30, s12, $0x38;
	[tilespmem:$0x11880] =	vst v63  }
0x1b9: {  	s1 =	sor.u32 $0x2080, s14;
	s15 =	sadd.s32 $0x100, s13  }
0x1ba: {  	[hbm4b:s15+s12] =	stream.strided.scatter [tilespmem:s1], [sflag:$0x3], $0x400, s30, s12, $0x38;
	[tilespmem:$0x11880] =	vst v63  }
0x1bb: {  	s1 =	sor.u32 $0x2480, s14;
	s15 =	sadd.s32 $0x180, s13  }
0x1bc: {  	[hbm4b:s15+s12] =	stream.strided.scatter [tilespmem:s1], [sflag:$0x3], $0x400, s30, s12, $0x38;
	[tilespmem:$0x11880] =	vst v63  }
0x1bd: {  	s1 =	sor.u32 $0x2880, s14;
	s15 =	sadd.s32 $0x200, s13  }
0x1be: {  	[hbm4b:s15+s12] =	stream.strided.scatter [tilespmem:s1], [sflag:$0x3], $0x400, s30, s12, $0x38;
	[tilespmem:$0x11880] =	vst v63  }
0x1bf: {  	s1 =	sor.u32 $0x2C80, s14;
	s15 =	sadd.s32 $0x280, s13  }
0x1c0: {  	[hbm4b:s15+s12] =	stream.strided.scatter [tilespmem:s1], [sflag:$0x3], $0x400, s30, s12, $0x38;
	[tilespmem:$0x11880] =	vst v63  }
0x1c1: {  	s1 =	sor.u32 $0x3080, s14;
	s15 =	sadd.s32 $0x300, s13  }
0x1c2: {  	[hbm4b:s15+s12] =	stream.strided.scatter [tilespmem:s1], [sflag:$0x3], $0x400, s30, s12, $0x38;
	[tilespmem:$0x11880] =	vst v63  }
0x1c3: {  	s1 =	sor.u32 $0x3480, s14;
	s15 =	sadd.s32 $0x380, s13  }
0x1c4: {  	[hbm4b:s15+s12] =	stream.strided.scatter [tilespmem:s1], [sflag:$0x3], $0x400, s30, s12, $0x38;
	[tilespmem:$0x11880] =	vst v63  }
0x1c5: {  	s1 =	sor.u32 $0x3880, s14;
	s15 =	sadd.s32 $0x400, s13  }
0x1c6: {  	[hbm4b:s15+s12] =	stream.strided.scatter [tilespmem:s1], [sflag:$0x3], $0x400, s30, s12, $0x38;
	[tilespmem:$0x11880] =	vst v63  }
0x1c7: {  	s1 =	sor.u32 $0x3C80, s14;
	s15 =	sadd.s32 $0x480, s13  }
0x1c8: {  	[hbm4b:s15+s12] =	stream.strided.scatter [tilespmem:s1], [sflag:$0x3], $0x400, s30, s12, $0x38;
	[tilespmem:$0x11880] =	vst v63  }
0x1c9: {  	s1 =	sadd.s32 $0x4080, s14;
	s15 =	sadd.s32 $0x500, s13  }
0x1ca: {  	[hbm4b:s15+s12] =	stream.strided.scatter [tilespmem:s1], [sflag:$0x3], $0x400, s30, s12, $0x38;
	[tilespmem:$0x11880] =	vst v63  }
0x1cb: {  	s1 =	sadd.s32 $0x4480, s14;
	s15 =	sadd.s32 $0x580, s13  }
0x1cc: {  	[hbm4b:s15+s12] =	stream.strided.scatter [tilespmem:s1], [sflag:$0x3], $0x400, s30, s12, $0x38;
	[tilespmem:$0x11880] =	vst v63  }
0x1cd: {  	s1 =	sadd.s32 $0x4880, s14;
	s15 =	sadd.s32 $0x600, s13  }
0x1ce: {  	[hbm4b:s15+s12] =	stream.strided.scatter [tilespmem:s1], [sflag:$0x3], $0x400, s30, s12, $0x38;
	[tilespmem:$0x11880] =	vst v63  }
0x1cf: {  	p2 =	por p1, p1;
	s1 =	sadd.s32 $0x4C80, s14;
	s15 =	sadd.s32 $0x680, s13  }
0x1d0: {  	[hbm4b:s15+s12] =	stream.strided.scatter [tilespmem:s1], [sflag:$0x3], $0x400, s30, s12, $0x38;
	[tilespmem:$0x11880] =	vst v63  }
.Ltmp3:
0x1d1: {  	s1 =	sadd.s32 $0x5080, s14;
	s15 =	sadd.s32 $0x700, s13;
	(pc) =	sbr.rel @p2 .LBB2_5-.Ltmp3, $4  }
0x1d2: {  	[hbm4b:s15+s12] =	stream.strided.scatter [tilespmem:s1], [sflag:$0x3], $0x400, s30, s12, $0x38;
	[tilespmem:$0x11880] =	vst v63  }
0x1d3: {  	s13 =	sadd.s32 $0x780, s13;
	s15 =	sadd.s32 $0x5480, s14  }
0x1d4: {  	[hbm4b:s13+s12] =	stream.strided.scatter [tilespmem:s15], [sflag:$0x3], $0x400, s30, s12, $0x38;
	[tilespmem:$0x11880] =	vst v63  }
0x1d5: {  	p1 =	por $0x0, $0x0;
	s13 =	simm.s32 $0x1  }
0x1d6: {  	p1 =	seq.s32 s3, $0x1F  }
0x1d7: {  	s1 =	sadd.s32 @!p1 $0x2, s0  }
0x1d8: {  	s10 =	sshll.u32 @!p1 s1, $0x4  }
0x1d9: {  	s13 =	rddreg [dreg:$0x0];
	s1 =	sshll.u32 @!p1 s1, $0x8;
	s10 =	sand.u32 @!p1 $0x60, s10  }
0x1da: {  	s1 =	sand.u32 @!p1 $0xFFFF800, s1;
	s10 =	sadd.s32 @!p1 s13, s10  }
0x1db: {  	s13 =	simm.s32 @!p1 $0x880;
	s1 =	sadd.s32 @!p1 s1, s10;
	s10 =	simm.s32 @!p1 $0x0  }
0x1dc: {  	[tilespmem:s13], [sflag:$0x1] =	stream.linear.gather @!p1 [hbm4b:s1+s10], $0x80, $0x38;
	[tilespmem:$0x11880] =	vst v63  }
0x1dd: {  	s14 =	simm.s32 @!p1 $0x980;
	s13 =	sadd.s32 @!p1 $0x80, s1  }
0x1de: {  	[tilespmem:s14], [sflag:$0x1] =	stream.linear.gather @!p1 [hbm4b:s13+s10], $0x80, $0x38;
	[tilespmem:$0x11880] =	vst v63  }
0x1df: {  	s13 =	sadd.s32 @!p1 $0x100, s1;
	s14 =	simm.s32 @!p1 $0xA80  }
0x1e0: {  	[tilespmem:s14], [sflag:$0x1] =	stream.linear.gather @!p1 [hbm4b:s13+s10], $0x80, $0x38;
	[tilespmem:$0x11880] =	vst v63  }
0x1e1: {  	s13 =	sadd.s32 @!p1 $0x180, s1;
	s14 =	simm.s32 @!p1 $0xB80  }
0x1e2: {  	[tilespmem:s14], [sflag:$0x1] =	stream.linear.gather @!p1 [hbm4b:s13+s10], $0x80, $0x38;
	[tilespmem:$0x11880] =	vst v63  }
0x1e3: {  	s13 =	sadd.s32 @!p1 $0x200, s1;
	s14 =	simm.s32 @!p1 $0xC80  }
0x1e4: {  	[tilespmem:s14], [sflag:$0x1] =	stream.linear.gather @!p1 [hbm4b:s13+s10], $0x80, $0x38;
	[tilespmem:$0x11880] =	vst v63  }
0x1e5: {  	s13 =	sadd.s32 @!p1 $0x280, s1;
	s14 =	simm.s32 @!p1 $0xD80  }
0x1e6: {  	[tilespmem:s14], [sflag:$0x1] =	stream.linear.gather @!p1 [hbm4b:s13+s10], $0x80, $0x38;
	[tilespmem:$0x11880] =	vst v63  }
0x1e7: {  	s13 =	sadd.s32 @!p1 $0x300, s1;
	s14 =	simm.s32 @!p1 $0xE80  }
0x1e8: {  	[tilespmem:s14], [sflag:$0x1] =	stream.linear.gather @!p1 [hbm4b:s13+s10], $0x80, $0x38;
	[tilespmem:$0x11880] =	vst v63  }
0x1e9: {  	s13 =	sadd.s32 @!p1 $0x380, s1;
	s14 =	simm.s32 @!p1 $0xF80  }
0x1ea: {  	[tilespmem:s14], [sflag:$0x1] =	stream.linear.gather @!p1 [hbm4b:s13+s10], $0x80, $0x38;
	[tilespmem:$0x11880] =	vst v63  }
0x1eb: {  	s13 =	sadd.s32 @!p1 $0x400, s1;
	s14 =	simm.s32 @!p1 $0x1080  }
0x1ec: {  	[tilespmem:s14], [sflag:$0x1] =	stream.linear.gather @!p1 [hbm4b:s13+s10], $0x80, $0x38;
	[tilespmem:$0x11880] =	vst v63  }
0x1ed: {  	s13 =	sadd.s32 @!p1 $0x480, s1;
	s14 =	simm.s32 @!p1 $0x1180  }
0x1ee: {  	[tilespmem:s14], [sflag:$0x1] =	stream.linear.gather @!p1 [hbm4b:s13+s10], $0x80, $0x38;
	[tilespmem:$0x11880] =	vst v63  }
0x1ef: {  	s13 =	sadd.s32 @!p1 $0x500, s1;
	s14 =	simm.s32 @!p1 $0x1280  }
0x1f0: {  	[tilespmem:s14], [sflag:$0x1] =	stream.linear.gather @!p1 [hbm4b:s13+s10], $0x80, $0x38;
	[tilespmem:$0x11880] =	vst v63  }
0x1f1: {  	s13 =	sadd.s32 @!p1 $0x580, s1;
	s14 =	simm.s32 @!p1 $0x1380  }
0x1f2: {  	[tilespmem:s14], [sflag:$0x1] =	stream.linear.gather @!p1 [hbm4b:s13+s10], $0x80, $0x38;
	[tilespmem:$0x11880] =	vst v63  }
0x1f3: {  	s13 =	sadd.s32 @!p1 $0x600, s1;
	s14 =	simm.s32 @!p1 $0x1480  }
0x1f4: {  	[tilespmem:s14], [sflag:$0x1] =	stream.linear.gather @!p1 [hbm4b:s13+s10], $0x80, $0x38;
	[tilespmem:$0x11880] =	vst v63  }
0x1f5: {  	s13 =	sadd.s32 @!p1 $0x680, s1;
	s14 =	simm.s32 @!p1 $0x1580  }
0x1f6: {  	[tilespmem:s14], [sflag:$0x1] =	stream.linear.gather @!p1 [hbm4b:s13+s10], $0x80, $0x38;
	[tilespmem:$0x11880] =	vst v63  }
0x1f7: {  	s13 =	sadd.s32 @!p1 $0x700, s1;
	s14 =	simm.s32 @!p1 $0x1680  }
0x1f8: {  	[tilespmem:s14], [sflag:$0x1] =	stream.linear.gather @!p1 [hbm4b:s13+s10], $0x80, $0x38;
	[tilespmem:$0x11880] =	vst v63  }
0x1f9: {  	s1 =	sadd.s32 @!p1 $0x780, s1;
	s13 =	simm.s32 @!p1 $0x1780  }
0x1fa: {  	[tilespmem:s13], [sflag:$0x1] =	stream.linear.gather @!p1 [hbm4b:s1+s10], $0x80, $0x38;
	[tilespmem:$0x11880] =	vst v63  }
0x1fb: {  	_ =	swait.ge [sflag:s31], $0x800  }
0x1fc: {  	[sflag:s31] =	ssyncset.done $0x0  }
0x1fd: {  	s1 =	simm.s32 @!p0 $0x4;
	[sflag:s31] =	ssyncadd.s32 $0xFFFFF800  }
0x1fe: {  	_ =	swait.ge @!p0 [sflag:s1], $0x8000  }
0x1ff: {  	[sflag:s1] =	ssyncset.done @!p0 $0x0  }
0x200: {  	s15 =	simm.s32 $0x970;
	[sflag:s1] =	ssyncadd.s32 @!p0 $0xFFFF8000  }
0x201: {  	v0 =	vld [tilespmem:s15+$0x0];
	_ =	sdelay $0x2  }
0x202: {  	v1 =	vld [tilespmem:s15+$0xFFFFFFA0]  }
0x203: {  	v2 =	vld [tilespmem:s15+$0xFFFFFFB0]  }
0x204: {  	v4 =	vld [tilespmem:s15+$0xFFFFFFC0];
	v3 =	vcvt.s32.f32 v0  }
0x205: {  	v5 =	vld [tilespmem:s15+$0xFFFFFFD0]  }
0x206: {  	v6 =	vld [tilespmem:s15+$0xFFFFFFE0];
	v3 =	vshra.s32 v3, $0x14  }
0x207: {  	v8 =	vld [tilespmem:s15+$0xFFFFFFF0];
	vm0 =	vgt.s32 v3, $0x3F8  }
0x208: {  	v9 =	vld [tilespmem:s15+$0xFFFFFF90];
	v3 =	vnsel vm0, $0x3F8, v3  }
0x209: {  	v3 =	vmin.u32 v3, $0x477  }
0x20a: {  	v7 =	vcvt.s32.f32 v1;
	v10 =	vcvt.s32.f32 v2;
	v3 =	vadd.s32 $0xFFFFFC08, v3  }
0x20b: {  	v11 =	vcvt.s32.f32 v4;
	v12 =	vcvt.s32.f32 v5  }
0x20c: {  	v13 =	vcvt.s32.f32 v6;
	v14 =	vcvt.s32.f32 v8  }
0x20d: {  	v15 =	vcvt.s32.f32 v9;
	v7 =	vshra.s32 v7, $0x14;
	v10 =	vshra.s32 v10, $0x14  }
0x20e: {  	v11 =	vshra.s32 v11, $0x14;
	v12 =	vshra.s32 v12, $0x14;
	v13 =	vshra.s32 v13, $0x14  }
0x20f: {  	v14 =	vshra.s32 v14, $0x14;
	v15 =	vshra.s32 v15, $0x14;
	vm15 =	vgt.s32 v7, $0x3F8;
	v3 =	vld.idx.msk [tilespmem:v3+s7+$0x0], $0xffff  }
0x210: {  	vm1 =	vgt.s32 v10, $0x3F8;
	vm2 =	vgt.s32 v11, $0x3F8;
	vm3 =	vgt.s32 v12, $0x3F8  }
0x211: {  	vm4 =	vgt.s32 v15, $0x3F8;
	vm8 =	vgt.s32 v13, $0x3F8;
	v7 =	vnsel vm15, $0x3F8, v7  }
0x212: {  	v15 =	vnsel vm4, $0x3F8, v15;
	v10 =	vnsel vm1, $0x3F8, v10;
	v11 =	vnsel vm2, $0x3F8, v11  }
0x213: {  	v15 =	vmin.u32 v15, $0x477;
	v7 =	vmin.u32 v7, $0x477;
	v10 =	vmin.u32 v10, $0x477  }
0x214: {  	v15 =	vadd.s32 $0xFFFFFC08, v15;
	v16 =	vadd.s32 $0xFFFFFC08, v7;
	v7 =	vand.u32 $0x1FFFF, v3  }
0x215: {  	v17 =	vshrl.u32 v3, $0x11;
	v3 =	vshra.s32 v3, $0x16;
	vm7 =	vlt.s32 v0, v7  }
0x216: {  	v0 =	vadd.s32 $0xFFFFFC08, v10;
	v7 =	vand.u32 $0x1F, v17;
	v3 =	vsel vm7, $0x0, v3  }
0x217: {  	v11 =	vmin.u32 v11, $0x477;
	v10 =	vnsel vm3, $0x3F8, v12;
	v7 =	vadd.s32 v7, v3  }
0x218: {  	v3 =	vmin.u32 v10, $0x477;
	v10 =	vadd.s32 $0xFFFFFC08, v11;
	v11 =	vnsel vm8, $0x3F8, v13  }
0x219: {  	vm9 =	vgt.s32 v14, $0x3F8;
	v12 =	vld.idx.msk [tilespmem:v15+s7+$0x0], $0xffff;
	v3 =	vadd.s32 $0xFFFFFC08, v3;
	v11 =	vmin.u32 v11, $0x477  }
0x21a: {  	v13 =	vnsel vm9, $0x3F8, v14;
	v14 =	vld.idx.msk [tilespmem:v16+s7+$0x0], $0xffff;
	v11 =	vadd.s32 $0xFFFFFC08, v11  }
0x21b: {  	v13 =	vmin.u32 v13, $0x477;
	v0 =	vld.idx.msk [tilespmem:v0+s7+$0x0], $0xffff  }
0x21c: {  	v13 =	vadd.s32 $0xFFFFFC08, v13;
	v15 =	vld.idx.msk [tilespmem:v7+s12+$0x0], $0xffff  }
0x21d: {  	v10 =	vld.idx.msk [tilespmem:v10+s7+$0x0], $0xffff  }
0x21e: {  	v3 =	vld.idx.msk [tilespmem:v3+s7+$0x0], $0xffff  }
0x21f: {  	v16 =	vand.u32 $0x1FFFF, v12;
	v17 =	vshrl.u32 v12, $0x11;
	v12 =	vshra.s32 v12, $0x16;
	v11 =	vld.idx.msk [tilespmem:v11+s7+$0x0], $0xffff  }
0x220: {  	vm10 =	vlt.s32 v9, v16;
	v9 =	vand.u32 $0x1FFFF, v14;
	v16 =	vshrl.u32 v14, $0x11  }
0x221: {  	s13 =	simm.s32 $0xDC70;
	v14 =	vshra.s32 v14, $0x16;
	vm11 =	vlt.s32 v1, v9;
	v13 =	vld.idx.msk [tilespmem:v13+s7+$0x0], $0xffff;
	v1 =	vand.u32 $0x1FFFF, v0  }
0x222: {  	v9 =	vshrl.u32 v0, $0x11;
	vm12 =	vlt.s32 v2, v1;
	[tilespmem:s13+$0xFFFFBC80] =	vst v15;
	v1 =	vand.u32 $0x1FFFF, v10  }
0x223: {  	v0 =	vshra.s32 v0, $0x16;
	v2 =	vld.idx.msk [tilespmem:v7+s18+$0x0], $0xffff;
	vm13 =	vlt.s32 v4, v1;
	v1 =	vand.u32 $0x1FFFF, v3  }
0x224: {  	v9 =	vand.u32 $0x1F, v9;
	vm14 =	vlt.s32 v5, v1;
	v5 =	vand.u32 $0x1FFFF, v11  }
0x225: {  	v0 =	vsel vm12, $0x0, v0;
	v4 =	vshrl.u32 v10, $0x11;
	vm5 =	vlt.s32 v6, v5  }
0x226: {  	v5 =	vand.u32 $0x1FFFF, v13;
	v6 =	vsel vm10, $0x0, v12;
	v12 =	vand.u32 $0x1F, v17  }
0x227: {  	vm15 =	vlt.s32 v8, v5;
	v6 =	vadd.s32 v12, v6;
	v5 =	vsel vm11, $0x0, v14  }
0x228: {  	v12 =	vshra.s32 v13, $0x16;
	[tilespmem:s13+$0xFFFFBD00] =	vst v2;
	v2 =	vshrl.u32 v13, $0x11;
	v13 =	vand.u32 $0x1F, v16  }
0x229: {  	v8 =	vld.idx.msk [tilespmem:v7+s20+$0x0], $0xffff;
	v5 =	vadd.s32 v13, v5;
	v13 =	vand.u32 $0x1F, v4;
	v4 =	vadd.s32 v9, v0  }
0x22a: {  	v10 =	vshra.s32 v10, $0x16;
	v1 =	vshrl.u32 v3, $0x11;
	v3 =	vshra.s32 v3, $0x16  }
0x22b: {  	v15 =	vshrl.u32 v11, $0x11;
	v11 =	vshra.s32 v11, $0x16;
	v10 =	vsel vm13, $0x0, v10  }
0x22c: {  	v1 =	vand.u32 $0x1F, v1;
	v0 =	vsel vm14, $0x0, v3;
	v3 =	vadd.s32 v13, v10  }
0x22d: {  	v9 =	vsel vm5, $0x0, v11;
	v10 =	vand.u32 $0x1F, v15;
	v0 =	vadd.s32 v1, v0;
	v11 =	vld.idx.msk [tilespmem:v6+s12+$0x0], $0xffff  }
0x22e: {  	v1 =	vsel vm15, $0x0, v12;
	[tilespmem:s13+$0xFFFFBD80] =	vst v8;
	v8 =	vand.u32 $0x1F, v2;
	v2 =	vadd.s32 v10, v9;
	v10 =	vld.idx.msk [tilespmem:v4+s12+$0x0], $0xffff  }
0x22f: {  	v9 =	vld.idx.msk [tilespmem:v7+s22+$0x0], $0xffff;
	v1 =	vadd.s32 v8, v1  }
0x230: {  	v8 =	vld.idx.msk [tilespmem:v5+s12+$0x0], $0xffff  }
0x231: {  	v12 =	vld.idx.msk [tilespmem:v3+s12+$0x0], $0xffff  }
0x232: {  	v13 =	vld.idx.msk [tilespmem:v0+s12+$0x0], $0xffff;
	[tilespmem:s13+$0xFFFFBC10] =	vst v11  }
0x233: {  	v11 =	vld.idx.msk [tilespmem:v2+s12+$0x0], $0xffff;
	[tilespmem:s13+$0xFFFFBC30] =	vst v10  }
0x234: {  	v14 =	vld.idx.msk [tilespmem:v1+s12+$0x0], $0xffff;
	[tilespmem:s13+$0xFFFFBE00] =	vst v9  }
0x235: {  	[tilespmem:s13+$0xFFFFBC20] =	vst v8;
	v9 =	vld.idx.msk [tilespmem:v6+s18+$0x0], $0xffff  }
0x236: {  	[tilespmem:s13+$0xFFFFBC40] =	vst v12;
	v12 =	vld.idx.msk [tilespmem:v4+s18+$0x0], $0xffff  }
0x237: {  	[tilespmem:s13+$0xFFFFBC50] =	vst v13;
	v8 =	vld.idx.msk [tilespmem:v7+s24+$0x0], $0xffff  }
0x238: {  	v10 =	vld.idx.msk [tilespmem:v5+s18+$0x0], $0xffff;
	[tilespmem:s13+$0xFFFFBC60] =	vst v11  }
0x239: {  	v13 =	vld.idx.msk [tilespmem:v3+s18+$0x0], $0xffff;
	[tilespmem:s13+$0xFFFFBC70] =	vst v14  }
0x23a: {  	v11 =	vld.idx.msk [tilespmem:v0+s18+$0x0], $0xffff;
	[tilespmem:s13+$0xFFFFBC90] =	vst v9  }
0x23b: {  	v14 =	vld.idx.msk [tilespmem:v2+s18+$0x0], $0xffff;
	[tilespmem:s13+$0xFFFFBCB0] =	vst v12  }
0x23c: {  	[tilespmem:s13+$0xFFFFBE80] =	vst v8;
	v9 =	vld.idx.msk [tilespmem:v1+s18+$0x0], $0xffff  }
0x23d: {  	[tilespmem:s13+$0xFFFFBCA0] =	vst v10;
	v10 =	vld.idx.msk [tilespmem:v6+s20+$0x0], $0xffff  }
0x23e: {  	[tilespmem:s13+$0xFFFFBCC0] =	vst v13;
	v13 =	vld.idx.msk [tilespmem:v4+s20+$0x0], $0xffff  }
0x23f: {  	v8 =	vld.idx.msk [tilespmem:v7+s26+$0x0], $0xffff  }
0x240: {  	v12 =	vld.idx.msk [tilespmem:v5+s20+$0x0], $0xffff;
	[tilespmem:s13+$0xFFFFBCD0] =	vst v11  }
0x241: {  	v11 =	vld.idx.msk [tilespmem:v3+s20+$0x0], $0xffff;
	[tilespmem:s13+$0xFFFFBCE0] =	vst v14  }
0x242: {  	v14 =	vld.idx.msk [tilespmem:v0+s20+$0x0], $0xffff;
	[tilespmem:s13+$0xFFFFBCF0] =	vst v9  }
0x243: {  	[tilespmem:s13+$0xFFFFBD10] =	vst v10;
	v9 =	vld.idx.msk [tilespmem:v2+s20+$0x0], $0xffff  }
0x244: {  	[tilespmem:s13+$0xFFFFBF00] =	vst v8;
	v10 =	vld.idx.msk [tilespmem:v1+s20+$0x0], $0xffff  }
0x245: {  	[tilespmem:s13+$0xFFFFBD20] =	vst v12;
	v12 =	vld.idx.msk [tilespmem:v6+s22+$0x0], $0xffff  }
0x246: {  	[tilespmem:s13+$0xFFFFBD30] =	vst v13;
	v8 =	vld.idx.msk [tilespmem:v7+s29+$0x0], $0xffff  }
0x247: {  	v13 =	vld.idx.msk [tilespmem:v5+s22+$0x0], $0xffff;
	[tilespmem:s13+$0xFFFFBD40] =	vst v11  }
0x248: {  	v11 =	vld.idx.msk [tilespmem:v4+s22+$0x0], $0xffff;
	[tilespmem:s13+$0xFFFFBD50] =	vst v14  }
0x249: {  	v14 =	vld.idx.msk [tilespmem:v3+s22+$0x0], $0xffff;
	[tilespmem:s13+$0xFFFFBD60] =	vst v9  }
0x24a: {  	v9 =	vld.idx.msk [tilespmem:v0+s22+$0x0], $0xffff;
	[tilespmem:s13+$0xFFFFBD70] =	vst v10  }
0x24b: {  	[tilespmem:s13+$0xFFFFBD90] =	vst v12;
	v10 =	vld.idx.msk [tilespmem:v2+s22+$0x0], $0xffff  }
0x24c: {  	[tilespmem:s13+$0xFFFFBF80] =	vst v8;
	v12 =	vld.idx.msk [tilespmem:v1+s22+$0x0], $0xffff  }
0x24d: {  	[tilespmem:s13+$0xFFFFBDA0] =	vst v13;
	v13 =	vld.idx.msk [tilespmem:v6+s24+$0x0], $0xffff  }
0x24e: {  	v8 =	vld.idx.msk [tilespmem:v7+s11+$0x0], $0xffff;
	[tilespmem:s13+$0xFFFFBDB0] =	vst v11  }
0x24f: {  	v11 =	vld.idx.msk [tilespmem:v5+s24+$0x0], $0xffff;
	[tilespmem:s13+$0xFFFFBDC0] =	vst v14  }
0x250: {  	v14 =	vld.idx.msk [tilespmem:v4+s24+$0x0], $0xffff;
	[tilespmem:s13+$0xFFFFBDD0] =	vst v9  }
0x251: {  	v9 =	vld.idx.msk [tilespmem:v3+s24+$0x0], $0xffff;
	[tilespmem:s13+$0xFFFFBDE0] =	vst v10  }
0x252: {  	v10 =	vld.idx.msk [tilespmem:v0+s24+$0x0], $0xffff;
	[tilespmem:s13+$0xFFFFBDF0] =	vst v12  }
0x253: {  	[tilespmem:s13+$0xFFFFBE10] =	vst v13;
	v12 =	vld.idx.msk [tilespmem:v2+s24+$0x0], $0xffff  }
0x254: {  	[tilespmem:s13+$0xFFFFBE20] =	vst v11;
	v11 =	vld.idx.msk [tilespmem:v1+s24+$0x0], $0xffff  }
0x255: {  	[tilespmem:s13+$0xFFFFC000] =	vst v8;
	v13 =	vld.idx.msk [tilespmem:v6+s26+$0x0], $0xffff  }
0x256: {  	v8 =	vld.idx.msk [tilespmem:v7+s8+$0x0], $0xffff;
	[tilespmem:s13+$0xFFFFBE30] =	vst v14  }
0x257: {  	v14 =	vld.idx.msk [tilespmem:v5+s26+$0x0], $0xffff;
	[tilespmem:s13+$0xFFFFBE40] =	vst v9  }
0x258: {  	v9 =	vld.idx.msk [tilespmem:v4+s26+$0x0], $0xffff;
	[tilespmem:s13+$0xFFFFBE50] =	vst v10  }
0x259: {  	v10 =	vld.idx.msk [tilespmem:v3+s26+$0x0], $0xffff;
	[tilespmem:s13+$0xFFFFBE60] =	vst v12  }
0x25a: {  	v12 =	vld.idx.msk [tilespmem:v0+s26+$0x0], $0xffff;
	[tilespmem:s13+$0xFFFFBE70] =	vst v11  }
0x25b: {  	[tilespmem:s13+$0xFFFFBE90] =	vst v13;
	v11 =	vld.idx.msk [tilespmem:v2+s26+$0x0], $0xffff  }
0x25c: {  	[tilespmem:s13+$0xFFFFFC80] =	vst v8;
	v13 =	vld.idx.msk [tilespmem:v1+s26+$0x0], $0xffff  }
0x25d: {  	[tilespmem:s13+$0xFFFFBEA0] =	vst v14;
	v14 =	vld.idx.msk [tilespmem:v6+s29+$0x0], $0xffff  }
0x25e: {  	v8 =	vld.idx.msk [tilespmem:v7+s9+$0x0], $0xffff;
	[tilespmem:s13+$0xFFFFBEB0] =	vst v9  }
0x25f: {  	v9 =	vld.idx.msk [tilespmem:v5+s29+$0x0], $0xffff;
	[tilespmem:s13+$0xFFFFBEC0] =	vst v10  }
0x260: {  	v10 =	vld.idx.msk [tilespmem:v4+s29+$0x0], $0xffff;
	[tilespmem:s13+$0xFFFFBED0] =	vst v12  }
0x261: {  	v12 =	vld.idx.msk [tilespmem:v3+s29+$0x0], $0xffff;
	[tilespmem:s13+$0xFFFFBEE0] =	vst v11  }
0x262: {  	v11 =	vld.idx.msk [tilespmem:v0+s29+$0x0], $0xffff;
	[tilespmem:s13+$0xFFFFBEF0] =	vst v13  }
0x263: {  	[tilespmem:s13+$0xFFFFBF10] =	vst v14;
	v13 =	vld.idx.msk [tilespmem:v2+s29+$0x0], $0xffff  }
0x264: {  	[tilespmem:s13+$0xFFFFFD00] =	vst v8;
	v14 =	vld.idx.msk [tilespmem:v1+s29+$0x0], $0xffff  }
0x265: {  	[tilespmem:s13+$0xFFFFBF20] =	vst v9;
	v9 =	vld.idx.msk [tilespmem:v6+s11+$0x0], $0xffff  }
0x266: {  	v8 =	vld.idx.msk [tilespmem:v7+s17+$0x0], $0xffff;
	[tilespmem:s13+$0xFFFFBF30] =	vst v10  }
0x267: {  	v10 =	vld.idx.msk [tilespmem:v5+s11+$0x0], $0xffff;
	[tilespmem:s13+$0xFFFFBF40] =	vst v12  }
0x268: {  	v12 =	vld.idx.msk [tilespmem:v4+s11+$0x0], $0xffff;
	[tilespmem:s13+$0xFFFFBF50] =	vst v11  }
0x269: {  	v11 =	vld.idx.msk [tilespmem:v3+s11+$0x0], $0xffff;
	[tilespmem:s13+$0xFFFFBF60] =	vst v13  }
0x26a: {  	v13 =	vld.idx.msk [tilespmem:v0+s11+$0x0], $0xffff;
	[tilespmem:s13+$0xFFFFBF70] =	vst v14  }
0x26b: {  	v14 =	vld.idx.msk [tilespmem:v2+s11+$0x0], $0xffff;
	[tilespmem:s13+$0xFFFFBF90] =	vst v9  }
0x26c: {  	[tilespmem:s13+$0xFFFFFD80] =	vst v8;
	v9 =	vld.idx.msk [tilespmem:v1+s11+$0x0], $0xffff  }
0x26d: {  	[tilespmem:s13+$0xFFFFBFA0] =	vst v10;
	v8 =	vld.idx.msk [tilespmem:v7+s19+$0x0], $0xffff  }
0x26e: {  	v10 =	vld.idx.msk [tilespmem:v6+s8+$0x0], $0xffff;
	[tilespmem:s13+$0xFFFFBFB0] =	vst v12  }
0x26f: {  	v12 =	vld.idx.msk [tilespmem:v5+s8+$0x0], $0xffff;
	[tilespmem:s13+$0xFFFFBFC0] =	vst v11  }
0x270: {  	v11 =	vld.idx.msk [tilespmem:v4+s8+$0x0], $0xffff;
	[tilespmem:s13+$0xFFFFBFD0] =	vst v13  }
0x271: {  	v13 =	vld.idx.msk [tilespmem:v3+s8+$0x0], $0xffff;
	[tilespmem:s13+$0xFFFFBFE0] =	vst v14  }
0x272: {  	v14 =	vld.idx.msk [tilespmem:v0+s8+$0x0], $0xffff;
	[tilespmem:s13+$0xFFFFFE00] =	vst v8  }
0x273: {  	[tilespmem:s13+$0xFFFFBFF0] =	vst v9;
	v8 =	vld.idx.msk [tilespmem:v7+s21+$0x0], $0xffff  }
0x274: {  	[tilespmem:s13+$0xFFFFFC10] =	vst v10;
	v9 =	vld.idx.msk [tilespmem:v2+s8+$0x0], $0xffff  }
0x275: {  	[tilespmem:s13+$0xFFFFFC20] =	vst v12;
	v10 =	vld.idx.msk [tilespmem:v1+s8+$0x0], $0xffff  }
0x276: {  	v12 =	vld.idx.msk [tilespmem:v6+s9+$0x0], $0xffff;
	[tilespmem:s13+$0xFFFFFC30] =	vst v11  }
0x277: {  	v11 =	vld.idx.msk [tilespmem:v5+s9+$0x0], $0xffff;
	[tilespmem:s13+$0xFFFFFC40] =	vst v13  }
0x278: {  	v13 =	vld.idx.msk [tilespmem:v4+s9+$0x0], $0xffff;
	[tilespmem:s13+$0xFFFFFE80] =	vst v8  }
0x279: {  	[tilespmem:s13+$0xFFFFFC50] =	vst v14;
	v8 =	vld.idx.msk [tilespmem:v7+s23+$0x0], $0xffff  }
0x27a: {  	v14 =	vld.idx.msk [tilespmem:v3+s9+$0x0], $0xffff;
	[tilespmem:s13+$0xFFFFFC60] =	vst v9  }
0x27b: {  	v9 =	vld.idx.msk [tilespmem:v0+s9+$0x0], $0xffff;
	[tilespmem:s13+$0xFFFFFC70] =	vst v10  }
0x27c: {  	[tilespmem:s13+$0xFFFFFC90] =	vst v12;
	v10 =	vld.idx.msk [tilespmem:v2+s9+$0x0], $0xffff  }
0x27d: {  	[tilespmem:s13+$0xFFFFFCA0] =	vst v11;
	v11 =	vld.idx.msk [tilespmem:v1+s9+$0x0], $0xffff  }
0x27e: {  	v12 =	vld.idx.msk [tilespmem:v6+s17+$0x0], $0xffff;
	[tilespmem:s13+$0xFFFFFF00] =	vst v8  }
0x27f: {  	[tilespmem:s13+$0xFFFFFCB0] =	vst v13;
	v8 =	vld.idx.msk [tilespmem:v7+s25+$0x0], $0xffff  }
0x280: {  	v13 =	vld.idx.msk [tilespmem:v5+s17+$0x0], $0xffff;
	[tilespmem:s13+$0xFFFFFCC0] =	vst v14  }
0x281: {  	[tilespmem:s13+$0xFFFFFCD0] =	vst v9;
	v15 =	vld.idx.msk [tilespmem:v3+s17+$0x0], $0xffff  }
0x282: {  	v14 =	vld.idx.msk [tilespmem:v4+s17+$0x0], $0xffff;
	[tilespmem:s13+$0xFFFFFCE0] =	vst v10  }
0x283: {  	v16 =	vld.idx.msk [tilespmem:v0+s17+$0x0], $0xffff;
	[tilespmem:s13+$0xFFFFFCF0] =	vst v11  }
0x284: {  	v11 =	vld.idx.msk [tilespmem:v2+s17+$0x0], $0xffff;
	[tilespmem:s13+$0xFFFFFF80] =	vst v8  }
0x285: {  	[tilespmem:s13+$0xFFFFFD10] =	vst v12;
	v9 =	vld.idx.msk [tilespmem:v7+s28+$0x0], $0xffff  }
0x286: {  	v12 =	vld.idx.msk [tilespmem:v1+s17+$0x0], $0xffff;
	[tilespmem:s13+$0xFFFFFD40] =	vst v15  }
0x287: {  	[tilespmem:s13+$0xFFFFFD20] =	vst v13;
	v10 =	vld.idx.msk [tilespmem:v3+s19+$0x0], $0xffff  }
0x288: {  	[tilespmem:s13+$0xFFFFFD30] =	vst v14;
	v7 =	vld.idx.msk [tilespmem:v6+s19+$0x0], $0xffff  }
0x289: {  	[tilespmem:s13+$0xFFFFFD50] =	vst v16;
	v8 =	vld.idx.msk [tilespmem:v5+s19+$0x0], $0xffff  }
0x28a: {  	[tilespmem:s13+$0x0] =	vst v9;
	v9 =	vld.idx.msk [tilespmem:v4+s19+$0x0], $0xffff  }
0x28b: {  	s4 =	sor.u32 $0x10, s4;
	v14 =	vld.idx.msk [tilespmem:v0+s19+$0x0], $0xffff;
	[tilespmem:s13+$0xFFFFFD60] =	vst v11  }
0x28c: {  	s14 =	simm.s32 $0xA70;
	s10 =	simm.s32 $0x0;
	s15 =	simm.s32 $0xDC70;
	v15 =	vld.idx.msk [tilespmem:v2+s19+$0x0], $0xffff;
	[tilespmem:s13+$0xFFFFFD70] =	vst v12  }
.LBB2_7:
0x28d: {  	v16 =	vld [tilespmem:s14+$0x0];
	s10 =	sadd.s32 $0x8, s10;
	[tilespmem:s13+$0xFFFFFD90] =	vst v7  }
0x28e: {  	v13 =	vld [tilespmem:s14+$0xFFFFFFA0];
	p0 =	slt.u32 s10, $0x78;
	[tilespmem:s13+$0xFFFFFDA0] =	vst v8  }
0x28f: {  	v12 =	vld [tilespmem:s14+$0xFFFFFFB0];
	[tilespmem:s13+$0xFFFFFDB0] =	vst v9  }
0x290: {  	v11 =	vld [tilespmem:s14+$0xFFFFFFC0];
	[tilespmem:s13+$0xFFFFFDC0] =	vst v10  }
0x291: {  	v10 =	vld [tilespmem:s14+$0xFFFFFFD0];
	[tilespmem:s13+$0xFFFFFDD0] =	vst v14  }
0x292: {  	v9 =	vld [tilespmem:s14+$0xFFFFFFE0];
	v7 =	vcvt.s32.f32 v16;
	[tilespmem:s13+$0xFFFFFDE0] =	vst v15  }
0x293: {  	v14 =	vcvt.s32.f32 v13;
	v8 =	vld [tilespmem:s14+$0xFFFFFFF0]  }
0x294: {  	v15 =	vld [tilespmem:s14+$0xFFFFFF90];
	v17 =	vcvt.s32.f32 v12;
	v7 =	vshra.s32 v7, $0x14  }
0x295: {  	v14 =	vshra.s32 v14, $0x14;
	v18 =	vcvt.s32.f32 v11;
	vm0 =	vgt.s32 v7, $0x3F8;
	v19 =	vld.idx.msk [tilespmem:v1+s19+$0x0], $0xffff  }
0x296: {  	v17 =	vshra.s32 v17, $0x14;
	v20 =	vcvt.s32.f32 v10;
	v7 =	vnsel vm0, $0x3F8, v7;
	v21 =	vld.idx.msk [tilespmem:v6+s21+$0x0], $0xffff  }
0x297: {  	v18 =	vshra.s32 v18, $0x14;
	v22 =	vcvt.s32.f32 v9;
	v7 =	vmin.u32 v7, $0x477;
	v23 =	vld.idx.msk [tilespmem:v5+s21+$0x0], $0xffff  }
0x298: {  	v20 =	vshra.s32 v20, $0x14;
	v24 =	vcvt.s32.f32 v8;
	v7 =	vadd.s32 $0xFFFFFC08, v7;
	v25 =	vld.idx.msk [tilespmem:v4+s21+$0x0], $0xffff  }
0x299: {  	vm0 =	vgt.s32 v14, $0x3F8;
	v26 =	vcvt.s32.f32 v15;
	v22 =	vshra.s32 v22, $0x14;
	v27 =	vld.idx.msk [tilespmem:v3+s21+$0x0], $0xffff  }
0x29a: {  	vm1 =	vgt.s32 v17, $0x3F8;
	vm2 =	vgt.s32 v18, $0x3F8;
	v24 =	vshra.s32 v24, $0x14;
	v28 =	vld.idx.msk [tilespmem:v0+s21+$0x0], $0xffff  }
0x29b: {  	vm3 =	vgt.s32 v20, $0x3F8;
	vm4 =	vgt.s32 v22, $0x3F8;
	v26 =	vshra.s32 v26, $0x14;
	v29 =	vld.idx.msk [tilespmem:v2+s21+$0x0], $0xffff;
	[tilespmem:s13+$0xFFFFFDF0] =	vst v19  }
0x29c: {  	v14 =	vnsel vm0, $0x3F8, v14;
	vm0 =	vgt.s32 v24, $0x3F8;
	vm5 =	vgt.s32 v26, $0x3F8;
	[tilespmem:s13+$0xFFFFFE10] =	vst v21;
	v19 =	vld.idx.msk [tilespmem:v1+s21+$0x0], $0xffff  }
0x29d: {  	v17 =	vnsel vm1, $0x3F8, v17;
	v18 =	vnsel vm2, $0x3F8, v18;
	v21 =	vnsel vm5, $0x3F8, v26;
	v7 =	vld.idx.msk [tilespmem:v7+s7+$0x0], $0xffff;
	[tilespmem:s13+$0xFFFFFE20] =	vst v23  }
0x29e: {  	v20 =	vnsel vm3, $0x3F8, v20;
	v22 =	vnsel vm4, $0x3F8, v22;
	v23 =	vnsel vm0, $0x3F8, v24;
	v24 =	vld.idx.msk [tilespmem:v6+s23+$0x0], $0xffff;
	[tilespmem:s13+$0xFFFFFE30] =	vst v25  }
0x29f: {  	v14 =	vmin.u32 v14, $0x477;
	v17 =	vmin.u32 v17, $0x477;
	v21 =	vmin.u32 v21, $0x477;
	v25 =	vld.idx.msk [tilespmem:v5+s23+$0x0], $0xffff;
	[tilespmem:s13+$0xFFFFFE40] =	vst v27  }
0x2a0: {  	v18 =	vmin.u32 v18, $0x477;
	v20 =	vmin.u32 v20, $0x477;
	v22 =	vmin.u32 v22, $0x477;
	v26 =	vld.idx.msk [tilespmem:v4+s23+$0x0], $0xffff;
	[tilespmem:s13+$0xFFFFFE50] =	vst v28  }
0x2a1: {  	v14 =	vadd.s32 $0xFFFFFC08, v14;
	v23 =	vmin.u32 v23, $0x477;
	v21 =	vadd.s32 $0xFFFFFC08, v21;
	v27 =	vld.idx.msk [tilespmem:v3+s23+$0x0], $0xffff;
	[tilespmem:s13+$0xFFFFFE60] =	vst v29  }
0x2a2: {  	v17 =	vadd.s32 $0xFFFFFC08, v17;
	v18 =	vadd.s32 $0xFFFFFC08, v18;
	v20 =	vadd.s32 $0xFFFFFC08, v20;
	v28 =	vld.idx.msk [tilespmem:v0+s23+$0x0], $0xffff;
	[tilespmem:s13+$0xFFFFFE70] =	vst v19  }
0x2a3: {  	v19 =	vadd.s32 $0xFFFFFC08, v22;
	v22 =	vadd.s32 $0xFFFFFC08, v23;
	v23 =	vand.u32 $0x1FFFF, v7;
	v29 =	vld.idx.msk [tilespmem:v2+s23+$0x0], $0xffff  }
0x2a4: {  	v30 =	vshrl.u32 v7, $0x11;
	v7 =	vshra.s32 v7, $0x16;
	vm0 =	vlt.s32 v16, v23;
	[tilespmem:s13+$0xFFFFFE90] =	vst v24;
	v16 =	vld.idx.msk [tilespmem:v1+s23+$0x0], $0xffff  }
0x2a5: {  	v23 =	vand.u32 $0x1F, v30;
	v7 =	vsel vm0, $0x0, v7;
	v24 =	vld.idx.msk [tilespmem:v6+s25+$0x0], $0xffff;
	[tilespmem:s13+$0xFFFFFEA0] =	vst v25  }
0x2a6: {  	v7 =	vadd.s32 v23, v7;
	v21 =	vld.idx.msk [tilespmem:v21+s7+$0x0], $0xffff;
	[tilespmem:s13+$0xFFFFFEB0] =	vst v26  }
0x2a7: {  	v14 =	vld.idx.msk [tilespmem:v14+s7+$0x0], $0xffff;
	[tilespmem:s13+$0xFFFFFEC0] =	vst v27  }
0x2a8: {  	v17 =	vld.idx.msk [tilespmem:v17+s7+$0x0], $0xffff;
	[tilespmem:s13+$0xFFFFFED0] =	vst v28  }
0x2a9: {  	v18 =	vld.idx.msk [tilespmem:v18+s7+$0x0], $0xffff;
	[tilespmem:s13+$0xFFFFFEE0] =	vst v29  }
0x2aa: {  	v20 =	vld.idx.msk [tilespmem:v20+s7+$0x0], $0xffff;
	[tilespmem:s13+$0xFFFFFEF0] =	vst v16  }
0x2ab: {  	v16 =	vld.idx.msk [tilespmem:v7+s12+$0x0], $0xffff;
	[tilespmem:s13+$0xFFFFFF10] =	vst v24  }
0x2ac: {  	v23 =	vand.u32 $0x1FFFF, v21;
	v24 =	vshrl.u32 v21, $0x11;
	v21 =	vshra.s32 v21, $0x16;
	v19 =	vld.idx.msk [tilespmem:v19+s7+$0x0], $0xffff  }
0x2ad: {  	vm0 =	vlt.s32 v15, v23;
	v15 =	vand.u32 $0x1FFFF, v14;
	v23 =	vshrl.u32 v14, $0x11;
	v22 =	vld.idx.msk [tilespmem:v22+s7+$0x0], $0xffff  }
0x2ae: {  	v14 =	vshra.s32 v14, $0x16;
	vm1 =	vlt.s32 v13, v15;
	v13 =	vand.u32 $0x1FFFF, v17;
	v15 =	vld.idx.msk [tilespmem:v5+s25+$0x0], $0xffff  }
0x2af: {  	v25 =	vshrl.u32 v17, $0x11;
	vm2 =	vlt.s32 v12, v13;
	v12 =	vand.u32 $0x1FFFF, v18;
	v13 =	vld.idx.msk [tilespmem:v4+s25+$0x0], $0xffff  }
0x2b0: {  	s13 =	sadd.s32 $0x400, s13;
	v17 =	vshra.s32 v17, $0x16;
	vm3 =	vlt.s32 v11, v12;
	v11 =	vand.u32 $0x1FFFF, v20;
	v12 =	vld.idx.msk [tilespmem:v3+s25+$0x0], $0xffff  }
0x2b1: {  	v26 =	vshrl.u32 v18, $0x11;
	v18 =	vshra.s32 v18, $0x16;
	vm4 =	vlt.s32 v10, v11;
	[tilespmem:s13+$0xFFFFBC80] =	vst v16;
	v10 =	vld.idx.msk [tilespmem:v0+s25+$0x0], $0xffff  }
0x2b2: {  	v11 =	vshrl.u32 v20, $0x11;
	v16 =	vshra.s32 v20, $0x16;
	v20 =	vand.u32 $0x1FFFF, v19;
	v27 =	vld.idx.msk [tilespmem:v7+s18+$0x0], $0xffff  }
0x2b3: {  	v28 =	vshrl.u32 v19, $0x11;
	vm5 =	vlt.s32 v9, v20;
	v9 =	vand.u32 $0x1FFFF, v22;
	v20 =	vld.idx.msk [tilespmem:v2+s25+$0x0], $0xffff  }
0x2b4: {  	v19 =	vshra.s32 v19, $0x16;
	v29 =	vshrl.u32 v22, $0x11;
	vm6 =	vlt.s32 v8, v9;
	[tilespmem:s15+$0xFFFFFF20] =	vst v15;
	v8 =	vld.idx.msk [tilespmem:v1+s25+$0x0], $0xffff  }
0x2b5: {  	v14 =	vsel vm1, $0x0, v14;
	v9 =	vsel vm0, $0x0, v21;
	v15 =	vshra.s32 v22, $0x16;
	v21 =	vld.idx.msk [tilespmem:v6+s28+$0x0], $0xffff;
	[tilespmem:s15+$0xFFFFFF30] =	vst v13  }
0x2b6: {  	v16 =	vsel vm4, $0x0, v16;
	v13 =	vsel vm2, $0x0, v17;
	v17 =	vsel vm3, $0x0, v18;
	v18 =	vld.idx.msk [tilespmem:v5+s28+$0x0], $0xffff;
	[tilespmem:s15+$0xFFFFFF40] =	vst v12  }
0x2b7: {  	v15 =	vsel vm6, $0x0, v15;
	v5 =	vand.u32 $0x1F, v24;
	v12 =	vsel vm5, $0x0, v19;
	v19 =	vld.idx.msk [tilespmem:v4+s28+$0x0], $0xffff;
	[tilespmem:s15+$0xFFFFFF50] =	vst v10  }
0x2b8: {  	v22 =	vand.u32 $0x1F, v26;
	v4 =	vand.u32 $0x1F, v23;
	v10 =	vand.u32 $0x1F, v25;
	[tilespmem:s13+$0xFFFFBD00] =	vst v27;
	v23 =	vld.idx.msk [tilespmem:v3+s28+$0x0], $0xffff  }
0x2b9: {  	v11 =	vand.u32 $0x1F, v11;
	v24 =	vand.u32 $0x1F, v28;
	v25 =	vand.u32 $0x1F, v29;
	v26 =	vld.idx.msk [tilespmem:v7+s20+$0x0], $0xffff;
	[tilespmem:s15+$0xFFFFFF60] =	vst v20  }
0x2ba: {  	v6 =	vadd.s32 v5, v9;
	v5 =	vadd.s32 v4, v14;
	v4 =	vadd.s32 v10, v13;
	[tilespmem:s15+$0xFFFFFF70] =	vst v8  }
0x2bb: {  	v3 =	vadd.s32 v22, v17;
	v8 =	vadd.s32 v24, v12;
	v9 =	vld.idx.msk [tilespmem:v0+s28+$0x0], $0xffff;
	v0 =	vadd.s32 v11, v16  }
0x2bc: {  	v10 =	vadd.s32 v25, v15;
	[tilespmem:s15+$0xFFFFFF90] =	vst v21;
	v11 =	vld.idx.msk [tilespmem:v2+s28+$0x0], $0xffff;
	v2 =	vmov v8  }
0x2bd: {  	[tilespmem:s15+$0xFFFFFFA0] =	vst v18;
	v8 =	vld.idx.msk [tilespmem:v1+s28+$0x0], $0xffff;
	v1 =	vmov v10  }
0x2be: {  	[tilespmem:s15+$0xFFFFFFB0] =	vst v19  }
0x2bf: {  	v10 =	vld.idx.msk [tilespmem:v6+s12+$0x0], $0xffff;
	[tilespmem:s13+$0xFFFFBD80] =	vst v26  }
0x2c0: {  	v12 =	vld.idx.msk [tilespmem:v7+s22+$0x0], $0xffff;
	[tilespmem:s15+$0xFFFFFFC0] =	vst v23  }
0x2c1: {  	v13 =	vld.idx.msk [tilespmem:v5+s12+$0x0], $0xffff;
	[tilespmem:s15+$0xFFFFFFD0] =	vst v9  }
0x2c2: {  	v9 =	vld.idx.msk [tilespmem:v4+s12+$0x0], $0xffff;
	[tilespmem:s15+$0xFFFFFFE0] =	vst v11  }
0x2c3: {  	v11 =	vld.idx.msk [tilespmem:v3+s12+$0x0], $0xffff;
	[tilespmem:s15+$0xFFFFFFF0] =	vst v8;
	s15 =	smov.u32 s13  }
0x2c4: {  	v8 =	vld.idx.msk [tilespmem:v0+s12+$0x0], $0xffff  }
0x2c5: {  	[tilespmem:s13+$0xFFFFBC10] =	vst v10;
	v10 =	vld.idx.msk [tilespmem:v2+s12+$0x0], $0xffff  }
0x2c6: {  	v14 =	vld.idx.msk [tilespmem:v1+s12+$0x0], $0xffff;
	[tilespmem:s13+$0xFFFFBE00] =	vst v12  }
0x2c7: {  	[tilespmem:s13+$0xFFFFBC20] =	vst v13;
	v12 =	vld.idx.msk [tilespmem:v7+s24+$0x0], $0xffff  }
0x2c8: {  	v13 =	vld.idx.msk [tilespmem:v6+s18+$0x0], $0xffff;
	[tilespmem:s13+$0xFFFFBC30] =	vst v9  }
0x2c9: {  	v9 =	vld.idx.msk [tilespmem:v5+s18+$0x0], $0xffff;
	[tilespmem:s13+$0xFFFFBC40] =	vst v11  }
0x2ca: {  	v11 =	vld.idx.msk [tilespmem:v4+s18+$0x0], $0xffff;
	[tilespmem:s13+$0xFFFFBC50] =	vst v8  }
0x2cb: {  	v8 =	vld.idx.msk [tilespmem:v3+s18+$0x0], $0xffff;
	[tilespmem:s13+$0xFFFFBC60] =	vst v10  }
0x2cc: {  	v10 =	vld.idx.msk [tilespmem:v0+s18+$0x0], $0xffff;
	[tilespmem:s13+$0xFFFFBC70] =	vst v14  }
0x2cd: {  	v14 =	vld.idx.msk [tilespmem:v2+s18+$0x0], $0xffff;
	[tilespmem:s13+$0xFFFFBE80] =	vst v12  }
0x2ce: {  	[tilespmem:s13+$0xFFFFBC90] =	vst v13;
	v12 =	vld.idx.msk [tilespmem:v7+s26+$0x0], $0xffff  }
0x2cf: {  	[tilespmem:s13+$0xFFFFBCA0] =	vst v9;
	v9 =	vld.idx.msk [tilespmem:v1+s18+$0x0], $0xffff  }
0x2d0: {  	v13 =	vld.idx.msk [tilespmem:v6+s20+$0x0], $0xffff;
	[tilespmem:s13+$0xFFFFBCB0] =	vst v11  }
0x2d1: {  	v11 =	vld.idx.msk [tilespmem:v5+s20+$0x0], $0xffff;
	[tilespmem:s13+$0xFFFFBCC0] =	vst v8  }
0x2d2: {  	v8 =	vld.idx.msk [tilespmem:v4+s20+$0x0], $0xffff;
	[tilespmem:s13+$0xFFFFBCD0] =	vst v10  }
0x2d3: {  	v10 =	vld.idx.msk [tilespmem:v3+s20+$0x0], $0xffff;
	[tilespmem:s13+$0xFFFFBCE0] =	vst v14  }
0x2d4: {  	v14 =	vld.idx.msk [tilespmem:v0+s20+$0x0], $0xffff;
	[tilespmem:s13+$0xFFFFBF00] =	vst v12  }
0x2d5: {  	[tilespmem:s13+$0xFFFFBCF0] =	vst v9;
	v9 =	vld.idx.msk [tilespmem:v7+s29+$0x0], $0xffff  }
0x2d6: {  	[tilespmem:s13+$0xFFFFBD10] =	vst v13;
	v12 =	vld.idx.msk [tilespmem:v2+s20+$0x0], $0xffff  }
0x2d7: {  	[tilespmem:s13+$0xFFFFBD20] =	vst v11;
	v11 =	vld.idx.msk [tilespmem:v1+s20+$0x0], $0xffff  }
0x2d8: {  	v13 =	vld.idx.msk [tilespmem:v6+s22+$0x0], $0xffff;
	[tilespmem:s13+$0xFFFFBD30] =	vst v8  }
0x2d9: {  	v8 =	vld.idx.msk [tilespmem:v5+s22+$0x0], $0xffff;
	[tilespmem:s13+$0xFFFFBD40] =	vst v10  }
0x2da: {  	v10 =	vld.idx.msk [tilespmem:v4+s22+$0x0], $0xffff;
	[tilespmem:s13+$0xFFFFBD50] =	vst v14  }
0x2db: {  	v14 =	vld.idx.msk [tilespmem:v3+s22+$0x0], $0xffff;
	[tilespmem:s13+$0xFFFFBF80] =	vst v9  }
0x2dc: {  	[tilespmem:s13+$0xFFFFBD60] =	vst v12;
	v9 =	vld.idx.msk [tilespmem:v7+s11+$0x0], $0xffff  }
0x2dd: {  	v12 =	vld.idx.msk [tilespmem:v0+s22+$0x0], $0xffff;
	[tilespmem:s13+$0xFFFFBD70] =	vst v11  }
0x2de: {  	[tilespmem:s13+$0xFFFFBD90] =	vst v13;
	v11 =	vld.idx.msk [tilespmem:v2+s22+$0x0], $0xffff  }
0x2df: {  	[tilespmem:s13+$0xFFFFBDA0] =	vst v8;
	v8 =	vld.idx.msk [tilespmem:v1+s22+$0x0], $0xffff  }
0x2e0: {  	v13 =	vld.idx.msk [tilespmem:v6+s24+$0x0], $0xffff;
	[tilespmem:s13+$0xFFFFBDB0] =	vst v10  }
0x2e1: {  	v10 =	vld.idx.msk [tilespmem:v5+s24+$0x0], $0xffff;
	[tilespmem:s13+$0xFFFFBDC0] =	vst v14  }
0x2e2: {  	v14 =	vld.idx.msk [tilespmem:v4+s24+$0x0], $0xffff;
	[tilespmem:s13+$0xFFFFC000] =	vst v9  }
0x2e3: {  	[tilespmem:s13+$0xFFFFBDD0] =	vst v12;
	v9 =	vld.idx.msk [tilespmem:v7+s8+$0x0], $0xffff  }
0x2e4: {  	v12 =	vld.idx.msk [tilespmem:v3+s24+$0x0], $0xffff;
	[tilespmem:s13+$0xFFFFBDE0] =	vst v11  }
0x2e5: {  	v11 =	vld.idx.msk [tilespmem:v0+s24+$0x0], $0xffff;
	[tilespmem:s13+$0xFFFFBDF0] =	vst v8  }
0x2e6: {  	[tilespmem:s13+$0xFFFFBE10] =	vst v13;
	v8 =	vld.idx.msk [tilespmem:v2+s24+$0x0], $0xffff  }
0x2e7: {  	[tilespmem:s13+$0xFFFFBE20] =	vst v10;
	v10 =	vld.idx.msk [tilespmem:v1+s24+$0x0], $0xffff  }
0x2e8: {  	v13 =	vld.idx.msk [tilespmem:v6+s26+$0x0], $0xffff;
	[tilespmem:s13+$0xFFFFBE30] =	vst v14  }
0x2e9: {  	v14 =	vld.idx.msk [tilespmem:v5+s26+$0x0], $0xffff;
	[tilespmem:s13+$0xFFFFFC80] =	vst v9  }
0x2ea: {  	[tilespmem:s13+$0xFFFFBE40] =	vst v12;
	v9 =	vld.idx.msk [tilespmem:v7+s9+$0x0], $0xffff  }
0x2eb: {  	v12 =	vld.idx.msk [tilespmem:v4+s26+$0x0], $0xffff;
	[tilespmem:s13+$0xFFFFBE50] =	vst v11  }
0x2ec: {  	v11 =	vld.idx.msk [tilespmem:v3+s26+$0x0], $0xffff;
	[tilespmem:s13+$0xFFFFBE60] =	vst v8  }
0x2ed: {  	v8 =	vld.idx.msk [tilespmem:v0+s26+$0x0], $0xffff;
	[tilespmem:s13+$0xFFFFBE70] =	vst v10  }
0x2ee: {  	[tilespmem:s13+$0xFFFFBE90] =	vst v13;
	v10 =	vld.idx.msk [tilespmem:v2+s26+$0x0], $0xffff  }
0x2ef: {  	[tilespmem:s13+$0xFFFFBEA0] =	vst v14;
	v13 =	vld.idx.msk [tilespmem:v1+s26+$0x0], $0xffff  }
0x2f0: {  	v14 =	vld.idx.msk [tilespmem:v6+s29+$0x0], $0xffff;
	[tilespmem:s13+$0xFFFFFD00] =	vst v9  }
0x2f1: {  	[tilespmem:s13+$0xFFFFBEB0] =	vst v12;
	v9 =	vld.idx.msk [tilespmem:v7+s17+$0x0], $0xffff  }
0x2f2: {  	v12 =	vld.idx.msk [tilespmem:v5+s29+$0x0], $0xffff;
	[tilespmem:s13+$0xFFFFBEC0] =	vst v11  }
0x2f3: {  	v11 =	vld.idx.msk [tilespmem:v4+s29+$0x0], $0xffff;
	[tilespmem:s13+$0xFFFFBED0] =	vst v8  }
0x2f4: {  	v8 =	vld.idx.msk [tilespmem:v3+s29+$0x0], $0xffff;
	[tilespmem:s13+$0xFFFFBEE0] =	vst v10  }
0x2f5: {  	v10 =	vld.idx.msk [tilespmem:v0+s29+$0x0], $0xffff;
	[tilespmem:s13+$0xFFFFBEF0] =	vst v13  }
0x2f6: {  	[tilespmem:s13+$0xFFFFBF10] =	vst v14;
	v13 =	vld.idx.msk [tilespmem:v2+s29+$0x0], $0xffff  }
0x2f7: {  	v14 =	vld.idx.msk [tilespmem:v1+s29+$0x0], $0xffff;
	[tilespmem:s13+$0xFFFFFD80] =	vst v9  }
0x2f8: {  	[tilespmem:s13+$0xFFFFBF20] =	vst v12;
	v9 =	vld.idx.msk [tilespmem:v7+s19+$0x0], $0xffff  }
0x2f9: {  	v12 =	vld.idx.msk [tilespmem:v6+s11+$0x0], $0xffff;
	[tilespmem:s13+$0xFFFFBF30] =	vst v11  }
0x2fa: {  	v11 =	vld.idx.msk [tilespmem:v5+s11+$0x0], $0xffff;
	[tilespmem:s13+$0xFFFFBF40] =	vst v8  }
0x2fb: {  	v8 =	vld.idx.msk [tilespmem:v4+s11+$0x0], $0xffff;
	[tilespmem:s13+$0xFFFFBF50] =	vst v10  }
0x2fc: {  	v10 =	vld.idx.msk [tilespmem:v3+s11+$0x0], $0xffff;
	[tilespmem:s13+$0xFFFFBF60] =	vst v13  }
0x2fd: {  	v13 =	vld.idx.msk [tilespmem:v0+s11+$0x0], $0xffff;
	[tilespmem:s13+$0xFFFFBF70] =	vst v14  }
0x2fe: {  	v14 =	vld.idx.msk [tilespmem:v2+s11+$0x0], $0xffff;
	[tilespmem:s13+$0xFFFFFE00] =	vst v9  }
0x2ff: {  	[tilespmem:s13+$0xFFFFBF90] =	vst v12;
	v9 =	vld.idx.msk [tilespmem:v7+s21+$0x0], $0xffff  }
0x300: {  	[tilespmem:s13+$0xFFFFBFA0] =	vst v11;
	v11 =	vld.idx.msk [tilespmem:v1+s11+$0x0], $0xffff  }
0x301: {  	v12 =	vld.idx.msk [tilespmem:v6+s8+$0x0], $0xffff;
	[tilespmem:s13+$0xFFFFBFB0] =	vst v8  }
0x302: {  	v8 =	vld.idx.msk [tilespmem:v5+s8+$0x0], $0xffff;
	[tilespmem:s13+$0xFFFFBFC0] =	vst v10  }
0x303: {  	v10 =	vld.idx.msk [tilespmem:v4+s8+$0x0], $0xffff;
	[tilespmem:s13+$0xFFFFBFD0] =	vst v13  }
0x304: {  	v13 =	vld.idx.msk [tilespmem:v3+s8+$0x0], $0xffff;
	[tilespmem:s13+$0xFFFFBFE0] =	vst v14  }
0x305: {  	v14 =	vld.idx.msk [tilespmem:v0+s8+$0x0], $0xffff;
	[tilespmem:s13+$0xFFFFFE80] =	vst v9  }
0x306: {  	[tilespmem:s13+$0xFFFFBFF0] =	vst v11;
	v9 =	vld.idx.msk [tilespmem:v7+s23+$0x0], $0xffff  }
0x307: {  	[tilespmem:s13+$0xFFFFFC10] =	vst v12;
	v11 =	vld.idx.msk [tilespmem:v2+s8+$0x0], $0xffff  }
0x308: {  	[tilespmem:s13+$0xFFFFFC20] =	vst v8;
	v8 =	vld.idx.msk [tilespmem:v1+s8+$0x0], $0xffff  }
0x309: {  	v12 =	vld.idx.msk [tilespmem:v6+s9+$0x0], $0xffff;
	[tilespmem:s13+$0xFFFFFC30] =	vst v10  }
0x30a: {  	v10 =	vld.idx.msk [tilespmem:v5+s9+$0x0], $0xffff;
	[tilespmem:s13+$0xFFFFFC40] =	vst v13  }
0x30b: {  	v13 =	vld.idx.msk [tilespmem:v4+s9+$0x0], $0xffff;
	[tilespmem:s13+$0xFFFFFC50] =	vst v14  }
0x30c: {  	v14 =	vld.idx.msk [tilespmem:v3+s9+$0x0], $0xffff;
	[tilespmem:s13+$0xFFFFFF00] =	vst v9  }
0x30d: {  	[tilespmem:s13+$0xFFFFFC60] =	vst v11;
	v9 =	vld.idx.msk [tilespmem:v7+s25+$0x0], $0xffff  }
0x30e: {  	v11 =	vld.idx.msk [tilespmem:v0+s9+$0x0], $0xffff;
	[tilespmem:s13+$0xFFFFFC70] =	vst v8  }
0x30f: {  	[tilespmem:s13+$0xFFFFFC90] =	vst v12;
	v8 =	vld.idx.msk [tilespmem:v2+s9+$0x0], $0xffff  }
0x310: {  	[tilespmem:s13+$0xFFFFFCA0] =	vst v10;
	v10 =	vld.idx.msk [tilespmem:v1+s9+$0x0], $0xffff  }
0x311: {  	v12 =	vld.idx.msk [tilespmem:v6+s17+$0x0], $0xffff;
	[tilespmem:s13+$0xFFFFFCB0] =	vst v13  }
0x312: {  	v13 =	vld.idx.msk [tilespmem:v5+s17+$0x0], $0xffff;
	[tilespmem:s13+$0xFFFFFCC0] =	vst v14  }
0x313: {  	v14 =	vld.idx.msk [tilespmem:v4+s17+$0x0], $0xffff;
	[tilespmem:s13+$0xFFFFFF80] =	vst v9  }
0x314: {  	[tilespmem:s13+$0xFFFFFCD0] =	vst v11;
	v9 =	vld.idx.msk [tilespmem:v7+s28+$0x0], $0xffff  }
0x315: {  	v11 =	vld.idx.msk [tilespmem:v3+s17+$0x0], $0xffff;
	[tilespmem:s13+$0xFFFFFCE0] =	vst v8  }
0x316: {  	v15 =	vld.idx.msk [tilespmem:v0+s17+$0x0], $0xffff;
	[tilespmem:s13+$0xFFFFFCF0] =	vst v10  }
0x317: {  	[tilespmem:s13+$0xFFFFFD10] =	vst v12;
	v12 =	vld.idx.msk [tilespmem:v2+s17+$0x0], $0xffff  }
0x318: {  	[tilespmem:s13+$0xFFFFFD20] =	vst v13;
	v13 =	vld.idx.msk [tilespmem:v1+s17+$0x0], $0xffff  }
0x319: {  	v7 =	vld.idx.msk [tilespmem:v6+s19+$0x0], $0xffff;
	[tilespmem:s13+$0xFFFFFD30] =	vst v14  }
.Ltmp4:
0x31a: {  	v8 =	vld.idx.msk [tilespmem:v5+s19+$0x0], $0xffff;
	[tilespmem:s13+$0x0] =	vst v9;
	(pc) =	sbr.rel @p0 .LBB2_7-.Ltmp4, $4  }
0x31b: {  	v9 =	vld.idx.msk [tilespmem:v4+s19+$0x0], $0xffff;
	[tilespmem:s13+$0xFFFFFD40] =	vst v11  }
0x31c: {  	v10 =	vld.idx.msk [tilespmem:v3+s19+$0x0], $0xffff;
	[tilespmem:s13+$0xFFFFFD50] =	vst v15  }
0x31d: {  	v14 =	vld.idx.msk [tilespmem:v0+s19+$0x0], $0xffff;
	[tilespmem:s13+$0xFFFFFD60] =	vst v12  }
0x31e: {  	s14 =	sadd.s32 $0x100, s14;
	v15 =	vld.idx.msk [tilespmem:v2+s19+$0x0], $0xffff;
	[tilespmem:s13+$0xFFFFFD70] =	vst v13  }
0x31f: {  	_ =	sdelay $0x2  }
0x320: {  	[tilespmem:s13+$0xFFFFFD90] =	vst v7  }
0x321: {  	[tilespmem:s13+$0xFFFFFDA0] =	vst v8;
	v37 =	vld.idx.msk [tilespmem:v1+s19+$0x0], $0xffff  }
0x322: {  	[tilespmem:s13+$0xFFFFFDB0] =	vst v9;
	v38 =	vld.idx.msk [tilespmem:v6+s21+$0x0], $0xffff  }
0x323: {  	v39 =	vld.idx.msk [tilespmem:v5+s21+$0x0], $0xffff;
	[tilespmem:s13+$0xFFFFFDC0] =	vst v10  }
0x324: {  	v40 =	vld.idx.msk [tilespmem:v4+s21+$0x0], $0xffff;
	[tilespmem:s13+$0xFFFFFDD0] =	vst v14  }
0x325: {  	v11 =	vld.idx.msk [tilespmem:v3+s21+$0x0], $0xffff;
	[tilespmem:s13+$0xFFFFFDE0] =	vst v15  }
0x326: {  	v12 =	vld.idx.msk [tilespmem:v0+s21+$0x0], $0xffff;
	[tilespmem:s13+$0xFFFFFDF0] =	vst v37  }
0x327: {  	v41 =	vld.idx.msk [tilespmem:v2+s21+$0x0], $0xffff;
	[tilespmem:s13+$0xFFFFFE10] =	vst v38  }
0x328: {  	v42 =	vld.idx.msk [tilespmem:v1+s21+$0x0], $0xffff;
	[tilespmem:s13+$0xFFFFFE20] =	vst v39  }
0x329: {  	v43 =	vld.idx.msk [tilespmem:v6+s23+$0x0], $0xffff;
	[tilespmem:s13+$0xFFFFFE30] =	vst v40  }
0x32a: {  	v44 =	vld.idx.msk [tilespmem:v5+s23+$0x0], $0xffff;
	[tilespmem:s13+$0xFFFFFE40] =	vst v11  }
0x32b: {  	v45 =	vld.idx.msk [tilespmem:v4+s23+$0x0], $0xffff;
	[tilespmem:s13+$0xFFFFFE50] =	vst v12  }
0x32c: {  	v46 =	vld.idx.msk [tilespmem:v3+s23+$0x0], $0xffff;
	[tilespmem:s13+$0xFFFFFE60] =	vst v41  }
0x32d: {  	v47 =	vld.idx.msk [tilespmem:v0+s23+$0x0], $0xffff;
	[tilespmem:s13+$0xFFFFFE70] =	vst v42  }
0x32e: {  	v48 =	vld.idx.msk [tilespmem:v2+s23+$0x0], $0xffff;
	[tilespmem:s13+$0xFFFFFE90] =	vst v43  }
0x32f: {  	v49 =	vld.idx.msk [tilespmem:v1+s23+$0x0], $0xffff;
	[tilespmem:s13+$0xFFFFFEA0] =	vst v44  }
0x330: {  	v50 =	vld.idx.msk [tilespmem:v6+s25+$0x0], $0xffff;
	[tilespmem:s13+$0xFFFFFEB0] =	vst v45  }
0x331: {  	v51 =	vld.idx.msk [tilespmem:v5+s25+$0x0], $0xffff;
	[tilespmem:s13+$0xFFFFFEC0] =	vst v46  }
0x332: {  	v52 =	vld.idx.msk [tilespmem:v4+s25+$0x0], $0xffff;
	[tilespmem:s13+$0xFFFFFED0] =	vst v47  }
0x333: {  	v53 =	vld.idx.msk [tilespmem:v3+s25+$0x0], $0xffff;
	[tilespmem:s13+$0xFFFFFEE0] =	vst v48  }
0x334: {  	v54 =	vld.idx.msk [tilespmem:v0+s25+$0x0], $0xffff;
	[tilespmem:s13+$0xFFFFFEF0] =	vst v49  }
0x335: {  	v55 =	vld.idx.msk [tilespmem:v2+s25+$0x0], $0xffff;
	[tilespmem:s13+$0xFFFFFF10] =	vst v50  }
0x336: {  	[tilespmem:s15+$0xFFFFFF20] =	vst v51;
	v56 =	vld.idx.msk [tilespmem:v1+s25+$0x0], $0xffff  }
0x337: {  	v57 =	vld.idx.msk [tilespmem:v6+s28+$0x0], $0xffff;
	[tilespmem:s15+$0xFFFFFF30] =	vst v52  }
0x338: {  	v58 =	vld.idx.msk [tilespmem:v5+s28+$0x0], $0xffff;
	[tilespmem:s15+$0xFFFFFF40] =	vst v53  }
0x339: {  	v59 =	vld.idx.msk [tilespmem:v4+s28+$0x0], $0xffff;
	[tilespmem:s15+$0xFFFFFF50] =	vst v54  }
0x33a: {  	v60 =	vld.idx.msk [tilespmem:v3+s28+$0x0], $0xffff;
	[tilespmem:s15+$0xFFFFFF60] =	vst v55  }
0x33b: {  	v61 =	vld.idx.msk [tilespmem:v0+s28+$0x0], $0xffff;
	[tilespmem:s15+$0xFFFFFF70] =	vst v56  }
0x33c: {  	v62 =	vld.idx.msk [tilespmem:v2+s28+$0x0], $0xffff;
	[tilespmem:s15+$0xFFFFFF90] =	vst v57  }
0x33d: {  	[tilespmem:s15+$0xFFFFFFA0] =	vst v58;
	v63 =	vld.idx.msk [tilespmem:v1+s28+$0x0], $0xffff  }
0x33e: {  	[tilespmem:s15+$0xFFFFFFB0] =	vst v59  }
0x33f: {  	[tilespmem:s15+$0xFFFFFFC0] =	vst v60  }
0x340: {  	[tilespmem:s15+$0xFFFFFFD0] =	vst v61  }
0x341: {  	s1 =	sadd.s32 s5, s4;
	[tilespmem:s15+$0xFFFFFFE0] =	vst v62  }
0x342: {  	s4 =	simm.s32 $0x0;
	p0 =	por $0x1, $0x1;
	s2 =	sadd.s32 s2, s1;
	[tilespmem:s15+$0xFFFFFFF0] =	vst v63  }
.LBB2_9:
0x343: {  	s1 =	sshll.u32 s4, $0xE  }
0x344: {  	s14 =	sshll.u32 s4, $0x16;
	s1 =	sand.u32 $0x3FFFC000, s1  }
0x345: {  	s4 =	sadd.s32 s14, s2;
	s10 =	sadd.s32 $0x9880, s1  }
0x346: {  	[hbm4b:s4+s12] =	stream.strided.scatter [tilespmem:s10], [sflag:$0x4], $0x400, s30, s12, $0x38;
	[tilespmem:$0x11880] =	vst v63  }
0x347: {  	s15 =	sadd.s32 $0x9C80, s1;
	s13 =	sadd.s32 $0x80, s4  }
0x348: {  	[hbm4b:s13+s12] =	stream.strided.scatter [tilespmem:s15], [sflag:$0x4], $0x400, s30, s12, $0x38;
	[tilespmem:$0x11880] =	vst v63  }
0x349: {  	s14 =	sadd.s32 $0xA080, s1;
	s15 =	sadd.s32 $0x100, s4  }
0x34a: {  	[hbm4b:s15+s12] =	stream.strided.scatter [tilespmem:s14], [sflag:$0x4], $0x400, s30, s12, $0x38;
	[tilespmem:$0x11880] =	vst v63  }
0x34b: {  	s14 =	sadd.s32 $0xA480, s1;
	s15 =	sadd.s32 $0x180, s4  }
0x34c: {  	[hbm4b:s15+s12] =	stream.strided.scatter [tilespmem:s14], [sflag:$0x4], $0x400, s30, s12, $0x38;
	[tilespmem:$0x11880] =	vst v63  }
0x34d: {  	s14 =	sadd.s32 $0xA880, s1;
	s15 =	sadd.s32 $0x200, s4  }
0x34e: {  	[hbm4b:s15+s12] =	stream.strided.scatter [tilespmem:s14], [sflag:$0x4], $0x400, s30, s12, $0x38;
	[tilespmem:$0x11880] =	vst v63  }
0x34f: {  	s14 =	sadd.s32 $0xAC80, s1;
	s15 =	sadd.s32 $0x280, s4  }
0x350: {  	[hbm4b:s15+s12] =	stream.strided.scatter [tilespmem:s14], [sflag:$0x4], $0x400, s30, s12, $0x38;
	[tilespmem:$0x11880] =	vst v63  }
0x351: {  	s14 =	sadd.s32 $0xB080, s1;
	s15 =	sadd.s32 $0x300, s4  }
0x352: {  	[hbm4b:s15+s12] =	stream.strided.scatter [tilespmem:s14], [sflag:$0x4], $0x400, s30, s12, $0x38;
	[tilespmem:$0x11880] =	vst v63  }
0x353: {  	s14 =	sadd.s32 $0xB480, s1;
	s15 =	sadd.s32 $0x380, s4  }
0x354: {  	[hbm4b:s15+s12] =	stream.strided.scatter [tilespmem:s14], [sflag:$0x4], $0x400, s30, s12, $0x38;
	[tilespmem:$0x11880] =	vst v63  }
0x355: {  	s14 =	sadd.s32 $0xB880, s1;
	s15 =	sadd.s32 $0x400, s4  }
0x356: {  	[hbm4b:s15+s12] =	stream.strided.scatter [tilespmem:s14], [sflag:$0x4], $0x400, s30, s12, $0x38;
	[tilespmem:$0x11880] =	vst v63  }
0x357: {  	s14 =	sadd.s32 $0xBC80, s1;
	s15 =	sadd.s32 $0x480, s4  }
0x358: {  	[hbm4b:s15+s12] =	stream.strided.scatter [tilespmem:s14], [sflag:$0x4], $0x400, s30, s12, $0x38;
	[tilespmem:$0x11880] =	vst v63  }
0x359: {  	s14 =	sadd.s32 $0xC080, s1;
	s15 =	sadd.s32 $0x500, s4  }
0x35a: {  	[hbm4b:s15+s12] =	stream.strided.scatter [tilespmem:s14], [sflag:$0x4], $0x400, s30, s12, $0x38;
	[tilespmem:$0x11880] =	vst v63  }
0x35b: {  	s14 =	sadd.s32 $0xC480, s1;
	s15 =	sadd.s32 $0x580, s4  }
0x35c: {  	[hbm4b:s15+s12] =	stream.strided.scatter [tilespmem:s14], [sflag:$0x4], $0x400, s30, s12, $0x38;
	[tilespmem:$0x11880] =	vst v63  }
0x35d: {  	s14 =	sadd.s32 $0xC880, s1;
	s15 =	sadd.s32 $0x600, s4  }
0x35e: {  	[hbm4b:s15+s12] =	stream.strided.scatter [tilespmem:s14], [sflag:$0x4], $0x400, s30, s12, $0x38;
	[tilespmem:$0x11880] =	vst v63  }
0x35f: {  	p2 =	por p0, p0;
	s14 =	sadd.s32 $0xCC80, s1;
	s15 =	sadd.s32 $0x680, s4  }
0x360: {  	[hbm4b:s15+s12] =	stream.strided.scatter [tilespmem:s14], [sflag:$0x4], $0x400, s30, s12, $0x38;
	[tilespmem:$0x11880] =	vst v63  }
.Ltmp5:
0x361: {  	s14 =	sadd.s32 $0xD080, s1;
	s15 =	sadd.s32 $0x700, s4;
	(pc) =	sbr.rel @p2 .LBB2_9-.Ltmp5, $4  }
0x362: {  	[hbm4b:s15+s12] =	stream.strided.scatter [tilespmem:s14], [sflag:$0x4], $0x400, s30, s12, $0x38;
	[tilespmem:$0x11880] =	vst v63  }
0x363: {  	s1 =	sadd.s32 $0xD480, s1;
	s4 =	sadd.s32 $0x780, s4  }
0x364: {  	[hbm4b:s4+s12] =	stream.strided.scatter [tilespmem:s1], [sflag:$0x4], $0x400, s30, s12, $0x38;
	[tilespmem:$0x11880] =	vst v63  }
0x365: {  	p0 =	por $0x0, $0x0;
	s4 =	simm.s32 $0x1  }
.Ltmp6:
0x366: {  	(pc) =	sbr.rel @p1 .LBB2_12-.Ltmp6, $1  }
0x367: {  	_ =	sdelay $0x3  }
0x368: {  	s0 =	sadd.s32 $0x3, s0  }
0x369: {  	s1 =	sshll.u32 s0, $0x4  }
0x36a: {  	s2 =	rddreg [dreg:$0x0];
	s0 =	sshll.u32 s0, $0x8;
	s1 =	sand.u32 $0x70, s1  }
0x36b: {  	s0 =	sand.u32 $0xFFFF800, s0;
	s1 =	sadd.s32 s2, s1  }
0x36c: {  	s15 =	simm.s32 $0x900;
	s0 =	sadd.s32 s0, s1  }
0x36d: {  	[tilespmem:s15], [sflag:$0x2] =	stream.linear.gather [hbm4b:s0+s7], $0x80, $0x38;
	[tilespmem:$0x11880] =	vst v63  }
0x36e: {  	s4 =	simm.s32 $0xA00;
	s2 =	sadd.s32 $0x80, s0  }
0x36f: {  	[tilespmem:s4], [sflag:$0x2] =	stream.linear.gather [hbm4b:s2+s7], $0x80, $0x38;
	[tilespmem:$0x11880] =	vst v63  }
0x370: {  	s13 =	simm.s32 $0xB00;
	s10 =	sadd.s32 $0x100, s0  }
0x371: {  	[tilespmem:s13], [sflag:$0x2] =	stream.linear.gather [hbm4b:s10+s7], $0x80, $0x38;
	[tilespmem:$0x11880] =	vst v63  }
0x372: {  	s14 =	sadd.s32 $0x180, s0;
	s15 =	simm.s32 $0xC00  }
0x373: {  	[tilespmem:s15], [sflag:$0x2] =	stream.linear.gather [hbm4b:s14+s7], $0x80, $0x38;
	[tilespmem:$0x11880] =	vst v63  }
0x374: {  	s2 =	sadd.s32 $0x200, s0;
	s4 =	simm.s32 $0xD00  }
0x375: {  	[tilespmem:s4], [sflag:$0x2] =	stream.linear.gather [hbm4b:s2+s7], $0x80, $0x38;
	[tilespmem:$0x11880] =	vst v63  }
0x376: {  	s10 =	sadd.s32 $0x280, s0;
	s13 =	simm.s32 $0xE00  }
0x377: {  	[tilespmem:s13], [sflag:$0x2] =	stream.linear.gather [hbm4b:s10+s7], $0x80, $0x38;
	[tilespmem:$0x11880] =	vst v63  }
0x378: {  	s14 =	sadd.s32 $0x300, s0;
	s15 =	simm.s32 $0xF00  }
0x379: {  	[tilespmem:s15], [sflag:$0x2] =	stream.linear.gather [hbm4b:s14+s7], $0x80, $0x38;
	[tilespmem:$0x11880] =	vst v63  }
0x37a: {  	s2 =	sadd.s32 $0x380, s0;
	s4 =	simm.s32 $0x1000  }
0x37b: {  	[tilespmem:s4], [sflag:$0x2] =	stream.linear.gather [hbm4b:s2+s7], $0x80, $0x38;
	[tilespmem:$0x11880] =	vst v63  }
0x37c: {  	s10 =	sadd.s32 $0x400, s0;
	s13 =	simm.s32 $0x1100  }
0x37d: {  	[tilespmem:s13], [sflag:$0x2] =	stream.linear.gather [hbm4b:s10+s7], $0x80, $0x38;
	[tilespmem:$0x11880] =	vst v63  }
0x37e: {  	s14 =	sadd.s32 $0x480, s0;
	s15 =	simm.s32 $0x1200  }
0x37f: {  	[tilespmem:s15], [sflag:$0x2] =	stream.linear.gather [hbm4b:s14+s7], $0x80, $0x38;
	[tilespmem:$0x11880] =	vst v63  }
0x380: {  	s2 =	sadd.s32 $0x500, s0;
	s4 =	simm.s32 $0x1300  }
0x381: {  	[tilespmem:s4], [sflag:$0x2] =	stream.linear.gather [hbm4b:s2+s7], $0x80, $0x38;
	[tilespmem:$0x11880] =	vst v63  }
0x382: {  	s10 =	sadd.s32 $0x580, s0;
	s13 =	simm.s32 $0x1400  }
0x383: {  	[tilespmem:s13], [sflag:$0x2] =	stream.linear.gather [hbm4b:s10+s7], $0x80, $0x38;
	[tilespmem:$0x11880] =	vst v63  }
0x384: {  	s14 =	sadd.s32 $0x600, s0;
	s15 =	simm.s32 $0x1500  }
0x385: {  	[tilespmem:s15], [sflag:$0x2] =	stream.linear.gather [hbm4b:s14+s7], $0x80, $0x38;
	[tilespmem:$0x11880] =	vst v63  }
0x386: {  	s4 =	sadd.s32 $0x680, s0;
	s10 =	simm.s32 $0x1600  }
0x387: {  	[tilespmem:s10], [sflag:$0x2] =	stream.linear.gather [hbm4b:s4+s7], $0x80, $0x38;
	[tilespmem:$0x11880] =	vst v63  }
.Ltmp7:
0x388: {  	_ = 	snop;
	(pc) =	sbr.rel .LBB2_2-.Ltmp7, $4  }
0x389: {  	s13 =	sadd.s32 $0x700, s0;
	s14 =	simm.s32 $0x1700  }
0x38a: {  	[tilespmem:s14], [sflag:$0x2] =	stream.linear.gather [hbm4b:s13+s7], $0x80, $0x38;
	[tilespmem:$0x11880] =	vst v63  }
0x38b: {  	s3 =	sadd.s32 $0x1, s3;
	s0 =	sadd.s32 $0x780, s0;
	s15 =	simm.s32 $0x1800  }
0x38c: {  	[tilespmem:s15], [sflag:$0x2] =	stream.linear.gather [hbm4b:s0+s7], $0x80, $0x38;
	[tilespmem:$0x11880] =	vst v63  }
.LBB2_13:
0x38d: {  	_ =	sfence.sel $0x180000  }
0x38e: {  	[bflag:$0x0] =	sbarrier.arrive $0xFFFF  }
0x38f: {  	_ =	strace $0x90000047  }
0x390: {  	s0 =	stileid.u32;
	[bflag:$0x2] =	sbarrier.arrive $0xFFFF  }
0x391: {  	p0 =	sne.s32 s0, $0x0;
	s0 =	rddreg [dreg:$0x4]  }
0x392: {  	s0 =	sadd.s32 @!p0 $0x100000, s0  }
0x393: {  	[sflag:s0] =	ssyncadd.tile.s32 @!p0 $0x1;
	_ =	shalt  }
.Lfunc_end2:
_tile_overlayer_lowered:
.L_overlay_start_2:
0x394: {  	(tag) =	ssettag $0x2  }
0x395: {  	s0 =	rddreg [dreg:$0x0];
	s2 =	stileid.u32  }
0x396: {  	s1 =	rddreg [dreg:$0x1];
	p0 =	sne.s32 s2, $0x0  }
0x397: {  	s3 =	rddreg [dreg:$0x2];
	[bflag:$0x3] =	sbarrier.arrive $0xFFFF;
	s2 =	simm.s32 @!p0 $0x1C05  }
0x398: {  	[timem:s3], [sflag:s2] =	dma.local @!p0 [hbm:s0], s1  }
0x399: {  	s0 =	simm.s32 @!p0 $0x5  }
0x39a: {  	_ =	swait.ge @!p0 [sflag:s0], s1  }
0x39b: {  	s1 =	ssub.s32 @!p0 $0x0, s1;
	[sflag:s0] =	ssyncset.done @!p0 $0x0  }
0x39c: {  	[sflag:s0] =	ssyncadd.s32 @!p0 s1  }
0x39d: {  	[bflag:$0x3] =	sbarrier.arrive $0xFFFF  }
0x39e: {  	_ =	shalt  }

</sc_bundles>
